<compile_context>
chip_gen: v7x
topology: tpu7x:2x2x1
jax: 0.10.2.dev20260603
libtpu: 0.0.44.dev20260713+nightly
codegen_flags: <defaults>
</compile_context>

<pallas_src>
import functools

import jax
import jax.numpy as jnp
from jax import lax
from jax.experimental import pallas as pl
from jax.experimental.pallas import tpu as pltpu
from jax.experimental.pallas import tpu_sc as plsc

B = 4
NP = 4096
C_IN = 256
C_OUT = 512
NSAMPLE = 16
N_PER = 1024
C_ALL = 3 + C_IN

_NC = 2
_NS = 16
_NW = _NC * _NS
_QPW = (B * N_PER) // _NW
_QB = 16
_CCH = C_OUT // 16


def _mm_body(a_ref, w_ref, o_ref):
    o_ref[...] = jnp.dot(a_ref[...], w_ref[...],
                         preferred_element_type=jnp.float32,
                         precision=lax.Precision.HIGHEST)


def _matmul(a, w):
    m = a.shape[0]
    tm = 512
    return pl.pallas_call(
        _mm_body,
        grid=(m // tm,),
        in_specs=[
            pl.BlockSpec((tm, C_ALL), lambda i: (i, 0)),
            pl.BlockSpec((C_ALL, C_OUT), lambda i: (0, 0)),
        ],
        out_specs=pl.BlockSpec((tm, C_OUT), lambda i: (i, 0)),
        out_shape=jax.ShapeDtypeStruct((m, C_OUT), jnp.float32),
    )(a, w)


_QT = 256


def _knn_body(q_ref, pt_ref, o_ref):
    b = pl.program_id(0)
    q = q_ref[0]
    pt = pt_ref[0]
    d0 = q[:, 0:1] - pt[0:1, :]
    d1 = q[:, 1:2] - pt[1:2, :]
    d2 = q[:, 2:3] - pt[2:3, :]
    d = d0 * d0 + d1 * d1 + d2 * d2
    iota = lax.broadcasted_iota(jnp.int32, (_QT, NP), 1)
    base = b * NP
    outs = []
    for _ in range(NSAMPLE):
        m = jnp.min(d, axis=1, keepdims=True)
        im = jnp.min(jnp.where(d <= m, iota, jnp.int32(NP)), axis=1)
        outs.append(im + base)
        d = jnp.where(iota == im[:, None], jnp.float32(3.0e38), d)
    o_ref[0] = jnp.stack(outs, axis=-1)


def _knn(qp, pt):
    return pl.pallas_call(
        _knn_body,
        grid=(B, N_PER // _QT),
        in_specs=[
            pl.BlockSpec((1, _QT, 3), lambda b, t: (b, t, 0)),
            pl.BlockSpec((1, 3, NP), lambda b, t: (b, 0, 0)),
        ],
        out_specs=pl.BlockSpec((1, _QT, NSAMPLE), lambda b, t: (b, t, 0)),
        out_shape=jax.ShapeDtypeStruct((B, N_PER, NSAMPLE), jnp.int32),
    )(qp, pt)


_GQ = 4
_GR = _GQ * NSAMPLE
_NT = _QPW // _GQ
_TPB = _QB // _GQ


def _sc_body(zu_hbm, knn_hbm, gmax_hbm, gsum_hbm, gsq_hbm,
             idx_v, rows0_v, rows1_v, mx_v, sm_v, sq_v, sem0, sem1):
    wid = lax.axis_index("s") * _NC + lax.axis_index("c")
    qbase = wid * _QPW
    pltpu.sync_copy(knn_hbm.at[wid], idx_v)

    bufs = (rows0_v, rows1_v)
    sems = (sem0, sem1)
    pltpu.async_copy(zu_hbm.at[idx_v.at[0]], rows0_v, sem0)
    pltpu.async_copy(zu_hbm.at[idx_v.at[1]], rows1_v, sem1)

    def pair_body(g, _):
        for b in range(2):
            rows_v, sem = bufs[b], sems[b]
            t = 2 * g + b
            pltpu.make_async_copy(zu_hbm.at[idx_v.at[t]], rows_v, sem).wait()
            srow0 = lax.rem(t, _TPB) * _GQ

            def chunk_body(cc, _):
                c0 = cc * 16
                for qq in range(_GQ):
                    r = rows_v[qq * NSAMPLE, pl.ds(c0, 16)]
                    mx = r
                    sm = r
                    sq = r * r
                    for s in range(1, NSAMPLE):
                        r = rows_v[qq * NSAMPLE + s, pl.ds(c0, 16)]
                        mx = jnp.maximum(mx, r)
                        sm = sm + r
                        sq = sq + r * r
                    mx_v[srow0 + qq, pl.ds(c0, 16)] = mx
                    sm_v[srow0 + qq, pl.ds(c0, 16)] = sm
                    sq_v[srow0 + qq, pl.ds(c0, 16)] = sq
                return 0

            lax.fori_loop(0, _CCH, chunk_body, 0)

            @pl.when(lax.rem(t, _TPB) == _TPB - 1)
            def _flush():
                row0 = qbase + lax.div(t, _TPB) * _QB
                pltpu.sync_copy(mx_v, gmax_hbm.at[pl.ds(row0, _QB)])
                pltpu.sync_copy(sm_v, gsum_hbm.at[pl.ds(row0, _QB)])
                pltpu.sync_copy(sq_v, gsq_hbm.at[pl.ds(row0, _QB)])

            @pl.when(t + 2 < _NT)
            def _prefetch():
                pltpu.async_copy(zu_hbm.at[idx_v.at[t + 2]], rows_v, sem)

        return 0

    lax.fori_loop(0, _NT // 2, pair_body, 0)


def _sc_gather_reduce(zu, knn):
    n = B * N_PER
    shp = jax.ShapeDtypeStruct((n, C_OUT), jnp.float32)
    mesh = plsc.VectorSubcoreMesh(core_axis_name="c", subcore_axis_name="s")
    fn = functools.partial(
        pl.kernel,
        mesh=mesh,
        out_type=[shp, shp, shp],
        scratch_types=[
            pltpu.VMEM((_NT, _GR), jnp.int32),
            pltpu.VMEM((_GR, C_OUT), jnp.float32),
            pltpu.VMEM((_GR, C_OUT), jnp.float32),
            pltpu.VMEM((_QB, C_OUT), jnp.float32),
            pltpu.VMEM((_QB, C_OUT), jnp.float32),
            pltpu.VMEM((_QB, C_OUT), jnp.float32),
            pltpu.SemaphoreType.DMA,
            pltpu.SemaphoreType.DMA,
        ],
    )(_sc_body)
    return fn(zu, knn.reshape(_NW, _NT, _GR))


def _bn_body(gmax_ref, gsum_ref, gsq_ref, v_ref, g_ref, b_ref, o_ref):
    v = v_ref[...]
    gs = gsum_ref[...]
    total = jnp.float32(B * N_PER * NSAMPLE)
    sv = jnp.sum(v, axis=0, keepdims=True)
    ssum = jnp.sum(gs, axis=0, keepdims=True)
    ssq = jnp.sum(gsq_ref[...], axis=0, keepdims=True)
    scross = jnp.sum(v * gs, axis=0, keepdims=True)
    sv2 = jnp.sum(v * v, axis=0, keepdims=True)
    mean = (ssum - jnp.float32(NSAMPLE) * sv) / total
    esq = (ssq - 2.0 * scross + jnp.float32(NSAMPLE) * sv2) / total
    var = esq - mean * mean
    scale = g_ref[...] * lax.rsqrt(var + 1e-5)
    shift = b_ref[...] - mean * scale
    o_ref[...] = jnp.maximum((gmax_ref[...] - v) * scale + shift, 0.0)


def _bn_finalize(gmax, gsum, gsq, v, gamma, beta):
    n = B * N_PER
    return pl.pallas_call(
        _bn_body,
        out_shape=jax.ShapeDtypeStruct((n, C_OUT), jnp.float32),
    )(gmax, gsum, gsq, v, gamma.reshape(1, C_OUT), beta.reshape(1, C_OUT))


def kernel(p, x, o, idx, n_o, W, bn_weight, bn_bias):
    n = B * N_PER
    n_p = jnp.take(p, idx, axis=0)
    a_in = jnp.concatenate(
        [
            jnp.concatenate([p, x], axis=1),
            jnp.concatenate([n_p, jnp.zeros((n, C_IN), jnp.float32)], axis=1),
        ],
        axis=0,
    )
    zuv = _matmul(a_in, W)
    zu = zuv[: B * NP]
    v = zuv[B * NP:]

    knn = _knn(n_p.reshape(B, N_PER, 3),
               jnp.transpose(p.reshape(B, NP, 3), (0, 2, 1)))
    knn_flat = knn.reshape(n, NSAMPLE)

    gmax, gsum, gsq = _sc_gather_reduce(zu, knn_flat)
    x_out = _bn_finalize(gmax, gsum, gsq, v, bn_weight, bn_bias)
    return (n_p, x_out, n_o)

# --- scband reference (transcript-rebuilt; emitter-appended) ---
"""Pipeline reference for scband-transition-down-49194555408653 (READ-ONLY COPY).

The authoritative reference and input builder live on the scoring server;
editing this copy changes nothing except your own understanding.
"""

import jax, jax.numpy as jnp
import numpy as np

B = 4
NP = 4096
C_IN = 256
C_OUT = 512
NSAMPLE = 16
STRIDE = 4
N_PER = NP // STRIDE


def setup_inputs(seed: int = 0) -> dict:
    key = jax.random.key(seed)
    k1, k2, k3 = jax.random.split(key, 3)
    N = B * NP
    p = jax.random.uniform(k1, (N, 3), dtype=jnp.float32) * 2.0 - 1.0
    x = jax.random.normal(k2, (N, C_IN), dtype=jnp.float32)
    o = jnp.array([(b + 1) * NP for b in range(B)], dtype=jnp.int32)
    # farthest-point-sampling surrogate: per-batch strided indices (valid global indices per batch range)
    idx = jnp.concatenate([b * NP + jnp.arange(N_PER, dtype=jnp.int64) * STRIDE for b in range(B)])
    n_o = jnp.array([(b + 1) * N_PER for b in range(B)], dtype=jnp.int32)
    # nn.Linear(3 + in_planes, out_planes, bias=False) weight, stored as [in, out] for x @ W
    W = jax.random.normal(k3, (3 + C_IN, C_OUT), dtype=jnp.float32) * 0.05
    bn_weight = jnp.ones((C_OUT,), dtype=jnp.float32)
    bn_bias = jnp.zeros((C_OUT,), dtype=jnp.float32)
    return {"p": p, "x": x, "o": o, "idx": idx, "n_o": n_o, "W": W, "bn_weight": bn_weight, "bn_bias": bn_bias}


def _knn_query_and_group(p, x, idx):
    # batches are equal-sized so we can reshape instead of using offsets explicitly
    n_p = p[idx]  # [B*N_PER, 3]
    pb = p.reshape(B, NP, 3)
    xb = x.reshape(B, NP, C_IN)
    npb = n_p.reshape(B, N_PER, 3)
    # pairwise squared distances per batch: [B, N_PER, NP]
    d2 = jnp.sum((npb[:, :, None, :] - pb[:, None, :, :]) ** 2, axis=-1)
    _, knn_idx = jax.lax.top_k(-d2, NSAMPLE)  # [B, N_PER, NSAMPLE]
    gp = jax.vmap(lambda pts, ids: pts[ids])(pb, knn_idx)  # [B, N_PER, NSAMPLE, 3]
    gx = jax.vmap(lambda feats, ids: feats[ids])(xb, knn_idx)  # [B, N_PER, NSAMPLE, C_IN]
    rel = gp - npb[:, :, None, :]
    grouped = jnp.concatenate([rel, gx], axis=-1)  # with_xyz=True
    return n_p, grouped.reshape(B * N_PER, NSAMPLE, 3 + C_IN)


def reference(p, x, o, idx, n_o, W, bn_weight, bn_bias):
    n_p, grouped = _knn_query_and_group(p, x, idx)
    y = grouped @ W  # [n, NSAMPLE, C_OUT]
    y = jnp.transpose(y, (0, 2, 1))  # [n, C_OUT, NSAMPLE]
    # BatchNorm1d in training mode: batch stats over (N, L) per channel
    mean = jnp.mean(y, axis=(0, 2), keepdims=True)
    var = jnp.var(y, axis=(0, 2), keepdims=True)
    y = (y - mean) / jnp.sqrt(var + 1e-5)
    y = y * bn_weight[None, :, None] + bn_bias[None, :, None]
    y = jax.nn.relu(y)
    # MaxPool1d(nsample) over full window then squeeze
    x_out = jnp.max(y, axis=2)  # [n, C_OUT]
    return (n_p, x_out, n_o)

if __name__ == "__main__":
    import jax
    _d = setup_inputs()
    print(jax.jit(kernel)(*tuple(_d.values())))

</pallas_src>

<mosaic_0001>
#map = affine_map<(d0, d1) -> (0, 0)>
#map1 = affine_map<(d0, d1) -> (0, 0, 0)>
module attributes {stable_mosaic.version = 14 : i64} {
  func.func @_sc_body(%arg0: i32, %arg1: i32, %arg2: memref<16384x512xf32, #tpu.memory_space<hbm>>, %arg3: memref<32x32x64xi32, #tpu.memory_space<hbm>>, %arg4: memref<4096x512xf32, #tpu.memory_space<hbm>>, %arg5: memref<4096x512xf32, #tpu.memory_space<hbm>>, %arg6: memref<4096x512xf32, #tpu.memory_space<hbm>>, %arg7: memref<32x64xi32, #tpu.memory_space<vmem>>, %arg8: memref<64x512xf32, #tpu.memory_space<vmem>>, %arg9: memref<64x512xf32, #tpu.memory_space<vmem>>, %arg10: memref<16x512xf32, #tpu.memory_space<vmem>>, %arg11: memref<16x512xf32, #tpu.memory_space<vmem>>, %arg12: memref<16x512xf32, #tpu.memory_space<vmem>>, %arg13: memref<!tpu.dma_semaphore, #tpu.memory_space<semaphore_mem>>, %arg14: memref<!tpu.dma_semaphore, #tpu.memory_space<semaphore_mem>>) attributes {dimension_semantics = [#tpu.dimension_semantics<core_parallel>, #tpu.dimension_semantics<subcore_parallel>], iteration_bounds = array<i64: 2, 16>, scalar_prefetch = 0 : i64, scratch_operands = 8 : i64, tpu.core_type = #tpu.core_type<sc_vector_subcore>, window_params = [{transform_indices = #map}, {transform_indices = #map1}, {transform_indices = #map}, {transform_indices = #map}, {transform_indices = #map}]} {
    %mul3A = arith.constant 2 : i32
    %mul3A_0 = arith.muli %arg1, %mul3A : i32
    %add3A = arith.addi %mul3A_0, %arg0 : i32
    %mul3A_1 = arith.constant 128 : i32
    %mul3A_2 = arith.muli %add3A, %mul3A_1 : i32
    "tpu.region"() ({
      %run_scoped3A = tpu.sem_alloc : memref<!tpu.dma_semaphore, #tpu.memory_space<semaphore_mem>>
      %dma_start3A_22 = arith.constant 0 : i32
      %dma_start3A_23 = arith.constant 0 : i32
      %dma_start3A_24 = tpu.memref_slice %arg3[%add3A, %dma_start3A_22, %dma_start3A_23] : memref<32x32x64xi32, #tpu.memory_space<hbm>> -> memref<1x32x64xi32, #tpu.memory_space<hbm>>
      %dma_start3A_25 = tpu.memref_squeeze %dma_start3A_24 : memref<1x32x64xi32, #tpu.memory_space<hbm>> -> memref<32x64xi32, #tpu.memory_space<hbm>>
      %dma_start3A_26 = arith.constant 0 : i32
      %dma_start3A_27 = arith.constant 0 : i32
      %dma_start3A_28 = tpu.memref_slice %arg3[%add3A, %dma_start3A_26, %dma_start3A_27] : memref<32x32x64xi32, #tpu.memory_space<hbm>> -> memref<1x32x64xi32, #tpu.memory_space<hbm>>
      %dma_start3A_29 = tpu.memref_squeeze %dma_start3A_28 : memref<1x32x64xi32, #tpu.memory_space<hbm>> -> memref<32x64xi32, #tpu.memory_space<hbm>>
      tpu.enqueue_dma source(%dma_start3A_29 : memref<32x64xi32, #tpu.memory_space<hbm>>) target(%arg7 : memref<32x64xi32, #tpu.memory_space<vmem>>) target_semaphore(%run_scoped3A : memref<!tpu.dma_semaphore, #tpu.memory_space<semaphore_mem>>)
      %dma_wait3A = arith.constant 0 : i32
      %dma_wait3A_30 = arith.constant 0 : i32
      %dma_wait3A_31 = tpu.memref_slice %arg3[%add3A, %dma_wait3A, %dma_wait3A_30] : memref<32x32x64xi32, #tpu.memory_space<hbm>> -> memref<1x32x64xi32, #tpu.memory_space<hbm>>
      %dma_wait3A_32 = tpu.memref_squeeze %dma_wait3A_31 : memref<1x32x64xi32, #tpu.memory_space<hbm>> -> memref<32x64xi32, #tpu.memory_space<hbm>>
      %dma_wait3A_33 = arith.constant 0 : i32
      %dma_wait3A_34 = arith.constant 0 : i32
      %dma_wait3A_35 = tpu.memref_slice %arg3[%add3A, %dma_wait3A_33, %dma_wait3A_34] : memref<32x32x64xi32, #tpu.memory_space<hbm>> -> memref<1x32x64xi32, #tpu.memory_space<hbm>>
      %dma_wait3A_36 = tpu.memref_squeeze %dma_wait3A_35 : memref<1x32x64xi32, #tpu.memory_space<hbm>> -> memref<32x64xi32, #tpu.memory_space<hbm>>
      tpu.wait_dma2 semaphore(%run_scoped3A : memref<!tpu.dma_semaphore, #tpu.memory_space<semaphore_mem>>) src(%dma_wait3A_36 : memref<32x64xi32, #tpu.memory_space<hbm>>) dst(%arg7 : memref<32x64xi32, #tpu.memory_space<vmem>>)
      tpu.yield
    }) : () -> ()
    %dma_start3A = arith.constant 0 : i32
    %dma_start3A_3 = arith.constant 0 : i32
    %dma_start3A_4 = tpu.memref_slice %arg7[%dma_start3A, %dma_start3A_3] : memref<32x64xi32, #tpu.memory_space<vmem>> -> memref<1x64xi32, #tpu.memory_space<vmem>>
    %dma_start3A_5 = tpu.memref_squeeze %dma_start3A_4 : memref<1x64xi32, #tpu.memory_space<vmem>> -> memref<64xi32, #tpu.memory_space<vmem>>
    %dma_start3A_6 = arith.constant 0 : i32
    %dma_start3A_7 = arith.constant 0 : i32
    %dma_start3A_8 = tpu.memref_slice %arg2[%dma_start3A_6, %dma_start3A_7] : memref<16384x512xf32, #tpu.memory_space<hbm>> -> memref<16384x512xf32, #tpu.memory_space<hbm>>
    tpu.enqueue_indirect_dma source(%dma_start3A_8 : memref<16384x512xf32, #tpu.memory_space<hbm>>) target(%arg8 : memref<64x512xf32, #tpu.memory_space<vmem>>) offsets(%dma_start3A_5 : memref<64xi32, #tpu.memory_space<vmem>>) semaphore(%arg13 : memref<!tpu.dma_semaphore, #tpu.memory_space<semaphore_mem>>)
    %dma_start3A_9 = arith.constant 1 : i32
    %dma_start3A_10 = arith.constant 0 : i32
    %dma_start3A_11 = tpu.memref_slice %arg7[%dma_start3A_9, %dma_start3A_10] : memref<32x64xi32, #tpu.memory_space<vmem>> -> memref<1x64xi32, #tpu.memory_space<vmem>>
    %dma_start3A_12 = tpu.memref_squeeze %dma_start3A_11 : memref<1x64xi32, #tpu.memory_space<vmem>> -> memref<64xi32, #tpu.memory_space<vmem>>
    %dma_start3A_13 = arith.constant 0 : i32
    %dma_start3A_14 = arith.constant 0 : i32
    %dma_start3A_15 = tpu.memref_slice %arg2[%dma_start3A_13, %dma_start3A_14] : memref<16384x512xf32, #tpu.memory_space<hbm>> -> memref<16384x512xf32, #tpu.memory_space<hbm>>
    tpu.enqueue_indirect_dma source(%dma_start3A_15 : memref<16384x512xf32, #tpu.memory_space<hbm>>) target(%arg9 : memref<64x512xf32, #tpu.memory_space<vmem>>) offsets(%dma_start3A_12 : memref<64xi32, #tpu.memory_space<vmem>>) semaphore(%arg14 : memref<!tpu.dma_semaphore, #tpu.memory_space<semaphore_mem>>)
    %scan3A = arith.constant 0 : i32
    %scan3A_16 = arith.constant 0 : i32
    %scan3A_17 = arith.constant 16 : i32
    %scan3A_18 = arith.addi %scan3A_16, %scan3A_17 : i32
    %scan3A_19 = arith.constant 1 : i32
    %scan3A_20 = scf.for %scan3A_22 = %scan3A_16 to %scan3A_18 step %scan3A_19 iter_args(%scan3A_23 = %scan3A) -> (i32)  : i32 {
      %mul3A_24 = arith.constant 2 : i32
      %mul3A_25 = arith.muli %mul3A_24, %scan3A_22 : i32
      %add3A_26 = arith.constant 0 : i32
      %add3A_27 = arith.addi %mul3A_25, %add3A_26 : i32
      %dma_wait3A = arith.constant 0 : i32
      %dma_wait3A_28 = tpu.memref_slice %arg7[%add3A_27, %dma_wait3A] : memref<32x64xi32, #tpu.memory_space<vmem>> -> memref<1x64xi32, #tpu.memory_space<vmem>>
      %dma_wait3A_29 = tpu.memref_squeeze %dma_wait3A_28 : memref<1x64xi32, #tpu.memory_space<vmem>> -> memref<64xi32, #tpu.memory_space<vmem>>
      %dma_wait3A_30 = arith.constant 0 : i32
      %dma_wait3A_31 = arith.constant 0 : i32
      %dma_wait3A_32 = tpu.memref_slice %arg2[%dma_wait3A_30, %dma_wait3A_31] : memref<16384x512xf32, #tpu.memory_space<hbm>> -> memref<16384x512xf32, #tpu.memory_space<hbm>>
      tpu.wait_indirect_dma semaphore(%arg13 : memref<!tpu.dma_semaphore, #tpu.memory_space<semaphore_mem>>) src(%dma_wait3A_32 : memref<16384x512xf32, #tpu.memory_space<hbm>>) dst(%arg8 : memref<64x512xf32, #tpu.memory_space<vmem>>)
      %rem3A = arith.constant 4 : i32
      %rem3A_33 = arith.remsi %add3A_27, %rem3A : i32
      %mul3A_34 = arith.constant 4 : i32
      %mul3A_35 = arith.muli %rem3A_33, %mul3A_34 : i32
      %scan3A_36 = arith.constant 0 : i32
      %scan3A_37 = arith.constant 0 : i32
      %scan3A_38 = arith.constant 32 : i32
      %scan3A_39 = arith.addi %scan3A_37, %scan3A_38 : i32
      %scan3A_40 = arith.constant 1 : i32
      %scan3A_41 = scf.for %scan3A_89 = %scan3A_37 to %scan3A_39 step %scan3A_40 iter_args(%scan3A_90 = %scan3A_36) -> (i32)  : i32 {
        %mul3A_91 = arith.constant 16 : i32
        %mul3A_92 = arith.muli %scan3A_89, %mul3A_91 : i32
        %get3A = arith.constant 0 : i32
        %get3A_93 = arith.index_cast %get3A : i32 to index
        %get3A_94 = arith.index_cast %mul3A_92 : i32 to index
        %get3A_95 = tpu.vector_load %arg8[%get3A_93, %get3A_94] {strides = array<i32>} : memref<64x512xf32, #tpu.memory_space<vmem>>, vector<1x16xf32>,
        %get3A_96 = vector.shape_cast %get3A_95 : vector<1x16xf32> to vector<16xf32>
        %mul3A_97 = arith.mulf %get3A_96, %get3A_96 : vector<16xf32>
        %get3A_98 = arith.constant 1 : i32
        %get3A_99 = arith.index_cast %get3A_98 : i32 to index
        %get3A_100 = arith.index_cast %mul3A_92 : i32 to index
        %get3A_101 = tpu.vector_load %arg8[%get3A_99, %get3A_100] {strides = array<i32>} : memref<64x512xf32, #tpu.memory_space<vmem>>, vector<1x16xf32>,
        %get3A_102 = vector.shape_cast %get3A_101 : vector<1x16xf32> to vector<16xf32>
        %max3A = arith.maximumf %get3A_96, %get3A_102 : vector<16xf32>
        %add3A_103 = arith.addf %get3A_96, %get3A_102 : vector<16xf32>
        %mul3A_104 = arith.mulf %get3A_102, %get3A_102 : vector<16xf32>
        %add3A_105 = arith.addf %mul3A_97, %mul3A_104 : vector<16xf32>
        %get3A_106 = arith.constant 2 : i32
        %get3A_107 = arith.index_cast %get3A_106 : i32 to index
        %get3A_108 = arith.index_cast %mul3A_92 : i32 to index
        %get3A_109 = tpu.vector_load %arg8[%get3A_107, %get3A_108] {strides = array<i32>} : memref<64x512xf32, #tpu.memory_space<vmem>>, vector<1x16xf32>,
        %get3A_110 = vector.shape_cast %get3A_109 : vector<1x16xf32> to vector<16xf32>
        %max3A_111 = arith.maximumf %max3A, %get3A_110 : vector<16xf32>
        %add3A_112 = arith.addf %add3A_103, %get3A_110 : vector<16xf32>
        %mul3A_113 = arith.mulf %get3A_110, %get3A_110 : vector<16xf32>
        %add3A_114 = arith.addf %add3A_105, %mul3A_113 : vector<16xf32>
        %get3A_115 = arith.constant 3 : i32
        %get3A_116 = arith.index_cast %get3A_115 : i32 to index
        %get3A_117 = arith.index_cast %mul3A_92 : i32 to index
        %get3A_118 = tpu.vector_load %arg8[%get3A_116, %get3A_117] {strides = array<i32>} : memref<64x512xf32, #tpu.memory_space<vmem>>, vector<1x16xf32>,
        %get3A_119 = vector.shape_cast %get3A_118 : vector<1x16xf32> to vector<16xf32>
        %max3A_120 = arith.maximumf %max3A_111, %get3A_119 : vector<16xf32>
        %add3A_121 = arith.addf %add3A_112, %get3A_119 : vector<16xf32>
        %mul3A_122 = arith.mulf %get3A_119, %get3A_119 : vector<16xf32>
        %add3A_123 = arith.addf %add3A_114, %mul3A_122 : vector<16xf32>
        %get3A_124 = arith.constant 4 : i32
        %get3A_125 = arith.index_cast %get3A_124 : i32 to index
        %get3A_126 = arith.index_cast %mul3A_92 : i32 to index
        %get3A_127 = tpu.vector_load %arg8[%get3A_125, %get3A_126] {strides = array<i32>} : memref<64x512xf32, #tpu.memory_space<vmem>>, vector<1x16xf32>,
        %get3A_128 = vector.shape_cast %get3A_127 : vector<1x16xf32> to vector<16xf32>
        %max3A_129 = arith.maximumf %max3A_120, %get3A_128 : vector<16xf32>
        %add3A_130 = arith.addf %add3A_121, %get3A_128 : vector<16xf32>
        %mul3A_131 = arith.mulf %get3A_128, %get3A_128 : vector<16xf32>
        %add3A_132 = arith.addf %add3A_123, %mul3A_131 : vector<16xf32>
        %get3A_133 = arith.constant 5 : i32
        %get3A_134 = arith.index_cast %get3A_133 : i32 to index
        %get3A_135 = arith.index_cast %mul3A_92 : i32 to index
        %get3A_136 = tpu.vector_load %arg8[%get3A_134, %get3A_135] {strides = array<i32>} : memref<64x512xf32, #tpu.memory_space<vmem>>, vector<1x16xf32>,
        %get3A_137 = vector.shape_cast %get3A_136 : vector<1x16xf32> to vector<16xf32>
        %max3A_138 = arith.maximumf %max3A_129, %get3A_137 : vector<16xf32>
        %add3A_139 = arith.addf %add3A_130, %get3A_137 : vector<16xf32>
        %mul3A_140 = arith.mulf %get3A_137, %get3A_137 : vector<16xf32>
        %add3A_141 = arith.addf %add3A_132, %mul3A_140 : vector<16xf32>
        %get3A_142 = arith.constant 6 : i32
        %get3A_143 = arith.index_cast %get3A_142 : i32 to index
        %get3A_144 = arith.index_cast %mul3A_92 : i32 to index
        %get3A_145 = tpu.vector_load %arg8[%get3A_143, %get3A_144] {strides = array<i32>} : memref<64x512xf32, #tpu.memory_space<vmem>>, vector<1x16xf32>,
        %get3A_146 = vector.shape_cast %get3A_145 : vector<1x16xf32> to vector<16xf32>
        %max3A_147 = arith.maximumf %max3A_138, %get3A_146 : vector<16xf32>
        %add3A_148 = arith.addf %add3A_139, %get3A_146 : vector<16xf32>
        %mul3A_149 = arith.mulf %get3A_146, %get3A_146 : vector<16xf32>
        %add3A_150 = arith.addf %add3A_141, %mul3A_149 : vector<16xf32>
        %get3A_151 = arith.constant 7 : i32
        %get3A_152 = arith.index_cast %get3A_151 : i32 to index
        %get3A_153 = arith.index_cast %mul3A_92 : i32 to index
        %get3A_154 = tpu.vector_load %arg8[%get3A_152, %get3A_153] {strides = array<i32>} : memref<64x512xf32, #tpu.memory_space<vmem>>, vector<1x16xf32>,
        %get3A_155 = vector.shape_cast %get3A_154 : vector<1x16xf32> to vector<16xf32>
        %max3A_156 = arith.maximumf %max3A_147, %get3A_155 : vector<16xf32>
        %add3A_157 = arith.addf %add3A_148, %get3A_155 : vector<16xf32>
        %mul3A_158 = arith.mulf %get3A_155, %get3A_155 : vector<16xf32>
        %add3A_159 = arith.addf %add3A_150, %mul3A_158 : vector<16xf32>
        %get3A_160 = arith.constant 8 : i32
        %get3A_161 = arith.index_cast %get3A_160 : i32 to index
        %get3A_162 = arith.index_cast %mul3A_92 : i32 to index
        %get3A_163 = tpu.vector_load %arg8[%get3A_161, %get3A_162] {strides = array<i32>} : memref<64x512xf32, #tpu.memory_space<vmem>>, vector<1x16xf32>,
        %get3A_164 = vector.shape_cast %get3A_163 : vector<1x16xf32> to vector<16xf32>
        %max3A_165 = arith.maximumf %max3A_156, %get3A_164 : vector<16xf32>
        %add3A_166 = arith.addf %add3A_157, %get3A_164 : vector<16xf32>
        %mul3A_167 = arith.mulf %get3A_164, %get3A_164 : vector<16xf32>
        %add3A_168 = arith.addf %add3A_159, %mul3A_167 : vector<16xf32>
        %get3A_169 = arith.constant 9 : i32
        %get3A_170 = arith.index_cast %get3A_169 : i32 to index
        %get3A_171 = arith.index_cast %mul3A_92 : i32 to index
        %get3A_172 = tpu.vector_load %arg8[%get3A_170, %get3A_171] {strides = array<i32>} : memref<64x512xf32, #tpu.memory_space<vmem>>, vector<1x16xf32>,
        %get3A_173 = vector.shape_cast %get3A_172 : vector<1x16xf32> to vector<16xf32>
        %max3A_174 = arith.maximumf %max3A_165, %get3A_173 : vector<16xf32>
        %add3A_175 = arith.addf %add3A_166, %get3A_173 : vector<16xf32>
        %mul3A_176 = arith.mulf %get3A_173, %get3A_173 : vector<16xf32>
        %add3A_177 = arith.addf %add3A_168, %mul3A_176 : vector<16xf32>
        %get3A_178 = arith.constant 10 : i32
        %get3A_179 = arith.index_cast %get3A_178 : i32 to index
        %get3A_180 = arith.index_cast %mul3A_92 : i32 to index
        %get3A_181 = tpu.vector_load %arg8[%get3A_179, %get3A_180] {strides = array<i32>} : memref<64x512xf32, #tpu.memory_space<vmem>>, vector<1x16xf32>,
        %get3A_182 = vector.shape_cast %get3A_181 : vector<1x16xf32> to vector<16xf32>
        %max3A_183 = arith.maximumf %max3A_174, %get3A_182 : vector<16xf32>
        %add3A_184 = arith.addf %add3A_175, %get3A_182 : vector<16xf32>
        %mul3A_185 = arith.mulf %get3A_182, %get3A_182 : vector<16xf32>
        %add3A_186 = arith.addf %add3A_177, %mul3A_185 : vector<16xf32>
        %get3A_187 = arith.constant 11 : i32
        %get3A_188 = arith.index_cast %get3A_187 : i32 to index
        %get3A_189 = arith.index_cast %mul3A_92 : i32 to index
        %get3A_190 = tpu.vector_load %arg8[%get3A_188, %get3A_189] {strides = array<i32>} : memref<64x512xf32, #tpu.memory_space<vmem>>, vector<1x16xf32>,
        %get3A_191 = vector.shape_cast %get3A_190 : vector<1x16xf32> to vector<16xf32>
        %max3A_192 = arith.maximumf %max3A_183, %get3A_191 : vector<16xf32>
        %add3A_193 = arith.addf %add3A_184, %get3A_191 : vector<16xf32>
        %mul3A_194 = arith.mulf %get3A_191, %get3A_191 : vector<16xf32>
        %add3A_195 = arith.addf %add3A_186, %mul3A_194 : vector<16xf32>
        %get3A_196 = arith.constant 12 : i32
        %get3A_197 = arith.index_cast %get3A_196 : i32 to index
        %get3A_198 = arith.index_cast %mul3A_92 : i32 to index
        %get3A_199 = tpu.vector_load %arg8[%get3A_197, %get3A_198] {strides = array<i32>} : memref<64x512xf32, #tpu.memory_space<vmem>>, vector<1x16xf32>,
        %get3A_200 = vector.shape_cast %get3A_199 : vector<1x16xf32> to vector<16xf32>
        %max3A_201 = arith.maximumf %max3A_192, %get3A_200 : vector<16xf32>
        %add3A_202 = arith.addf %add3A_193, %get3A_200 : vector<16xf32>
        %mul3A_203 = arith.mulf %get3A_200, %get3A_200 : vector<16xf32>
        %add3A_204 = arith.addf %add3A_195, %mul3A_203 : vector<16xf32>
        %get3A_205 = arith.constant 13 : i32
        %get3A_206 = arith.index_cast %get3A_205 : i32 to index
        %get3A_207 = arith.index_cast %mul3A_92 : i32 to index
        %get3A_208 = tpu.vector_load %arg8[%get3A_206, %get3A_207] {strides = array<i32>} : memref<64x512xf32, #tpu.memory_space<vmem>>, vector<1x16xf32>,
        %get3A_209 = vector.shape_cast %get3A_208 : vector<1x16xf32> to vector<16xf32>
        %max3A_210 = arith.maximumf %max3A_201, %get3A_209 : vector<16xf32>
        %add3A_211 = arith.addf %add3A_202, %get3A_209 : vector<16xf32>
        %mul3A_212 = arith.mulf %get3A_209, %get3A_209 : vector<16xf32>
        %add3A_213 = arith.addf %add3A_204, %mul3A_212 : vector<16xf32>
        %get3A_214 = arith.constant 14 : i32
        %get3A_215 = arith.index_cast %get3A_214 : i32 to index
        %get3A_216 = arith.index_cast %mul3A_92 : i32 to index
        %get3A_217 = tpu.vector_load %arg8[%get3A_215, %get3A_216] {strides = array<i32>} : memref<64x512xf32, #tpu.memory_space<vmem>>, vector<1x16xf32>,
        %get3A_218 = vector.shape_cast %get3A_217 : vector<1x16xf32> to vector<16xf32>
        %max3A_219 = arith.maximumf %max3A_210, %get3A_218 : vector<16xf32>
        %add3A_220 = arith.addf %add3A_211, %get3A_218 : vector<16xf32>
        %mul3A_221 = arith.mulf %get3A_218, %get3A_218 : vector<16xf32>
        %add3A_222 = arith.addf %add3A_213, %mul3A_221 : vector<16xf32>
        %get3A_223 = arith.constant 15 : i32
        %get3A_224 = arith.index_cast %get3A_223 : i32 to index
        %get3A_225 = arith.index_cast %mul3A_92 : i32 to index
        %get3A_226 = tpu.vector_load %arg8[%get3A_224, %get3A_225] {strides = array<i32>} : memref<64x512xf32, #tpu.memory_space<vmem>>, vector<1x16xf32>,
        %get3A_227 = vector.shape_cast %get3A_226 : vector<1x16xf32> to vector<16xf32>
        %max3A_228 = arith.maximumf %max3A_219, %get3A_227 : vector<16xf32>
        %add3A_229 = arith.addf %add3A_220, %get3A_227 : vector<16xf32>
        %mul3A_230 = arith.mulf %get3A_227, %get3A_227 : vector<16xf32>
        %add3A_231 = arith.addf %add3A_222, %mul3A_230 : vector<16xf32>
        %add3A_232 = arith.constant 0 : i32
        %add3A_233 = arith.addi %mul3A_35, %add3A_232 : i32
        %swap3A = arith.index_cast %add3A_233 : i32 to index
        %swap3A_234 = arith.index_cast %mul3A_92 : i32 to index
        %swap3A_235 = tpu.vector_load %arg10[%swap3A, %swap3A_234] {strides = array<i32>} : memref<16x512xf32, #tpu.memory_space<vmem>>, vector<1x16xf32>,
        %swap3A_236 = vector.shape_cast %swap3A_235 : vector<1x16xf32> to vector<16xf32>
        %swap3A_237 = vector.shape_cast %max3A_228 : vector<16xf32> to vector<1x16xf32>
        tpu.vector_store %arg10[%swap3A, %swap3A_234], %swap3A_237 {strides = array<i32>} : memref<16x512xf32, #tpu.memory_space<vmem>>, vector<1x16xf32>,
        %add3A_238 = arith.constant 0 : i32
        %add3A_239 = arith.addi %mul3A_35, %add3A_238 : i32
        %swap3A_240 = arith.index_cast %add3A_239 : i32 to index
        %swap3A_241 = arith.index_cast %mul3A_92 : i32 to index
        %swap3A_242 = tpu.vector_load %arg11[%swap3A_240, %swap3A_241] {strides = array<i32>} : memref<16x512xf32, #tpu.memory_space<vmem>>, vector<1x16xf32>,
        %swap3A_243 = vector.shape_cast %swap3A_242 : vector<1x16xf32> to vector<16xf32>
        %swap3A_244 = vector.shape_cast %add3A_229 : vector<16xf32> to vector<1x16xf32>
        tpu.vector_store %arg11[%swap3A_240, %swap3A_241], %swap3A_244 {strides = array<i32>} : memref<16x512xf32, #tpu.memory_space<vmem>>, vector<1x16xf32>,
        %add3A_245 = arith.constant 0 : i32
        %add3A_246 = arith.addi %mul3A_35, %add3A_245 : i32
        %swap3A_247 = arith.index_cast %add3A_246 : i32 to index
        %swap3A_248 = arith.index_cast %mul3A_92 : i32 to index
        %swap3A_249 = tpu.vector_load %arg12[%swap3A_247, %swap3A_248] {strides = array<i32>} : memref<16x512xf32, #tpu.memory_space<vmem>>, vector<1x16xf32>,
        %swap3A_250 = vector.shape_cast %swap3A_249 : vector<1x16xf32> to vector<16xf32>
        %swap3A_251 = vector.shape_cast %add3A_231 : vector<16xf32> to vector<1x16xf32>
        tpu.vector_store %arg12[%swap3A_247, %swap3A_248], %swap3A_251 {strides = array<i32>} : memref<16x512xf32, #tpu.memory_space<vmem>>, vector<1x16xf32>,
        %get3A_252 = arith.constant 16 : i32
        %get3A_253 = arith.index_cast %get3A_252 : i32 to index
        %get3A_254 = arith.index_cast %mul3A_92 : i32 to index
        %get3A_255 = tpu.vector_load %arg8[%get3A_253, %get3A_254] {strides = array<i32>} : memref<64x512xf32, #tpu.memory_space<vmem>>, vector<1x16xf32>,
        %get3A_256 = vector.shape_cast %get3A_255 : vector<1x16xf32> to vector<16xf32>
        %mul3A_257 = arith.mulf %get3A_256, %get3A_256 : vector<16xf32>
        %get3A_258 = arith.constant 17 : i32
        %get3A_259 = arith.index_cast %get3A_258 : i32 to index
        %get3A_260 = arith.index_cast %mul3A_92 : i32 to index
        %get3A_261 = tpu.vector_load %arg8[%get3A_259, %get3A_260] {strides = array<i32>} : memref<64x512xf32, #tpu.memory_space<vmem>>, vector<1x16xf32>,
        %get3A_262 = vector.shape_cast %get3A_261 : vector<1x16xf32> to vector<16xf32>
        %max3A_263 = arith.maximumf %get3A_256, %get3A_262 : vector<16xf32>
        %add3A_264 = arith.addf %get3A_256, %get3A_262 : vector<16xf32>
        %mul3A_265 = arith.mulf %get3A_262, %get3A_262 : vector<16xf32>
        %add3A_266 = arith.addf %mul3A_257, %mul3A_265 : vector<16xf32>
        %get3A_267 = arith.constant 18 : i32
        %get3A_268 = arith.index_cast %get3A_267 : i32 to index
        %get3A_269 = arith.index_cast %mul3A_92 : i32 to index
        %get3A_270 = tpu.vector_load %arg8[%get3A_268, %get3A_269] {strides = array<i32>} : memref<64x512xf32, #tpu.memory_space<vmem>>, vector<1x16xf32>,
        %get3A_271 = vector.shape_cast %get3A_270 : vector<1x16xf32> to vector<16xf32>
        %max3A_272 = arith.maximumf %max3A_263, %get3A_271 : vector<16xf32>
        %add3A_273 = arith.addf %add3A_264, %get3A_271 : vector<16xf32>
        %mul3A_274 = arith.mulf %get3A_271, %get3A_271 : vector<16xf32>
        %add3A_275 = arith.addf %add3A_266, %mul3A_274 : vector<16xf32>
        %get3A_276 = arith.constant 19 : i32
        %get3A_277 = arith.index_cast %get3A_276 : i32 to index
        %get3A_278 = arith.index_cast %mul3A_92 : i32 to index
        %get3A_279 = tpu.vector_load %arg8[%get3A_277, %get3A_278] {strides = array<i32>} : memref<64x512xf32, #tpu.memory_space<vmem>>, vector<1x16xf32>,
        %get3A_280 = vector.shape_cast %get3A_279 : vector<1x16xf32> to vector<16xf32>
        %max3A_281 = arith.maximumf %max3A_272, %get3A_280 : vector<16xf32>
        %add3A_282 = arith.addf %add3A_273, %get3A_280 : vector<16xf32>
        %mul3A_283 = arith.mulf %get3A_280, %get3A_280 : vector<16xf32>
        %add3A_284 = arith.addf %add3A_275, %mul3A_283 : vector<16xf32>
        %get3A_285 = arith.constant 20 : i32
        %get3A_286 = arith.index_cast %get3A_285 : i32 to index
        %get3A_287 = arith.index_cast %mul3A_92 : i32 to index
        %get3A_288 = tpu.vector_load %arg8[%get3A_286, %get3A_287] {strides = array<i32>} : memref<64x512xf32, #tpu.memory_space<vmem>>, vector<1x16xf32>,
        %get3A_289 = vector.shape_cast %get3A_288 : vector<1x16xf32> to vector<16xf32>
        %max3A_290 = arith.maximumf %max3A_281, %get3A_289 : vector<16xf32>
        %add3A_291 = arith.addf %add3A_282, %get3A_289 : vector<16xf32>
        %mul3A_292 = arith.mulf %get3A_289, %get3A_289 : vector<16xf32>
        %add3A_293 = arith.addf %add3A_284, %mul3A_292 : vector<16xf32>
        %get3A_294 = arith.constant 21 : i32
        %get3A_295 = arith.index_cast %get3A_294 : i32 to index
        %get3A_296 = arith.index_cast %mul3A_92 : i32 to index
        %get3A_297 = tpu.vector_load %arg8[%get3A_295, %get3A_296] {strides = array<i32>} : memref<64x512xf32, #tpu.memory_space<vmem>>, vector<1x16xf32>,
        %get3A_298 = vector.shape_cast %get3A_297 : vector<1x16xf32> to vector<16xf32>
        %max3A_299 = arith.maximumf %max3A_290, %get3A_298 : vector<16xf32>
        %add3A_300 = arith.addf %add3A_291, %get3A_298 : vector<16xf32>
        %mul3A_301 = arith.mulf %get3A_298, %get3A_298 : vector<16xf32>
        %add3A_302 = arith.addf %add3A_293, %mul3A_301 : vector<16xf32>
        %get3A_303 = arith.constant 22 : i32
        %get3A_304 = arith.index_cast %get3A_303 : i32 to index
        %get3A_305 = arith.index_cast %mul3A_92 : i32 to index
        %get3A_306 = tpu.vector_load %arg8[%get3A_304, %get3A_305] {strides = array<i32>} : memref<64x512xf32, #tpu.memory_space<vmem>>, vector<1x16xf32>,
        %get3A_307 = vector.shape_cast %get3A_306 : vector<1x16xf32> to vector<16xf32>
        %max3A_308 = arith.maximumf %max3A_299, %get3A_307 : vector<16xf32>
        %add3A_309 = arith.addf %add3A_300, %get3A_307 : vector<16xf32>
        %mul3A_310 = arith.mulf %get3A_307, %get3A_307 : vector<16xf32>
        %add3A_311 = arith.addf %add3A_302, %mul3A_310 : vector<16xf32>
        %get3A_312 = arith.constant 23 : i32
        %get3A_313 = arith.index_cast %get3A_312 : i32 to index
        %get3A_314 = arith.index_cast %mul3A_92 : i32 to index
        %get3A_315 = tpu.vector_load %arg8[%get3A_313, %get3A_314] {strides = array<i32>} : memref<64x512xf32, #tpu.memory_space<vmem>>, vector<1x16xf32>,
        %get3A_316 = vector.shape_cast %get3A_315 : vector<1x16xf32> to vector<16xf32>
        %max3A_317 = arith.maximumf %max3A_308, %get3A_316 : vector<16xf32>
        %add3A_318 = arith.addf %add3A_309, %get3A_316 : vector<16xf32>
        %mul3A_319 = arith.mulf %get3A_316, %get3A_316 : vector<16xf32>
        %add3A_320 = arith.addf %add3A_311, %mul3A_319 : vector<16xf32>
        %get3A_321 = arith.constant 24 : i32
        %get3A_322 = arith.index_cast %get3A_321 : i32 to index
        %get3A_323 = arith.index_cast %mul3A_92 : i32 to index
        %get3A_324 = tpu.vector_load %arg8[%get3A_322, %get3A_323] {strides = array<i32>} : memref<64x512xf32, #tpu.memory_space<vmem>>, vector<1x16xf32>,
        %get3A_325 = vector.shape_cast %get3A_324 : vector<1x16xf32> to vector<16xf32>
        %max3A_326 = arith.maximumf %max3A_317, %get3A_325 : vector<16xf32>
        %add3A_327 = arith.addf %add3A_318, %get3A_325 : vector<16xf32>
        %mul3A_328 = arith.mulf %get3A_325, %get3A_325 : vector<16xf32>
        %add3A_329 = arith.addf %add3A_320, %mul3A_328 : vector<16xf32>
        %get3A_330 = arith.constant 25 : i32
        %get3A_331 = arith.index_cast %get3A_330 : i32 to index
        %get3A_332 = arith.index_cast %mul3A_92 : i32 to index
        %get3A_333 = tpu.vector_load %arg8[%get3A_331, %get3A_332] {strides = array<i32>} : memref<64x512xf32, #tpu.memory_space<vmem>>, vector<1x16xf32>,
        %get3A_334 = vector.shape_cast %get3A_333 : vector<1x16xf32> to vector<16xf32>
        %max3A_335 = arith.maximumf %max3A_326, %get3A_334 : vector<16xf32>
        %add3A_336 = arith.addf %add3A_327, %get3A_334 : vector<16xf32>
        %mul3A_337 = arith.mulf %get3A_334, %get3A_334 : vector<16xf32>
        %add3A_338 = arith.addf %add3A_329, %mul3A_337 : vector<16xf32>
        %get3A_339 = arith.constant 26 : i32
        %get3A_340 = arith.index_cast %get3A_339 : i32 to index
        %get3A_341 = arith.index_cast %mul3A_92 : i32 to index
        %get3A_342 = tpu.vector_load %arg8[%get3A_340, %get3A_341] {strides = array<i32>} : memref<64x512xf32, #tpu.memory_space<vmem>>, vector<1x16xf32>,
        %get3A_343 = vector.shape_cast %get3A_342 : vector<1x16xf32> to vector<16xf32>
        %max3A_344 = arith.maximumf %max3A_335, %get3A_343 : vector<16xf32>
        %add3A_345 = arith.addf %add3A_336, %get3A_343 : vector<16xf32>
        %mul3A_346 = arith.mulf %get3A_343, %get3A_343 : vector<16xf32>
        %add3A_347 = arith.addf %add3A_338, %mul3A_346 : vector<16xf32>
        %get3A_348 = arith.constant 27 : i32
        %get3A_349 = arith.index_cast %get3A_348 : i32 to index
        %get3A_350 = arith.index_cast %mul3A_92 : i32 to index
        %get3A_351 = tpu.vector_load %arg8[%get3A_349, %get3A_350] {strides = array<i32>} : memref<64x512xf32, #tpu.memory_space<vmem>>, vector<1x16xf32>,
        %get3A_352 = vector.shape_cast %get3A_351 : vector<1x16xf32> to vector<16xf32>
        %max3A_353 = arith.maximumf %max3A_344, %get3A_352 : vector<16xf32>
        %add3A_354 = arith.addf %add3A_345, %get3A_352 : vector<16xf32>
        %mul3A_355 = arith.mulf %get3A_352, %get3A_352 : vector<16xf32>
        %add3A_356 = arith.addf %add3A_347, %mul3A_355 : vector<16xf32>
        %get3A_357 = arith.constant 28 : i32
        %get3A_358 = arith.index_cast %get3A_357 : i32 to index
        %get3A_359 = arith.index_cast %mul3A_92 : i32 to index
        %get3A_360 = tpu.vector_load %arg8[%get3A_358, %get3A_359] {strides = array<i32>} : memref<64x512xf32, #tpu.memory_space<vmem>>, vector<1x16xf32>,
        %get3A_361 = vector.shape_cast %get3A_360 : vector<1x16xf32> to vector<16xf32>
        %max3A_362 = arith.maximumf %max3A_353, %get3A_361 : vector<16xf32>
        %add3A_363 = arith.addf %add3A_354, %get3A_361 : vector<16xf32>
        %mul3A_364 = arith.mulf %get3A_361, %get3A_361 : vector<16xf32>
        %add3A_365 = arith.addf %add3A_356, %mul3A_364 : vector<16xf32>
        %get3A_366 = arith.constant 29 : i32
        %get3A_367 = arith.index_cast %get3A_366 : i32 to index
        %get3A_368 = arith.index_cast %mul3A_92 : i32 to index
        %get3A_369 = tpu.vector_load %arg8[%get3A_367, %get3A_368] {strides = array<i32>} : memref<64x512xf32, #tpu.memory_space<vmem>>, vector<1x16xf32>,
        %get3A_370 = vector.shape_cast %get3A_369 : vector<1x16xf32> to vector<16xf32>
        %max3A_371 = arith.maximumf %max3A_362, %get3A_370 : vector<16xf32>
        %add3A_372 = arith.addf %add3A_363, %get3A_370 : vector<16xf32>
        %mul3A_373 = arith.mulf %get3A_370, %get3A_370 : vector<16xf32>
        %add3A_374 = arith.addf %add3A_365, %mul3A_373 : vector<16xf32>
        %get3A_375 = arith.constant 30 : i32
        %get3A_376 = arith.index_cast %get3A_375 : i32 to index
        %get3A_377 = arith.index_cast %mul3A_92 : i32 to index
        %get3A_378 = tpu.vector_load %arg8[%get3A_376, %get3A_377] {strides = array<i32>} : memref<64x512xf32, #tpu.memory_space<vmem>>, vector<1x16xf32>,
        %get3A_379 = vector.shape_cast %get3A_378 : vector<1x16xf32> to vector<16xf32>
        %max3A_380 = arith.maximumf %max3A_371, %get3A_379 : vector<16xf32>
        %add3A_381 = arith.addf %add3A_372, %get3A_379 : vector<16xf32>
        %mul3A_382 = arith.mulf %get3A_379, %get3A_379 : vector<16xf32>
        %add3A_383 = arith.addf %add3A_374, %mul3A_382 : vector<16xf32>
        %get3A_384 = arith.constant 31 : i32
        %get3A_385 = arith.index_cast %get3A_384 : i32 to index
        %get3A_386 = arith.index_cast %mul3A_92 : i32 to index
        %get3A_387 = tpu.vector_load %arg8[%get3A_385, %get3A_386] {strides = array<i32>} : memref<64x512xf32, #tpu.memory_space<vmem>>, vector<1x16xf32>,
        %get3A_388 = vector.shape_cast %get3A_387 : vector<1x16xf32> to vector<16xf32>
        %max3A_389 = arith.maximumf %max3A_380, %get3A_388 : vector<16xf32>
        %add3A_390 = arith.addf %add3A_381, %get3A_388 : vector<16xf32>
        %mul3A_391 = arith.mulf %get3A_388, %get3A_388 : vector<16xf32>
        %add3A_392 = arith.addf %add3A_383, %mul3A_391 : vector<16xf32>
        %add3A_393 = arith.constant 1 : i32
        %add3A_394 = arith.addi %mul3A_35, %add3A_393 : i32
        %swap3A_395 = arith.index_cast %add3A_394 : i32 to index
        %swap3A_396 = arith.index_cast %mul3A_92 : i32 to index
        %swap3A_397 = tpu.vector_load %arg10[%swap3A_395, %swap3A_396] {strides = array<i32>} : memref<16x512xf32, #tpu.memory_space<vmem>>, vector<1x16xf32>,
        %swap3A_398 = vector.shape_cast %swap3A_397 : vector<1x16xf32> to vector<16xf32>
        %swap3A_399 = vector.shape_cast %max3A_389 : vector<16xf32> to vector<1x16xf32>
        tpu.vector_store %arg10[%swap3A_395, %swap3A_396], %swap3A_399 {strides = array<i32>} : memref<16x512xf32, #tpu.memory_space<vmem>>, vector<1x16xf32>,
        %add3A_400 = arith.constant 1 : i32
        %add3A_401 = arith.addi %mul3A_35, %add3A_400 : i32
        %swap3A_402 = arith.index_cast %add3A_401 : i32 to index
        %swap3A_403 = arith.index_cast %mul3A_92 : i32 to index
        %swap3A_404 = tpu.vector_load %arg11[%swap3A_402, %swap3A_403] {strides = array<i32>} : memref<16x512xf32, #tpu.memory_space<vmem>>, vector<1x16xf32>,
        %swap3A_405 = vector.shape_cast %swap3A_404 : vector<1x16xf32> to vector<16xf32>
        %swap3A_406 = vector.shape_cast %add3A_390 : vector<16xf32> to vector<1x16xf32>
        tpu.vector_store %arg11[%swap3A_402, %swap3A_403], %swap3A_406 {strides = array<i32>} : memref<16x512xf32, #tpu.memory_space<vmem>>, vector<1x16xf32>,
        %add3A_407 = arith.constant 1 : i32
        %add3A_408 = arith.addi %mul3A_35, %add3A_407 : i32
        %swap3A_409 = arith.index_cast %add3A_408 : i32 to index
        %swap3A_410 = arith.index_cast %mul3A_92 : i32 to index
        %swap3A_411 = tpu.vector_load %arg12[%swap3A_409, %swap3A_410] {strides = array<i32>} : memref<16x512xf32, #tpu.memory_space<vmem>>, vector<1x16xf32>,
        %swap3A_412 = vector.shape_cast %swap3A_411 : vector<1x16xf32> to vector<16xf32>
        %swap3A_413 = vector.shape_cast %add3A_392 : vector<16xf32> to vector<1x16xf32>
        tpu.vector_store %arg12[%swap3A_409, %swap3A_410], %swap3A_413 {strides = array<i32>} : memref<16x512xf32, #tpu.memory_space<vmem>>, vector<1x16xf32>,
        %get3A_414 = arith.constant 32 : i32
        %get3A_415 = arith.index_cast %get3A_414 : i32 to index
        %get3A_416 = arith.index_cast %mul3A_92 : i32 to index
        %get3A_417 = tpu.vector_load %arg8[%get3A_415, %get3A_416] {strides = array<i32>} : memref<64x512xf32, #tpu.memory_space<vmem>>, vector<1x16xf32>,
        %get3A_418 = vector.shape_cast %get3A_417 : vector<1x16xf32> to vector<16xf32>
        %mul3A_419 = arith.mulf %get3A_418, %get3A_418 : vector<16xf32>
        %get3A_420 = arith.constant 33 : i32
        %get3A_421 = arith.index_cast %get3A_420 : i32 to index
        %get3A_422 = arith.index_cast %mul3A_92 : i32 to index
        %get3A_423 = tpu.vector_load %arg8[%get3A_421, %get3A_422] {strides = array<i32>} : memref<64x512xf32, #tpu.memory_space<vmem>>, vector<1x16xf32>,
        %get3A_424 = vector.shape_cast %get3A_423 : vector<1x16xf32> to vector<16xf32>
        %max3A_425 = arith.maximumf %get3A_418, %get3A_424 : vector<16xf32>
        %add3A_426 = arith.addf %get3A_418, %get3A_424 : vector<16xf32>
        %mul3A_427 = arith.mulf %get3A_424, %get3A_424 : vector<16xf32>
        %add3A_428 = arith.addf %mul3A_419, %mul3A_427 : vector<16xf32>
        %get3A_429 = arith.constant 34 : i32
        %get3A_430 = arith.index_cast %get3A_429 : i32 to index
        %get3A_431 = arith.index_cast %mul3A_92 : i32 to index
        %get3A_432 = tpu.vector_load %arg8[%get3A_430, %get3A_431] {strides = array<i32>} : memref<64x512xf32, #tpu.memory_space<vmem>>, vector<1x16xf32>,
        %get3A_433 = vector.shape_cast %get3A_432 : vector<1x16xf32> to vector<16xf32>
        %max3A_434 = arith.maximumf %max3A_425, %get3A_433 : vector<16xf32>
        %add3A_435 = arith.addf %add3A_426, %get3A_433 : vector<16xf32>
        %mul3A_436 = arith.mulf %get3A_433, %get3A_433 : vector<16xf32>
        %add3A_437 = arith.addf %add3A_428, %mul3A_436 : vector<16xf32>
        %get3A_438 = arith.constant 35 : i32
        %get3A_439 = arith.index_cast %get3A_438 : i32 to index
        %get3A_440 = arith.index_cast %mul3A_92 : i32 to index
        %get3A_441 = tpu.vector_load %arg8[%get3A_439, %get3A_440] {strides = array<i32>} : memref<64x512xf32, #tpu.memory_space<vmem>>, vector<1x16xf32>,
        %get3A_442 = vector.shape_cast %get3A_441 : vector<1x16xf32> to vector<16xf32>
        %max3A_443 = arith.maximumf %max3A_434, %get3A_442 : vector<16xf32>
        %add3A_444 = arith.addf %add3A_435, %get3A_442 : vector<16xf32>
        %mul3A_445 = arith.mulf %get3A_442, %get3A_442 : vector<16xf32>
        %add3A_446 = arith.addf %add3A_437, %mul3A_445 : vector<16xf32>
        %get3A_447 = arith.constant 36 : i32
        %get3A_448 = arith.index_cast %get3A_447 : i32 to index
        %get3A_449 = arith.index_cast %mul3A_92 : i32 to index
        %get3A_450 = tpu.vector_load %arg8[%get3A_448, %get3A_449] {strides = array<i32>} : memref<64x512xf32, #tpu.memory_space<vmem>>, vector<1x16xf32>,
        %get3A_451 = vector.shape_cast %get3A_450 : vector<1x16xf32> to vector<16xf32>
        %max3A_452 = arith.maximumf %max3A_443, %get3A_451 : vector<16xf32>
        %add3A_453 = arith.addf %add3A_444, %get3A_451 : vector<16xf32>
        %mul3A_454 = arith.mulf %get3A_451, %get3A_451 : vector<16xf32>
        %add3A_455 = arith.addf %add3A_446, %mul3A_454 : vector<16xf32>
        %get3A_456 = arith.constant 37 : i32
        %get3A_457 = arith.index_cast %get3A_456 : i32 to index
        %get3A_458 = arith.index_cast %mul3A_92 : i32 to index
        %get3A_459 = tpu.vector_load %arg8[%get3A_457, %get3A_458] {strides = array<i32>} : memref<64x512xf32, #tpu.memory_space<vmem>>, vector<1x16xf32>,
        %get3A_460 = vector.shape_cast %get3A_459 : vector<1x16xf32> to vector<16xf32>
        %max3A_461 = arith.maximumf %max3A_452, %get3A_460 : vector<16xf32>
        %add3A_462 = arith.addf %add3A_453, %get3A_460 : vector<16xf32>
        %mul3A_463 = arith.mulf %get3A_460, %get3A_460 : vector<16xf32>
        %add3A_464 = arith.addf %add3A_455, %mul3A_463 : vector<16xf32>
        %get3A_465 = arith.constant 38 : i32
        %get3A_466 = arith.index_cast %get3A_465 : i32 to index
        %get3A_467 = arith.index_cast %mul3A_92 : i32 to index
        %get3A_468 = tpu.vector_load %arg8[%get3A_466, %get3A_467] {strides = array<i32>} : memref<64x512xf32, #tpu.memory_space<vmem>>, vector<1x16xf32>,
        %get3A_469 = vector.shape_cast %get3A_468 : vector<1x16xf32> to vector<16xf32>
        %max3A_470 = arith.maximumf %max3A_461, %get3A_469 : vector<16xf32>
        %add3A_471 = arith.addf %add3A_462, %get3A_469 : vector<16xf32>
        %mul3A_472 = arith.mulf %get3A_469, %get3A_469 : vector<16xf32>
        %add3A_473 = arith.addf %add3A_464, %mul3A_472 : vector<16xf32>
        %get3A_474 = arith.constant 39 : i32
        %get3A_475 = arith.index_cast %get3A_474 : i32 to index
        %get3A_476 = arith.index_cast %mul3A_92 : i32 to index
        %get3A_477 = tpu.vector_load %arg8[%get3A_475, %get3A_476] {strides = array<i32>} : memref<64x512xf32, #tpu.memory_space<vmem>>, vector<1x16xf32>,
        %get3A_478 = vector.shape_cast %get3A_477 : vector<1x16xf32> to vector<16xf32>
        %max3A_479 = arith.maximumf %max3A_470, %get3A_478 : vector<16xf32>
        %add3A_480 = arith.addf %add3A_471, %get3A_478 : vector<16xf32>
        %mul3A_481 = arith.mulf %get3A_478, %get3A_478 : vector<16xf32>
        %add3A_482 = arith.addf %add3A_473, %mul3A_481 : vector<16xf32>
        %get3A_483 = arith.constant 40 : i32
        %get3A_484 = arith.index_cast %get3A_483 : i32 to index
        %get3A_485 = arith.index_cast %mul3A_92 : i32 to index
        %get3A_486 = tpu.vector_load %arg8[%get3A_484, %get3A_485] {strides = array<i32>} : memref<64x512xf32, #tpu.memory_space<vmem>>, vector<1x16xf32>,
        %get3A_487 = vector.shape_cast %get3A_486 : vector<1x16xf32> to vector<16xf32>
        %max3A_488 = arith.maximumf %max3A_479, %get3A_487 : vector<16xf32>
        %add3A_489 = arith.addf %add3A_480, %get3A_487 : vector<16xf32>
        %mul3A_490 = arith.mulf %get3A_487, %get3A_487 : vector<16xf32>
        %add3A_491 = arith.addf %add3A_482, %mul3A_490 : vector<16xf32>
        %get3A_492 = arith.constant 41 : i32
        %get3A_493 = arith.index_cast %get3A_492 : i32 to index
        %get3A_494 = arith.index_cast %mul3A_92 : i32 to index
        %get3A_495 = tpu.vector_load %arg8[%get3A_493, %get3A_494] {strides = array<i32>} : memref<64x512xf32, #tpu.memory_space<vmem>>, vector<1x16xf32>,
        %get3A_496 = vector.shape_cast %get3A_495 : vector<1x16xf32> to vector<16xf32>
        %max3A_497 = arith.maximumf %max3A_488, %get3A_496 : vector<16xf32>
        %add3A_498 = arith.addf %add3A_489, %get3A_496 : vector<16xf32>
        %mul3A_499 = arith.mulf %get3A_496, %get3A_496 : vector<16xf32>
        %add3A_500 = arith.addf %add3A_491, %mul3A_499 : vector<16xf32>
        %get3A_501 = arith.constant 42 : i32
        %get3A_502 = arith.index_cast %get3A_501 : i32 to index
        %get3A_503 = arith.index_cast %mul3A_92 : i32 to index
        %get3A_504 = tpu.vector_load %arg8[%get3A_502, %get3A_503] {strides = array<i32>} : memref<64x512xf32, #tpu.memory_space<vmem>>, vector<1x16xf32>,
        %get3A_505 = vector.shape_cast %get3A_504 : vector<1x16xf32> to vector<16xf32>
        %max3A_506 = arith.maximumf %max3A_497, %get3A_505 : vector<16xf32>
        %add3A_507 = arith.addf %add3A_498, %get3A_505 : vector<16xf32>
        %mul3A_508 = arith.mulf %get3A_505, %get3A_505 : vector<16xf32>
        %add3A_509 = arith.addf %add3A_500, %mul3A_508 : vector<16xf32>
        %get3A_510 = arith.constant 43 : i32
        %get3A_511 = arith.index_cast %get3A_510 : i32 to index
        %get3A_512 = arith.index_cast %mul3A_92 : i32 to index
        %get3A_513 = tpu.vector_load %arg8[%get3A_511, %get3A_512] {strides = array<i32>} : memref<64x512xf32, #tpu.memory_space<vmem>>, vector<1x16xf32>,
        %get3A_514 = vector.shape_cast %get3A_513 : vector<1x16xf32> to vector<16xf32>
        %max3A_515 = arith.maximumf %max3A_506, %get3A_514 : vector<16xf32>
        %add3A_516 = arith.addf %add3A_507, %get3A_514 : vector<16xf32>
        %mul3A_517 = arith.mulf %get3A_514, %get3A_514 : vector<16xf32>
        %add3A_518 = arith.addf %add3A_509, %mul3A_517 : vector<16xf32>
        %get3A_519 = arith.constant 44 : i32
        %get3A_520 = arith.index_cast %get3A_519 : i32 to index
        %get3A_521 = arith.index_cast %mul3A_92 : i32 to index
        %get3A_522 = tpu.vector_load %arg8[%get3A_520, %get3A_521] {strides = array<i32>} : memref<64x512xf32, #tpu.memory_space<vmem>>, vector<1x16xf32>,
        %get3A_523 = vector.shape_cast %get3A_522 : vector<1x16xf32> to vector<16xf32>
        %max3A_524 = arith.maximumf %max3A_515, %get3A_523 : vector<16xf32>
        %add3A_525 = arith.addf %add3A_516, %get3A_523 : vector<16xf32>
        %mul3A_526 = arith.mulf %get3A_523, %get3A_523 : vector<16xf32>
        %add3A_527 = arith.addf %add3A_518, %mul3A_526 : vector<16xf32>
        %get3A_528 = arith.constant 45 : i32
        %get3A_529 = arith.index_cast %get3A_528 : i32 to index
        %get3A_530 = arith.index_cast %mul3A_92 : i32 to index
        %get3A_531 = tpu.vector_load %arg8[%get3A_529, %get3A_530] {strides = array<i32>} : memref<64x512xf32, #tpu.memory_space<vmem>>, vector<1x16xf32>,
        %get3A_532 = vector.shape_cast %get3A_531 : vector<1x16xf32> to vector<16xf32>
        %max3A_533 = arith.maximumf %max3A_524, %get3A_532 : vector<16xf32>
        %add3A_534 = arith.addf %add3A_525, %get3A_532 : vector<16xf32>
        %mul3A_535 = arith.mulf %get3A_532, %get3A_532 : vector<16xf32>
        %add3A_536 = arith.addf %add3A_527, %mul3A_535 : vector<16xf32>
        %get3A_537 = arith.constant 46 : i32
        %get3A_538 = arith.index_cast %get3A_537 : i32 to index
        %get3A_539 = arith.index_cast %mul3A_92 : i32 to index
        %get3A_540 = tpu.vector_load %arg8[%get3A_538, %get3A_539] {strides = array<i32>} : memref<64x512xf32, #tpu.memory_space<vmem>>, vector<1x16xf32>,
        %get3A_541 = vector.shape_cast %get3A_540 : vector<1x16xf32> to vector<16xf32>
        %max3A_542 = arith.maximumf %max3A_533, %get3A_541 : vector<16xf32>
        %add3A_543 = arith.addf %add3A_534, %get3A_541 : vector<16xf32>
        %mul3A_544 = arith.mulf %get3A_541, %get3A_541 : vector<16xf32>
        %add3A_545 = arith.addf %add3A_536, %mul3A_544 : vector<16xf32>
        %get3A_546 = arith.constant 47 : i32
        %get3A_547 = arith.index_cast %get3A_546 : i32 to index
        %get3A_548 = arith.index_cast %mul3A_92 : i32 to index
        %get3A_549 = tpu.vector_load %arg8[%get3A_547, %get3A_548] {strides = array<i32>} : memref<64x512xf32, #tpu.memory_space<vmem>>, vector<1x16xf32>,
        %get3A_550 = vector.shape_cast %get3A_549 : vector<1x16xf32> to vector<16xf32>
        %max3A_551 = arith.maximumf %max3A_542, %get3A_550 : vector<16xf32>
        %add3A_552 = arith.addf %add3A_543, %get3A_550 : vector<16xf32>
        %mul3A_553 = arith.mulf %get3A_550, %get3A_550 : vector<16xf32>
        %add3A_554 = arith.addf %add3A_545, %mul3A_553 : vector<16xf32>
        %add3A_555 = arith.constant 2 : i32
        %add3A_556 = arith.addi %mul3A_35, %add3A_555 : i32
        %swap3A_557 = arith.index_cast %add3A_556 : i32 to index
        %swap3A_558 = arith.index_cast %mul3A_92 : i32 to index
        %swap3A_559 = tpu.vector_load %arg10[%swap3A_557, %swap3A_558] {strides = array<i32>} : memref<16x512xf32, #tpu.memory_space<vmem>>, vector<1x16xf32>,
        %swap3A_560 = vector.shape_cast %swap3A_559 : vector<1x16xf32> to vector<16xf32>
        %swap3A_561 = vector.shape_cast %max3A_551 : vector<16xf32> to vector<1x16xf32>
        tpu.vector_store %arg10[%swap3A_557, %swap3A_558], %swap3A_561 {strides = array<i32>} : memref<16x512xf32, #tpu.memory_space<vmem>>, vector<1x16xf32>,
        %add3A_562 = arith.constant 2 : i32
        %add3A_563 = arith.addi %mul3A_35, %add3A_562 : i32
        %swap3A_564 = arith.index_cast %add3A_563 : i32 to index
        %swap3A_565 = arith.index_cast %mul3A_92 : i32 to index
        %swap3A_566 = tpu.vector_load %arg11[%swap3A_564, %swap3A_565] {strides = array<i32>} : memref<16x512xf32, #tpu.memory_space<vmem>>, vector<1x16xf32>,
        %swap3A_567 = vector.shape_cast %swap3A_566 : vector<1x16xf32> to vector<16xf32>
        %swap3A_568 = vector.shape_cast %add3A_552 : vector<16xf32> to vector<1x16xf32>
        tpu.vector_store %arg11[%swap3A_564, %swap3A_565], %swap3A_568 {strides = array<i32>} : memref<16x512xf32, #tpu.memory_space<vmem>>, vector<1x16xf32>,
        %add3A_569 = arith.constant 2 : i32
        %add3A_570 = arith.addi %mul3A_35, %add3A_569 : i32
        %swap3A_571 = arith.index_cast %add3A_570 : i32 to index
        %swap3A_572 = arith.index_cast %mul3A_92 : i32 to index
        %swap3A_573 = tpu.vector_load %arg12[%swap3A_571, %swap3A_572] {strides = array<i32>} : memref<16x512xf32, #tpu.memory_space<vmem>>, vector<1x16xf32>,
        %swap3A_574 = vector.shape_cast %swap3A_573 : vector<1x16xf32> to vector<16xf32>
        %swap3A_575 = vector.shape_cast %add3A_554 : vector<16xf32> to vector<1x16xf32>
        tpu.vector_store %arg12[%swap3A_571, %swap3A_572], %swap3A_575 {strides = array<i32>} : memref<16x512xf32, #tpu.memory_space<vmem>>, vector<1x16xf32>,
        %get3A_576 = arith.constant 48 : i32
        %get3A_577 = arith.index_cast %get3A_576 : i32 to index
        %get3A_578 = arith.index_cast %mul3A_92 : i32 to index
        %get3A_579 = tpu.vector_load %arg8[%get3A_577, %get3A_578] {strides = array<i32>} : memref<64x512xf32, #tpu.memory_space<vmem>>, vector<1x16xf32>,
        %get3A_580 = vector.shape_cast %get3A_579 : vector<1x16xf32> to vector<16xf32>
        %mul3A_581 = arith.mulf %get3A_580, %get3A_580 : vector<16xf32>
        %get3A_582 = arith.constant 49 : i32
        %get3A_583 = arith.index_cast %get3A_582 : i32 to index
        %get3A_584 = arith.index_cast %mul3A_92 : i32 to index
        %get3A_585 = tpu.vector_load %arg8[%get3A_583, %get3A_584] {strides = array<i32>} : memref<64x512xf32, #tpu.memory_space<vmem>>, vector<1x16xf32>,
        %get3A_586 = vector.shape_cast %get3A_585 : vector<1x16xf32> to vector<16xf32>
        %max3A_587 = arith.maximumf %get3A_580, %get3A_586 : vector<16xf32>
        %add3A_588 = arith.addf %get3A_580, %get3A_586 : vector<16xf32>
        %mul3A_589 = arith.mulf %get3A_586, %get3A_586 : vector<16xf32>
        %add3A_590 = arith.addf %mul3A_581, %mul3A_589 : vector<16xf32>
        %get3A_591 = arith.constant 50 : i32
        %get3A_592 = arith.index_cast %get3A_591 : i32 to index
        %get3A_593 = arith.index_cast %mul3A_92 : i32 to index
        %get3A_594 = tpu.vector_load %arg8[%get3A_592, %get3A_593] {strides = array<i32>} : memref<64x512xf32, #tpu.memory_space<vmem>>, vector<1x16xf32>,
        %get3A_595 = vector.shape_cast %get3A_594 : vector<1x16xf32> to vector<16xf32>
        %max3A_596 = arith.maximumf %max3A_587, %get3A_595 : vector<16xf32>
        %add3A_597 = arith.addf %add3A_588, %get3A_595 : vector<16xf32>
        %mul3A_598 = arith.mulf %get3A_595, %get3A_595 : vector<16xf32>
        %add3A_599 = arith.addf %add3A_590, %mul3A_598 : vector<16xf32>
        %get3A_600 = arith.constant 51 : i32
        %get3A_601 = arith.index_cast %get3A_600 : i32 to index
        %get3A_602 = arith.index_cast %mul3A_92 : i32 to index
        %get3A_603 = tpu.vector_load %arg8[%get3A_601, %get3A_602] {strides = array<i32>} : memref<64x512xf32, #tpu.memory_space<vmem>>, vector<1x16xf32>,
        %get3A_604 = vector.shape_cast %get3A_603 : vector<1x16xf32> to vector<16xf32>
        %max3A_605 = arith.maximumf %max3A_596, %get3A_604 : vector<16xf32>
        %add3A_606 = arith.addf %add3A_597, %get3A_604 : vector<16xf32>
        %mul3A_607 = arith.mulf %get3A_604, %get3A_604 : vector<16xf32>
        %add3A_608 = arith.addf %add3A_599, %mul3A_607 : vector<16xf32>
        %get3A_609 = arith.constant 52 : i32
        %get3A_610 = arith.index_cast %get3A_609 : i32 to index
        %get3A_611 = arith.index_cast %mul3A_92 : i32 to index
        %get3A_612 = tpu.vector_load %arg8[%get3A_610, %get3A_611] {strides = array<i32>} : memref<64x512xf32, #tpu.memory_space<vmem>>, vector<1x16xf32>,
        %get3A_613 = vector.shape_cast %get3A_612 : vector<1x16xf32> to vector<16xf32>
        %max3A_614 = arith.maximumf %max3A_605, %get3A_613 : vector<16xf32>
        %add3A_615 = arith.addf %add3A_606, %get3A_613 : vector<16xf32>
        %mul3A_616 = arith.mulf %get3A_613, %get3A_613 : vector<16xf32>
        %add3A_617 = arith.addf %add3A_608, %mul3A_616 : vector<16xf32>
        %get3A_618 = arith.constant 53 : i32
        %get3A_619 = arith.index_cast %get3A_618 : i32 to index
        %get3A_620 = arith.index_cast %mul3A_92 : i32 to index
        %get3A_621 = tpu.vector_load %arg8[%get3A_619, %get3A_620] {strides = array<i32>} : memref<64x512xf32, #tpu.memory_space<vmem>>, vector<1x16xf32>,
        %get3A_622 = vector.shape_cast %get3A_621 : vector<1x16xf32> to vector<16xf32>
        %max3A_623 = arith.maximumf %max3A_614, %get3A_622 : vector<16xf32>
        %add3A_624 = arith.addf %add3A_615, %get3A_622 : vector<16xf32>
        %mul3A_625 = arith.mulf %get3A_622, %get3A_622 : vector<16xf32>
        %add3A_626 = arith.addf %add3A_617, %mul3A_625 : vector<16xf32>
        %get3A_627 = arith.constant 54 : i32
        %get3A_628 = arith.index_cast %get3A_627 : i32 to index
        %get3A_629 = arith.index_cast %mul3A_92 : i32 to index
        %get3A_630 = tpu.vector_load %arg8[%get3A_628, %get3A_629] {strides = array<i32>} : memref<64x512xf32, #tpu.memory_space<vmem>>, vector<1x16xf32>,
        %get3A_631 = vector.shape_cast %get3A_630 : vector<1x16xf32> to vector<16xf32>
        %max3A_632 = arith.maximumf %max3A_623, %get3A_631 : vector<16xf32>
        %add3A_633 = arith.addf %add3A_624, %get3A_631 : vector<16xf32>
        %mul3A_634 = arith.mulf %get3A_631, %get3A_631 : vector<16xf32>
        %add3A_635 = arith.addf %add3A_626, %mul3A_634 : vector<16xf32>
        %get3A_636 = arith.constant 55 : i32
        %get3A_637 = arith.index_cast %get3A_636 : i32 to index
        %get3A_638 = arith.index_cast %mul3A_92 : i32 to index
        %get3A_639 = tpu.vector_load %arg8[%get3A_637, %get3A_638] {strides = array<i32>} : memref<64x512xf32, #tpu.memory_space<vmem>>, vector<1x16xf32>,
        %get3A_640 = vector.shape_cast %get3A_639 : vector<1x16xf32> to vector<16xf32>
        %max3A_641 = arith.maximumf %max3A_632, %get3A_640 : vector<16xf32>
        %add3A_642 = arith.addf %add3A_633, %get3A_640 : vector<16xf32>
        %mul3A_643 = arith.mulf %get3A_640, %get3A_640 : vector<16xf32>
        %add3A_644 = arith.addf %add3A_635, %mul3A_643 : vector<16xf32>
        %get3A_645 = arith.constant 56 : i32
        %get3A_646 = arith.index_cast %get3A_645 : i32 to index
        %get3A_647 = arith.index_cast %mul3A_92 : i32 to index
        %get3A_648 = tpu.vector_load %arg8[%get3A_646, %get3A_647] {strides = array<i32>} : memref<64x512xf32, #tpu.memory_space<vmem>>, vector<1x16xf32>,
        %get3A_649 = vector.shape_cast %get3A_648 : vector<1x16xf32> to vector<16xf32>
        %max3A_650 = arith.maximumf %max3A_641, %get3A_649 : vector<16xf32>
        %add3A_651 = arith.addf %add3A_642, %get3A_649 : vector<16xf32>
        %mul3A_652 = arith.mulf %get3A_649, %get3A_649 : vector<16xf32>
        %add3A_653 = arith.addf %add3A_644, %mul3A_652 : vector<16xf32>
        %get3A_654 = arith.constant 57 : i32
        %get3A_655 = arith.index_cast %get3A_654 : i32 to index
        %get3A_656 = arith.index_cast %mul3A_92 : i32 to index
        %get3A_657 = tpu.vector_load %arg8[%get3A_655, %get3A_656] {strides = array<i32>} : memref<64x512xf32, #tpu.memory_space<vmem>>, vector<1x16xf32>,
        %get3A_658 = vector.shape_cast %get3A_657 : vector<1x16xf32> to vector<16xf32>
        %max3A_659 = arith.maximumf %max3A_650, %get3A_658 : vector<16xf32>
        %add3A_660 = arith.addf %add3A_651, %get3A_658 : vector<16xf32>
        %mul3A_661 = arith.mulf %get3A_658, %get3A_658 : vector<16xf32>
        %add3A_662 = arith.addf %add3A_653, %mul3A_661 : vector<16xf32>
        %get3A_663 = arith.constant 58 : i32
        %get3A_664 = arith.index_cast %get3A_663 : i32 to index
        %get3A_665 = arith.index_cast %mul3A_92 : i32 to index
        %get3A_666 = tpu.vector_load %arg8[%get3A_664, %get3A_665] {strides = array<i32>} : memref<64x512xf32, #tpu.memory_space<vmem>>, vector<1x16xf32>,
        %get3A_667 = vector.shape_cast %get3A_666 : vector<1x16xf32> to vector<16xf32>
        %max3A_668 = arith.maximumf %max3A_659, %get3A_667 : vector<16xf32>
        %add3A_669 = arith.addf %add3A_660, %get3A_667 : vector<16xf32>
        %mul3A_670 = arith.mulf %get3A_667, %get3A_667 : vector<16xf32>
        %add3A_671 = arith.addf %add3A_662, %mul3A_670 : vector<16xf32>
        %get3A_672 = arith.constant 59 : i32
        %get3A_673 = arith.index_cast %get3A_672 : i32 to index
        %get3A_674 = arith.index_cast %mul3A_92 : i32 to index
        %get3A_675 = tpu.vector_load %arg8[%get3A_673, %get3A_674] {strides = array<i32>} : memref<64x512xf32, #tpu.memory_space<vmem>>, vector<1x16xf32>,
        %get3A_676 = vector.shape_cast %get3A_675 : vector<1x16xf32> to vector<16xf32>
        %max3A_677 = arith.maximumf %max3A_668, %get3A_676 : vector<16xf32>
        %add3A_678 = arith.addf %add3A_669, %get3A_676 : vector<16xf32>
        %mul3A_679 = arith.mulf %get3A_676, %get3A_676 : vector<16xf32>
        %add3A_680 = arith.addf %add3A_671, %mul3A_679 : vector<16xf32>
        %get3A_681 = arith.constant 60 : i32
        %get3A_682 = arith.index_cast %get3A_681 : i32 to index
        %get3A_683 = arith.index_cast %mul3A_92 : i32 to index
        %get3A_684 = tpu.vector_load %arg8[%get3A_682, %get3A_683] {strides = array<i32>} : memref<64x512xf32, #tpu.memory_space<vmem>>, vector<1x16xf32>,
        %get3A_685 = vector.shape_cast %get3A_684 : vector<1x16xf32> to vector<16xf32>
        %max3A_686 = arith.maximumf %max3A_677, %get3A_685 : vector<16xf32>
        %add3A_687 = arith.addf %add3A_678, %get3A_685 : vector<16xf32>
        %mul3A_688 = arith.mulf %get3A_685, %get3A_685 : vector<16xf32>
        %add3A_689 = arith.addf %add3A_680, %mul3A_688 : vector<16xf32>
        %get3A_690 = arith.constant 61 : i32
        %get3A_691 = arith.index_cast %get3A_690 : i32 to index
        %get3A_692 = arith.index_cast %mul3A_92 : i32 to index
        %get3A_693 = tpu.vector_load %arg8[%get3A_691, %get3A_692] {strides = array<i32>} : memref<64x512xf32, #tpu.memory_space<vmem>>, vector<1x16xf32>,
        %get3A_694 = vector.shape_cast %get3A_693 : vector<1x16xf32> to vector<16xf32>
        %max3A_695 = arith.maximumf %max3A_686, %get3A_694 : vector<16xf32>
        %add3A_696 = arith.addf %add3A_687, %get3A_694 : vector<16xf32>
        %mul3A_697 = arith.mulf %get3A_694, %get3A_694 : vector<16xf32>
        %add3A_698 = arith.addf %add3A_689, %mul3A_697 : vector<16xf32>
        %get3A_699 = arith.constant 62 : i32
        %get3A_700 = arith.index_cast %get3A_699 : i32 to index
        %get3A_701 = arith.index_cast %mul3A_92 : i32 to index
        %get3A_702 = tpu.vector_load %arg8[%get3A_700, %get3A_701] {strides = array<i32>} : memref<64x512xf32, #tpu.memory_space<vmem>>, vector<1x16xf32>,
        %get3A_703 = vector.shape_cast %get3A_702 : vector<1x16xf32> to vector<16xf32>
        %max3A_704 = arith.maximumf %max3A_695, %get3A_703 : vector<16xf32>
        %add3A_705 = arith.addf %add3A_696, %get3A_703 : vector<16xf32>
        %mul3A_706 = arith.mulf %get3A_703, %get3A_703 : vector<16xf32>
        %add3A_707 = arith.addf %add3A_698, %mul3A_706 : vector<16xf32>
        %get3A_708 = arith.constant 63 : i32
        %get3A_709 = arith.index_cast %get3A_708 : i32 to index
        %get3A_710 = arith.index_cast %mul3A_92 : i32 to index
        %get3A_711 = tpu.vector_load %arg8[%get3A_709, %get3A_710] {strides = array<i32>} : memref<64x512xf32, #tpu.memory_space<vmem>>, vector<1x16xf32>,
        %get3A_712 = vector.shape_cast %get3A_711 : vector<1x16xf32> to vector<16xf32>
        %max3A_713 = arith.maximumf %max3A_704, %get3A_712 : vector<16xf32>
        %add3A_714 = arith.addf %add3A_705, %get3A_712 : vector<16xf32>
        %mul3A_715 = arith.mulf %get3A_712, %get3A_712 : vector<16xf32>
        %add3A_716 = arith.addf %add3A_707, %mul3A_715 : vector<16xf32>
        %add3A_717 = arith.constant 3 : i32
        %add3A_718 = arith.addi %mul3A_35, %add3A_717 : i32
        %swap3A_719 = arith.index_cast %add3A_718 : i32 to index
        %swap3A_720 = arith.index_cast %mul3A_92 : i32 to index
        %swap3A_721 = tpu.vector_load %arg10[%swap3A_719, %swap3A_720] {strides = array<i32>} : memref<16x512xf32, #tpu.memory_space<vmem>>, vector<1x16xf32>,
        %swap3A_722 = vector.shape_cast %swap3A_721 : vector<1x16xf32> to vector<16xf32>
        %swap3A_723 = vector.shape_cast %max3A_713 : vector<16xf32> to vector<1x16xf32>
        tpu.vector_store %arg10[%swap3A_719, %swap3A_720], %swap3A_723 {strides = array<i32>} : memref<16x512xf32, #tpu.memory_space<vmem>>, vector<1x16xf32>,
        %add3A_724 = arith.constant 3 : i32
        %add3A_725 = arith.addi %mul3A_35, %add3A_724 : i32
        %swap3A_726 = arith.index_cast %add3A_725 : i32 to index
        %swap3A_727 = arith.index_cast %mul3A_92 : i32 to index
        %swap3A_728 = tpu.vector_load %arg11[%swap3A_726, %swap3A_727] {strides = array<i32>} : memref<16x512xf32, #tpu.memory_space<vmem>>, vector<1x16xf32>,
        %swap3A_729 = vector.shape_cast %swap3A_728 : vector<1x16xf32> to vector<16xf32>
        %swap3A_730 = vector.shape_cast %add3A_714 : vector<16xf32> to vector<1x16xf32>
        tpu.vector_store %arg11[%swap3A_726, %swap3A_727], %swap3A_730 {strides = array<i32>} : memref<16x512xf32, #tpu.memory_space<vmem>>, vector<1x16xf32>,
        %add3A_731 = arith.constant 3 : i32
        %add3A_732 = arith.addi %mul3A_35, %add3A_731 : i32
        %swap3A_733 = arith.index_cast %add3A_732 : i32 to index
        %swap3A_734 = arith.index_cast %mul3A_92 : i32 to index
        %swap3A_735 = tpu.vector_load %arg12[%swap3A_733, %swap3A_734] {strides = array<i32>} : memref<16x512xf32, #tpu.memory_space<vmem>>, vector<1x16xf32>,
        %swap3A_736 = vector.shape_cast %swap3A_735 : vector<1x16xf32> to vector<16xf32>
        %swap3A_737 = vector.shape_cast %add3A_716 : vector<16xf32> to vector<1x16xf32>
        tpu.vector_store %arg12[%swap3A_733, %swap3A_734], %swap3A_737 {strides = array<i32>} : memref<16x512xf32, #tpu.memory_space<vmem>>, vector<1x16xf32>,
        %scan3A_738 = arith.constant 0 : i32
        scf.yield %scan3A_738 : i32
      }
      %scan3A_42 = arith.constant 32 : i32
      %rem3A_43 = arith.constant 4 : i32
      %rem3A_44 = arith.remsi %add3A_27, %rem3A_43 : i32
      %eq3A = arith.constant 3 : i32
      %eq3A_45 = arith.cmpi eq, %rem3A_44, %eq3A : i32
      %convert_element_type3A = arith.extui %eq3A_45 : i1 to i32
      %cond3A = arith.constant 0 : i32
      %cond3A_46 = arith.cmpi ne, %convert_element_type3A, %cond3A : i32
      scf.if %cond3A_46 {
        %div3A = arith.constant 4 : i32
        %div3A_89 = arith.divsi %add3A_27, %div3A : i32
        %mul3A_90 = arith.constant 16 : i32
        %mul3A_91 = arith.muli %div3A_89, %mul3A_90 : i32
        %add3A_92 = arith.addi %mul3A_2, %mul3A_91 : i32
        "tpu.region"() ({
          %run_scoped3A = tpu.sem_alloc : memref<!tpu.dma_semaphore, #tpu.memory_space<semaphore_mem>>
          %dma_start3A_93 = arith.constant 0 : i32
          %dma_start3A_94 = tpu.memref_slice %arg4[%add3A_92, %dma_start3A_93] : memref<4096x512xf32, #tpu.memory_space<hbm>> -> memref<16x512xf32, #tpu.memory_space<hbm>>
          %dma_start3A_95 = arith.constant 0 : i32
          %dma_start3A_96 = tpu.memref_slice %arg4[%add3A_92, %dma_start3A_95] : memref<4096x512xf32, #tpu.memory_space<hbm>> -> memref<16x512xf32, #tpu.memory_space<hbm>>
          tpu.enqueue_dma source(%arg10 : memref<16x512xf32, #tpu.memory_space<vmem>>) target(%dma_start3A_96 : memref<16x512xf32, #tpu.memory_space<hbm>>) target_semaphore(%run_scoped3A : memref<!tpu.dma_semaphore, #tpu.memory_space<semaphore_mem>>)
          %dma_wait3A_97 = arith.constant 0 : i32
          %dma_wait3A_98 = tpu.memref_slice %arg4[%add3A_92, %dma_wait3A_97] : memref<4096x512xf32, #tpu.memory_space<hbm>> -> memref<16x512xf32, #tpu.memory_space<hbm>>
          %dma_wait3A_99 = arith.constant 0 : i32
          %dma_wait3A_100 = tpu.memref_slice %arg4[%add3A_92, %dma_wait3A_99] : memref<4096x512xf32, #tpu.memory_space<hbm>> -> memref<16x512xf32, #tpu.memory_space<hbm>>
          tpu.wait_dma2 semaphore(%run_scoped3A : memref<!tpu.dma_semaphore, #tpu.memory_space<semaphore_mem>>) src(%arg10 : memref<16x512xf32, #tpu.memory_space<vmem>>) dst(%dma_wait3A_100 : memref<16x512xf32, #tpu.memory_space<hbm>>)
          tpu.yield
        }) : () -> ()
        "tpu.region"() ({
          %run_scoped3A = tpu.sem_alloc : memref<!tpu.dma_semaphore, #tpu.memory_space<semaphore_mem>>
          %dma_start3A_93 = arith.constant 0 : i32
          %dma_start3A_94 = tpu.memref_slice %arg5[%add3A_92, %dma_start3A_93] : memref<4096x512xf32, #tpu.memory_space<hbm>> -> memref<16x512xf32, #tpu.memory_space<hbm>>
          %dma_start3A_95 = arith.constant 0 : i32
          %dma_start3A_96 = tpu.memref_slice %arg5[%add3A_92, %dma_start3A_95] : memref<4096x512xf32, #tpu.memory_space<hbm>> -> memref<16x512xf32, #tpu.memory_space<hbm>>
          tpu.enqueue_dma source(%arg11 : memref<16x512xf32, #tpu.memory_space<vmem>>) target(%dma_start3A_96 : memref<16x512xf32, #tpu.memory_space<hbm>>) target_semaphore(%run_scoped3A : memref<!tpu.dma_semaphore, #tpu.memory_space<semaphore_mem>>)
          %dma_wait3A_97 = arith.constant 0 : i32
          %dma_wait3A_98 = tpu.memref_slice %arg5[%add3A_92, %dma_wait3A_97] : memref<4096x512xf32, #tpu.memory_space<hbm>> -> memref<16x512xf32, #tpu.memory_space<hbm>>
          %dma_wait3A_99 = arith.constant 0 : i32
          %dma_wait3A_100 = tpu.memref_slice %arg5[%add3A_92, %dma_wait3A_99] : memref<4096x512xf32, #tpu.memory_space<hbm>> -> memref<16x512xf32, #tpu.memory_space<hbm>>
          tpu.wait_dma2 semaphore(%run_scoped3A : memref<!tpu.dma_semaphore, #tpu.memory_space<semaphore_mem>>) src(%arg11 : memref<16x512xf32, #tpu.memory_space<vmem>>) dst(%dma_wait3A_100 : memref<16x512xf32, #tpu.memory_space<hbm>>)
          tpu.yield
        }) : () -> ()
        "tpu.region"() ({
          %run_scoped3A = tpu.sem_alloc : memref<!tpu.dma_semaphore, #tpu.memory_space<semaphore_mem>>
          %dma_start3A_93 = arith.constant 0 : i32
          %dma_start3A_94 = tpu.memref_slice %arg6[%add3A_92, %dma_start3A_93] : memref<4096x512xf32, #tpu.memory_space<hbm>> -> memref<16x512xf32, #tpu.memory_space<hbm>>
          %dma_start3A_95 = arith.constant 0 : i32
          %dma_start3A_96 = tpu.memref_slice %arg6[%add3A_92, %dma_start3A_95] : memref<4096x512xf32, #tpu.memory_space<hbm>> -> memref<16x512xf32, #tpu.memory_space<hbm>>
          tpu.enqueue_dma source(%arg12 : memref<16x512xf32, #tpu.memory_space<vmem>>) target(%dma_start3A_96 : memref<16x512xf32, #tpu.memory_space<hbm>>) target_semaphore(%run_scoped3A : memref<!tpu.dma_semaphore, #tpu.memory_space<semaphore_mem>>)
          %dma_wait3A_97 = arith.constant 0 : i32
          %dma_wait3A_98 = tpu.memref_slice %arg6[%add3A_92, %dma_wait3A_97] : memref<4096x512xf32, #tpu.memory_space<hbm>> -> memref<16x512xf32, #tpu.memory_space<hbm>>
          %dma_wait3A_99 = arith.constant 0 : i32
          %dma_wait3A_100 = tpu.memref_slice %arg6[%add3A_92, %dma_wait3A_99] : memref<4096x512xf32, #tpu.memory_space<hbm>> -> memref<16x512xf32, #tpu.memory_space<hbm>>
          tpu.wait_dma2 semaphore(%run_scoped3A : memref<!tpu.dma_semaphore, #tpu.memory_space<semaphore_mem>>) src(%arg12 : memref<16x512xf32, #tpu.memory_space<vmem>>) dst(%dma_wait3A_100 : memref<16x512xf32, #tpu.memory_space<hbm>>)
          tpu.yield
        }) : () -> ()
      } else {
      }
      %add3A_47 = arith.constant 2 : i32
      %add3A_48 = arith.addi %add3A_27, %add3A_47 : i32
      %lt3A = arith.constant 32 : i32
      %lt3A_49 = arith.cmpi slt, %add3A_48, %lt3A : i32
      %convert_element_type3A_50 = arith.extui %lt3A_49 : i1 to i32
      %cond3A_51 = arith.constant 0 : i32
      %cond3A_52 = arith.cmpi ne, %convert_element_type3A_50, %cond3A_51 : i32
      scf.if %cond3A_52 {
        %add3A_89 = arith.constant 2 : i32
        %add3A_90 = arith.addi %add3A_27, %add3A_89 : i32
        %dma_start3A_91 = arith.constant 0 : i32
        %dma_start3A_92 = tpu.memref_slice %arg7[%add3A_90, %dma_start3A_91] : memref<32x64xi32, #tpu.memory_space<vmem>> -> memref<1x64xi32, #tpu.memory_space<vmem>>
        %dma_start3A_93 = tpu.memref_squeeze %dma_start3A_92 : memref<1x64xi32, #tpu.memory_space<vmem>> -> memref<64xi32, #tpu.memory_space<vmem>>
        %dma_start3A_94 = arith.constant 0 : i32
        %dma_start3A_95 = arith.constant 0 : i32
        %dma_start3A_96 = tpu.memref_slice %arg2[%dma_start3A_94, %dma_start3A_95] : memref<16384x512xf32, #tpu.memory_space<hbm>> -> memref<16384x512xf32, #tpu.memory_space<hbm>>
        tpu.enqueue_indirect_dma source(%dma_start3A_96 : memref<16384x512xf32, #tpu.memory_space<hbm>>) target(%arg8 : memref<64x512xf32, #tpu.memory_space<vmem>>) offsets(%dma_start3A_93 : memref<64xi32, #tpu.memory_space<vmem>>) semaphore(%arg13 : memref<!tpu.dma_semaphore, #tpu.memory_space<semaphore_mem>>)
      } else {
      }
      %mul3A_53 = arith.constant 2 : i32
      %mul3A_54 = arith.muli %mul3A_53, %scan3A_22 : i32
      %add3A_55 = arith.constant 1 : i32
      %add3A_56 = arith.addi %mul3A_54, %add3A_55 : i32
      %dma_wait3A_57 = arith.constant 0 : i32
      %dma_wait3A_58 = tpu.memref_slice %arg7[%add3A_56, %dma_wait3A_57] : memref<32x64xi32, #tpu.memory_space<vmem>> -> memref<1x64xi32, #tpu.memory_space<vmem>>
      %dma_wait3A_59 = tpu.memref_squeeze %dma_wait3A_58 : memref<1x64xi32, #tpu.memory_space<vmem>> -> memref<64xi32, #tpu.memory_space<vmem>>
      %dma_wait3A_60 = arith.constant 0 : i32
      %dma_wait3A_61 = arith.constant 0 : i32
      %dma_wait3A_62 = tpu.memref_slice %arg2[%dma_wait3A_60, %dma_wait3A_61] : memref<16384x512xf32, #tpu.memory_space<hbm>> -> memref<16384x512xf32, #tpu.memory_space<hbm>>
      tpu.wait_indirect_dma semaphore(%arg14 : memref<!tpu.dma_semaphore, #tpu.memory_space<semaphore_mem>>) src(%dma_wait3A_62 : memref<16384x512xf32, #tpu.memory_space<hbm>>) dst(%arg9 : memref<64x512xf32, #tpu.memory_space<vmem>>)
      %rem3A_63 = arith.constant 4 : i32
      %rem3A_64 = arith.remsi %add3A_56, %rem3A_63 : i32
      %mul3A_65 = arith.constant 4 : i32
      %mul3A_66 = arith.muli %rem3A_64, %mul3A_65 : i32
      %scan3A_67 = arith.constant 0 : i32
      %scan3A_68 = arith.constant 0 : i32
      %scan3A_69 = arith.constant 32 : i32
      %scan3A_70 = arith.addi %scan3A_68, %scan3A_69 : i32
      %scan3A_71 = arith.constant 1 : i32
      %scan3A_72 = scf.for %scan3A_89 = %scan3A_68 to %scan3A_70 step %scan3A_71 iter_args(%scan3A_90 = %scan3A_67) -> (i32)  : i32 {
        %mul3A_91 = arith.constant 16 : i32
        %mul3A_92 = arith.muli %scan3A_89, %mul3A_91 : i32
        %get3A = arith.constant 0 : i32
        %get3A_93 = arith.index_cast %get3A : i32 to index
        %get3A_94 = arith.index_cast %mul3A_92 : i32 to index
        %get3A_95 = tpu.vector_load %arg9[%get3A_93, %get3A_94] {strides = array<i32>} : memref<64x512xf32, #tpu.memory_space<vmem>>, vector<1x16xf32>,
        %get3A_96 = vector.shape_cast %get3A_95 : vector<1x16xf32> to vector<16xf32>
        %mul3A_97 = arith.mulf %get3A_96, %get3A_96 : vector<16xf32>
        %get3A_98 = arith.constant 1 : i32
        %get3A_99 = arith.index_cast %get3A_98 : i32 to index
        %get3A_100 = arith.index_cast %mul3A_92 : i32 to index
        %get3A_101 = tpu.vector_load %arg9[%get3A_99, %get3A_100] {strides = array<i32>} : memref<64x512xf32, #tpu.memory_space<vmem>>, vector<1x16xf32>,
        %get3A_102 = vector.shape_cast %get3A_101 : vector<1x16xf32> to vector<16xf32>
        %max3A = arith.maximumf %get3A_96, %get3A_102 : vector<16xf32>
        %add3A_103 = arith.addf %get3A_96, %get3A_102 : vector<16xf32>
        %mul3A_104 = arith.mulf %get3A_102, %get3A_102 : vector<16xf32>
        %add3A_105 = arith.addf %mul3A_97, %mul3A_104 : vector<16xf32>
        %get3A_106 = arith.constant 2 : i32
        %get3A_107 = arith.index_cast %get3A_106 : i32 to index
        %get3A_108 = arith.index_cast %mul3A_92 : i32 to index
        %get3A_109 = tpu.vector_load %arg9[%get3A_107, %get3A_108] {strides = array<i32>} : memref<64x512xf32, #tpu.memory_space<vmem>>, vector<1x16xf32>,
        %get3A_110 = vector.shape_cast %get3A_109 : vector<1x16xf32> to vector<16xf32>
        %max3A_111 = arith.maximumf %max3A, %get3A_110 : vector<16xf32>
        %add3A_112 = arith.addf %add3A_103, %get3A_110 : vector<16xf32>
        %mul3A_113 = arith.mulf %get3A_110, %get3A_110 : vector<16xf32>
        %add3A_114 = arith.addf %add3A_105, %mul3A_113 : vector<16xf32>
        %get3A_115 = arith.constant 3 : i32
        %get3A_116 = arith.index_cast %get3A_115 : i32 to index
        %get3A_117 = arith.index_cast %mul3A_92 : i32 to index
        %get3A_118 = tpu.vector_load %arg9[%get3A_116, %get3A_117] {strides = array<i32>} : memref<64x512xf32, #tpu.memory_space<vmem>>, vector<1x16xf32>,
        %get3A_119 = vector.shape_cast %get3A_118 : vector<1x16xf32> to vector<16xf32>
        %max3A_120 = arith.maximumf %max3A_111, %get3A_119 : vector<16xf32>
        %add3A_121 = arith.addf %add3A_112, %get3A_119 : vector<16xf32>
        %mul3A_122 = arith.mulf %get3A_119, %get3A_119 : vector<16xf32>
        %add3A_123 = arith.addf %add3A_114, %mul3A_122 : vector<16xf32>
        %get3A_124 = arith.constant 4 : i32
        %get3A_125 = arith.index_cast %get3A_124 : i32 to index
        %get3A_126 = arith.index_cast %mul3A_92 : i32 to index
        %get3A_127 = tpu.vector_load %arg9[%get3A_125, %get3A_126] {strides = array<i32>} : memref<64x512xf32, #tpu.memory_space<vmem>>, vector<1x16xf32>,
        %get3A_128 = vector.shape_cast %get3A_127 : vector<1x16xf32> to vector<16xf32>
        %max3A_129 = arith.maximumf %max3A_120, %get3A_128 : vector<16xf32>
        %add3A_130 = arith.addf %add3A_121, %get3A_128 : vector<16xf32>
        %mul3A_131 = arith.mulf %get3A_128, %get3A_128 : vector<16xf32>
        %add3A_132 = arith.addf %add3A_123, %mul3A_131 : vector<16xf32>
        %get3A_133 = arith.constant 5 : i32
        %get3A_134 = arith.index_cast %get3A_133 : i32 to index
        %get3A_135 = arith.index_cast %mul3A_92 : i32 to index
        %get3A_136 = tpu.vector_load %arg9[%get3A_134, %get3A_135] {strides = array<i32>} : memref<64x512xf32, #tpu.memory_space<vmem>>, vector<1x16xf32>,
        %get3A_137 = vector.shape_cast %get3A_136 : vector<1x16xf32> to vector<16xf32>
        %max3A_138 = arith.maximumf %max3A_129, %get3A_137 : vector<16xf32>
        %add3A_139 = arith.addf %add3A_130, %get3A_137 : vector<16xf32>
        %mul3A_140 = arith.mulf %get3A_137, %get3A_137 : vector<16xf32>
        %add3A_141 = arith.addf %add3A_132, %mul3A_140 : vector<16xf32>
        %get3A_142 = arith.constant 6 : i32
        %get3A_143 = arith.index_cast %get3A_142 : i32 to index
        %get3A_144 = arith.index_cast %mul3A_92 : i32 to index
        %get3A_145 = tpu.vector_load %arg9[%get3A_143, %get3A_144] {strides = array<i32>} : memref<64x512xf32, #tpu.memory_space<vmem>>, vector<1x16xf32>,
        %get3A_146 = vector.shape_cast %get3A_145 : vector<1x16xf32> to vector<16xf32>
        %max3A_147 = arith.maximumf %max3A_138, %get3A_146 : vector<16xf32>
        %add3A_148 = arith.addf %add3A_139, %get3A_146 : vector<16xf32>
        %mul3A_149 = arith.mulf %get3A_146, %get3A_146 : vector<16xf32>
        %add3A_150 = arith.addf %add3A_141, %mul3A_149 : vector<16xf32>
        %get3A_151 = arith.constant 7 : i32
        %get3A_152 = arith.index_cast %get3A_151 : i32 to index
        %get3A_153 = arith.index_cast %mul3A_92 : i32 to index
        %get3A_154 = tpu.vector_load %arg9[%get3A_152, %get3A_153] {strides = array<i32>} : memref<64x512xf32, #tpu.memory_space<vmem>>, vector<1x16xf32>,
        %get3A_155 = vector.shape_cast %get3A_154 : vector<1x16xf32> to vector<16xf32>
        %max3A_156 = arith.maximumf %max3A_147, %get3A_155 : vector<16xf32>
        %add3A_157 = arith.addf %add3A_148, %get3A_155 : vector<16xf32>
        %mul3A_158 = arith.mulf %get3A_155, %get3A_155 : vector<16xf32>
        %add3A_159 = arith.addf %add3A_150, %mul3A_158 : vector<16xf32>
        %get3A_160 = arith.constant 8 : i32
        %get3A_161 = arith.index_cast %get3A_160 : i32 to index
        %get3A_162 = arith.index_cast %mul3A_92 : i32 to index
        %get3A_163 = tpu.vector_load %arg9[%get3A_161, %get3A_162] {strides = array<i32>} : memref<64x512xf32, #tpu.memory_space<vmem>>, vector<1x16xf32>,
        %get3A_164 = vector.shape_cast %get3A_163 : vector<1x16xf32> to vector<16xf32>
        %max3A_165 = arith.maximumf %max3A_156, %get3A_164 : vector<16xf32>
        %add3A_166 = arith.addf %add3A_157, %get3A_164 : vector<16xf32>
        %mul3A_167 = arith.mulf %get3A_164, %get3A_164 : vector<16xf32>
        %add3A_168 = arith.addf %add3A_159, %mul3A_167 : vector<16xf32>
        %get3A_169 = arith.constant 9 : i32
        %get3A_170 = arith.index_cast %get3A_169 : i32 to index
        %get3A_171 = arith.index_cast %mul3A_92 : i32 to index
        %get3A_172 = tpu.vector_load %arg9[%get3A_170, %get3A_171] {strides = array<i32>} : memref<64x512xf32, #tpu.memory_space<vmem>>, vector<1x16xf32>,
        %get3A_173 = vector.shape_cast %get3A_172 : vector<1x16xf32> to vector<16xf32>
        %max3A_174 = arith.maximumf %max3A_165, %get3A_173 : vector<16xf32>
        %add3A_175 = arith.addf %add3A_166, %get3A_173 : vector<16xf32>
        %mul3A_176 = arith.mulf %get3A_173, %get3A_173 : vector<16xf32>
        %add3A_177 = arith.addf %add3A_168, %mul3A_176 : vector<16xf32>
        %get3A_178 = arith.constant 10 : i32
        %get3A_179 = arith.index_cast %get3A_178 : i32 to index
        %get3A_180 = arith.index_cast %mul3A_92 : i32 to index
        %get3A_181 = tpu.vector_load %arg9[%get3A_179, %get3A_180] {strides = array<i32>} : memref<64x512xf32, #tpu.memory_space<vmem>>, vector<1x16xf32>,
        %get3A_182 = vector.shape_cast %get3A_181 : vector<1x16xf32> to vector<16xf32>
        %max3A_183 = arith.maximumf %max3A_174, %get3A_182 : vector<16xf32>
        %add3A_184 = arith.addf %add3A_175, %get3A_182 : vector<16xf32>
        %mul3A_185 = arith.mulf %get3A_182, %get3A_182 : vector<16xf32>
        %add3A_186 = arith.addf %add3A_177, %mul3A_185 : vector<16xf32>
        %get3A_187 = arith.constant 11 : i32
        %get3A_188 = arith.index_cast %get3A_187 : i32 to index
        %get3A_189 = arith.index_cast %mul3A_92 : i32 to index
        %get3A_190 = tpu.vector_load %arg9[%get3A_188, %get3A_189] {strides = array<i32>} : memref<64x512xf32, #tpu.memory_space<vmem>>, vector<1x16xf32>,
        %get3A_191 = vector.shape_cast %get3A_190 : vector<1x16xf32> to vector<16xf32>
        %max3A_192 = arith.maximumf %max3A_183, %get3A_191 : vector<16xf32>
        %add3A_193 = arith.addf %add3A_184, %get3A_191 : vector<16xf32>
        %mul3A_194 = arith.mulf %get3A_191, %get3A_191 : vector<16xf32>
        %add3A_195 = arith.addf %add3A_186, %mul3A_194 : vector<16xf32>
        %get3A_196 = arith.constant 12 : i32
        %get3A_197 = arith.index_cast %get3A_196 : i32 to index
        %get3A_198 = arith.index_cast %mul3A_92 : i32 to index
        %get3A_199 = tpu.vector_load %arg9[%get3A_197, %get3A_198] {strides = array<i32>} : memref<64x512xf32, #tpu.memory_space<vmem>>, vector<1x16xf32>,
        %get3A_200 = vector.shape_cast %get3A_199 : vector<1x16xf32> to vector<16xf32>
        %max3A_201 = arith.maximumf %max3A_192, %get3A_200 : vector<16xf32>
        %add3A_202 = arith.addf %add3A_193, %get3A_200 : vector<16xf32>
        %mul3A_203 = arith.mulf %get3A_200, %get3A_200 : vector<16xf32>
        %add3A_204 = arith.addf %add3A_195, %mul3A_203 : vector<16xf32>
        %get3A_205 = arith.constant 13 : i32
        %get3A_206 = arith.index_cast %get3A_205 : i32 to index
        %get3A_207 = arith.index_cast %mul3A_92 : i32 to index
        %get3A_208 = tpu.vector_load %arg9[%get3A_206, %get3A_207] {strides = array<i32>} : memref<64x512xf32, #tpu.memory_space<vmem>>, vector<1x16xf32>,
        %get3A_209 = vector.shape_cast %get3A_208 : vector<1x16xf32> to vector<16xf32>
        %max3A_210 = arith.maximumf %max3A_201, %get3A_209 : vector<16xf32>
        %add3A_211 = arith.addf %add3A_202, %get3A_209 : vector<16xf32>
        %mul3A_212 = arith.mulf %get3A_209, %get3A_209 : vector<16xf32>
        %add3A_213 = arith.addf %add3A_204, %mul3A_212 : vector<16xf32>
        %get3A_214 = arith.constant 14 : i32
        %get3A_215 = arith.index_cast %get3A_214 : i32 to index
        %get3A_216 = arith.index_cast %mul3A_92 : i32 to index
        %get3A_217 = tpu.vector_load %arg9[%get3A_215, %get3A_216] {strides = array<i32>} : memref<64x512xf32, #tpu.memory_space<vmem>>, vector<1x16xf32>,
        %get3A_218 = vector.shape_cast %get3A_217 : vector<1x16xf32> to vector<16xf32>
        %max3A_219 = arith.maximumf %max3A_210, %get3A_218 : vector<16xf32>
        %add3A_220 = arith.addf %add3A_211, %get3A_218 : vector<16xf32>
        %mul3A_221 = arith.mulf %get3A_218, %get3A_218 : vector<16xf32>
        %add3A_222 = arith.addf %add3A_213, %mul3A_221 : vector<16xf32>
        %get3A_223 = arith.constant 15 : i32
        %get3A_224 = arith.index_cast %get3A_223 : i32 to index
        %get3A_225 = arith.index_cast %mul3A_92 : i32 to index
        %get3A_226 = tpu.vector_load %arg9[%get3A_224, %get3A_225] {strides = array<i32>} : memref<64x512xf32, #tpu.memory_space<vmem>>, vector<1x16xf32>,
        %get3A_227 = vector.shape_cast %get3A_226 : vector<1x16xf32> to vector<16xf32>
        %max3A_228 = arith.maximumf %max3A_219, %get3A_227 : vector<16xf32>
        %add3A_229 = arith.addf %add3A_220, %get3A_227 : vector<16xf32>
        %mul3A_230 = arith.mulf %get3A_227, %get3A_227 : vector<16xf32>
        %add3A_231 = arith.addf %add3A_222, %mul3A_230 : vector<16xf32>
        %add3A_232 = arith.constant 0 : i32
        %add3A_233 = arith.addi %mul3A_66, %add3A_232 : i32
        %swap3A = arith.index_cast %add3A_233 : i32 to index
        %swap3A_234 = arith.index_cast %mul3A_92 : i32 to index
        %swap3A_235 = tpu.vector_load %arg10[%swap3A, %swap3A_234] {strides = array<i32>} : memref<16x512xf32, #tpu.memory_space<vmem>>, vector<1x16xf32>,
        %swap3A_236 = vector.shape_cast %swap3A_235 : vector<1x16xf32> to vector<16xf32>
        %swap3A_237 = vector.shape_cast %max3A_228 : vector<16xf32> to vector<1x16xf32>
        tpu.vector_store %arg10[%swap3A, %swap3A_234], %swap3A_237 {strides = array<i32>} : memref<16x512xf32, #tpu.memory_space<vmem>>, vector<1x16xf32>,
        %add3A_238 = arith.constant 0 : i32
        %add3A_239 = arith.addi %mul3A_66, %add3A_238 : i32
        %swap3A_240 = arith.index_cast %add3A_239 : i32 to index
        %swap3A_241 = arith.index_cast %mul3A_92 : i32 to index
        %swap3A_242 = tpu.vector_load %arg11[%swap3A_240, %swap3A_241] {strides = array<i32>} : memref<16x512xf32, #tpu.memory_space<vmem>>, vector<1x16xf32>,
        %swap3A_243 = vector.shape_cast %swap3A_242 : vector<1x16xf32> to vector<16xf32>
        %swap3A_244 = vector.shape_cast %add3A_229 : vector<16xf32> to vector<1x16xf32>
        tpu.vector_store %arg11[%swap3A_240, %swap3A_241], %swap3A_244 {strides = array<i32>} : memref<16x512xf32, #tpu.memory_space<vmem>>, vector<1x16xf32>,
        %add3A_245 = arith.constant 0 : i32
        %add3A_246 = arith.addi %mul3A_66, %add3A_245 : i32
        %swap3A_247 = arith.index_cast %add3A_246 : i32 to index
        %swap3A_248 = arith.index_cast %mul3A_92 : i32 to index
        %swap3A_249 = tpu.vector_load %arg12[%swap3A_247, %swap3A_248] {strides = array<i32>} : memref<16x512xf32, #tpu.memory_space<vmem>>, vector<1x16xf32>,
        %swap3A_250 = vector.shape_cast %swap3A_249 : vector<1x16xf32> to vector<16xf32>
        %swap3A_251 = vector.shape_cast %add3A_231 : vector<16xf32> to vector<1x16xf32>
        tpu.vector_store %arg12[%swap3A_247, %swap3A_248], %swap3A_251 {strides = array<i32>} : memref<16x512xf32, #tpu.memory_space<vmem>>, vector<1x16xf32>,
        %get3A_252 = arith.constant 16 : i32
        %get3A_253 = arith.index_cast %get3A_252 : i32 to index
        %get3A_254 = arith.index_cast %mul3A_92 : i32 to index
        %get3A_255 = tpu.vector_load %arg9[%get3A_253, %get3A_254] {strides = array<i32>} : memref<64x512xf32, #tpu.memory_space<vmem>>, vector<1x16xf32>,
        %get3A_256 = vector.shape_cast %get3A_255 : vector<1x16xf32> to vector<16xf32>
        %mul3A_257 = arith.mulf %get3A_256, %get3A_256 : vector<16xf32>
        %get3A_258 = arith.constant 17 : i32
        %get3A_259 = arith.index_cast %get3A_258 : i32 to index
        %get3A_260 = arith.index_cast %mul3A_92 : i32 to index
        %get3A_261 = tpu.vector_load %arg9[%get3A_259, %get3A_260] {strides = array<i32>} : memref<64x512xf32, #tpu.memory_space<vmem>>, vector<1x16xf32>,
        %get3A_262 = vector.shape_cast %get3A_261 : vector<1x16xf32> to vector<16xf32>
        %max3A_263 = arith.maximumf %get3A_256, %get3A_262 : vector<16xf32>
        %add3A_264 = arith.addf %get3A_256, %get3A_262 : vector<16xf32>
        %mul3A_265 = arith.mulf %get3A_262, %get3A_262 : vector<16xf32>
        %add3A_266 = arith.addf %mul3A_257, %mul3A_265 : vector<16xf32>
        %get3A_267 = arith.constant 18 : i32
        %get3A_268 = arith.index_cast %get3A_267 : i32 to index
        %get3A_269 = arith.index_cast %mul3A_92 : i32 to index
        %get3A_270 = tpu.vector_load %arg9[%get3A_268, %get3A_269] {strides = array<i32>} : memref<64x512xf32, #tpu.memory_space<vmem>>, vector<1x16xf32>,
        %get3A_271 = vector.shape_cast %get3A_270 : vector<1x16xf32> to vector<16xf32>
        %max3A_272 = arith.maximumf %max3A_263, %get3A_271 : vector<16xf32>
        %add3A_273 = arith.addf %add3A_264, %get3A_271 : vector<16xf32>
        %mul3A_274 = arith.mulf %get3A_271, %get3A_271 : vector<16xf32>
        %add3A_275 = arith.addf %add3A_266, %mul3A_274 : vector<16xf32>
        %get3A_276 = arith.constant 19 : i32
        %get3A_277 = arith.index_cast %get3A_276 : i32 to index
        %get3A_278 = arith.index_cast %mul3A_92 : i32 to index
        %get3A_279 = tpu.vector_load %arg9[%get3A_277, %get3A_278] {strides = array<i32>} : memref<64x512xf32, #tpu.memory_space<vmem>>, vector<1x16xf32>,
        %get3A_280 = vector.shape_cast %get3A_279 : vector<1x16xf32> to vector<16xf32>
        %max3A_281 = arith.maximumf %max3A_272, %get3A_280 : vector<16xf32>
        %add3A_282 = arith.addf %add3A_273, %get3A_280 : vector<16xf32>
        %mul3A_283 = arith.mulf %get3A_280, %get3A_280 : vector<16xf32>
        %add3A_284 = arith.addf %add3A_275, %mul3A_283 : vector<16xf32>
        %get3A_285 = arith.constant 20 : i32
        %get3A_286 = arith.index_cast %get3A_285 : i32 to index
        %get3A_287 = arith.index_cast %mul3A_92 : i32 to index
        %get3A_288 = tpu.vector_load %arg9[%get3A_286, %get3A_287] {strides = array<i32>} : memref<64x512xf32, #tpu.memory_space<vmem>>, vector<1x16xf32>,
        %get3A_289 = vector.shape_cast %get3A_288 : vector<1x16xf32> to vector<16xf32>
        %max3A_290 = arith.maximumf %max3A_281, %get3A_289 : vector<16xf32>
        %add3A_291 = arith.addf %add3A_282, %get3A_289 : vector<16xf32>
        %mul3A_292 = arith.mulf %get3A_289, %get3A_289 : vector<16xf32>
        %add3A_293 = arith.addf %add3A_284, %mul3A_292 : vector<16xf32>
        %get3A_294 = arith.constant 21 : i32
        %get3A_295 = arith.index_cast %get3A_294 : i32 to index
        %get3A_296 = arith.index_cast %mul3A_92 : i32 to index
        %get3A_297 = tpu.vector_load %arg9[%get3A_295, %get3A_296] {strides = array<i32>} : memref<64x512xf32, #tpu.memory_space<vmem>>, vector<1x16xf32>,
        %get3A_298 = vector.shape_cast %get3A_297 : vector<1x16xf32> to vector<16xf32>
        %max3A_299 = arith.maximumf %max3A_290, %get3A_298 : vector<16xf32>
        %add3A_300 = arith.addf %add3A_291, %get3A_298 : vector<16xf32>
        %mul3A_301 = arith.mulf %get3A_298, %get3A_298 : vector<16xf32>
        %add3A_302 = arith.addf %add3A_293, %mul3A_301 : vector<16xf32>
        %get3A_303 = arith.constant 22 : i32
        %get3A_304 = arith.index_cast %get3A_303 : i32 to index
        %get3A_305 = arith.index_cast %mul3A_92 : i32 to index
        %get3A_306 = tpu.vector_load %arg9[%get3A_304, %get3A_305] {strides = array<i32>} : memref<64x512xf32, #tpu.memory_space<vmem>>, vector<1x16xf32>,
        %get3A_307 = vector.shape_cast %get3A_306 : vector<1x16xf32> to vector<16xf32>
        %max3A_308 = arith.maximumf %max3A_299, %get3A_307 : vector<16xf32>
        %add3A_309 = arith.addf %add3A_300, %get3A_307 : vector<16xf32>
        %mul3A_310 = arith.mulf %get3A_307, %get3A_307 : vector<16xf32>
        %add3A_311 = arith.addf %add3A_302, %mul3A_310 : vector<16xf32>
        %get3A_312 = arith.constant 23 : i32
        %get3A_313 = arith.index_cast %get3A_312 : i32 to index
        %get3A_314 = arith.index_cast %mul3A_92 : i32 to index
        %get3A_315 = tpu.vector_load %arg9[%get3A_313, %get3A_314] {strides = array<i32>} : memref<64x512xf32, #tpu.memory_space<vmem>>, vector<1x16xf32>,
        %get3A_316 = vector.shape_cast %get3A_315 : vector<1x16xf32> to vector<16xf32>
        %max3A_317 = arith.maximumf %max3A_308, %get3A_316 : vector<16xf32>
        %add3A_318 = arith.addf %add3A_309, %get3A_316 : vector<16xf32>
        %mul3A_319 = arith.mulf %get3A_316, %get3A_316 : vector<16xf32>
        %add3A_320 = arith.addf %add3A_311, %mul3A_319 : vector<16xf32>
        %get3A_321 = arith.constant 24 : i32
        %get3A_322 = arith.index_cast %get3A_321 : i32 to index
        %get3A_323 = arith.index_cast %mul3A_92 : i32 to index
        %get3A_324 = tpu.vector_load %arg9[%get3A_322, %get3A_323] {strides = array<i32>} : memref<64x512xf32, #tpu.memory_space<vmem>>, vector<1x16xf32>,
        %get3A_325 = vector.shape_cast %get3A_324 : vector<1x16xf32> to vector<16xf32>
        %max3A_326 = arith.maximumf %max3A_317, %get3A_325 : vector<16xf32>
        %add3A_327 = arith.addf %add3A_318, %get3A_325 : vector<16xf32>
        %mul3A_328 = arith.mulf %get3A_325, %get3A_325 : vector<16xf32>
        %add3A_329 = arith.addf %add3A_320, %mul3A_328 : vector<16xf32>
        %get3A_330 = arith.constant 25 : i32
        %get3A_331 = arith.index_cast %get3A_330 : i32 to index
        %get3A_332 = arith.index_cast %mul3A_92 : i32 to index
        %get3A_333 = tpu.vector_load %arg9[%get3A_331, %get3A_332] {strides = array<i32>} : memref<64x512xf32, #tpu.memory_space<vmem>>, vector<1x16xf32>,
        %get3A_334 = vector.shape_cast %get3A_333 : vector<1x16xf32> to vector<16xf32>
        %max3A_335 = arith.maximumf %max3A_326, %get3A_334 : vector<16xf32>
        %add3A_336 = arith.addf %add3A_327, %get3A_334 : vector<16xf32>
        %mul3A_337 = arith.mulf %get3A_334, %get3A_334 : vector<16xf32>
        %add3A_338 = arith.addf %add3A_329, %mul3A_337 : vector<16xf32>
        %get3A_339 = arith.constant 26 : i32
        %get3A_340 = arith.index_cast %get3A_339 : i32 to index
        %get3A_341 = arith.index_cast %mul3A_92 : i32 to index
        %get3A_342 = tpu.vector_load %arg9[%get3A_340, %get3A_341] {strides = array<i32>} : memref<64x512xf32, #tpu.memory_space<vmem>>, vector<1x16xf32>,
        %get3A_343 = vector.shape_cast %get3A_342 : vector<1x16xf32> to vector<16xf32>
        %max3A_344 = arith.maximumf %max3A_335, %get3A_343 : vector<16xf32>
        %add3A_345 = arith.addf %add3A_336, %get3A_343 : vector<16xf32>
        %mul3A_346 = arith.mulf %get3A_343, %get3A_343 : vector<16xf32>
        %add3A_347 = arith.addf %add3A_338, %mul3A_346 : vector<16xf32>
        %get3A_348 = arith.constant 27 : i32
        %get3A_349 = arith.index_cast %get3A_348 : i32 to index
        %get3A_350 = arith.index_cast %mul3A_92 : i32 to index
        %get3A_351 = tpu.vector_load %arg9[%get3A_349, %get3A_350] {strides = array<i32>} : memref<64x512xf32, #tpu.memory_space<vmem>>, vector<1x16xf32>,
        %get3A_352 = vector.shape_cast %get3A_351 : vector<1x16xf32> to vector<16xf32>
        %max3A_353 = arith.maximumf %max3A_344, %get3A_352 : vector<16xf32>
        %add3A_354 = arith.addf %add3A_345, %get3A_352 : vector<16xf32>
        %mul3A_355 = arith.mulf %get3A_352, %get3A_352 : vector<16xf32>
        %add3A_356 = arith.addf %add3A_347, %mul3A_355 : vector<16xf32>
        %get3A_357 = arith.constant 28 : i32
        %get3A_358 = arith.index_cast %get3A_357 : i32 to index
        %get3A_359 = arith.index_cast %mul3A_92 : i32 to index
        %get3A_360 = tpu.vector_load %arg9[%get3A_358, %get3A_359] {strides = array<i32>} : memref<64x512xf32, #tpu.memory_space<vmem>>, vector<1x16xf32>,
        %get3A_361 = vector.shape_cast %get3A_360 : vector<1x16xf32> to vector<16xf32>
        %max3A_362 = arith.maximumf %max3A_353, %get3A_361 : vector<16xf32>
        %add3A_363 = arith.addf %add3A_354, %get3A_361 : vector<16xf32>
        %mul3A_364 = arith.mulf %get3A_361, %get3A_361 : vector<16xf32>
        %add3A_365 = arith.addf %add3A_356, %mul3A_364 : vector<16xf32>
        %get3A_366 = arith.constant 29 : i32
        %get3A_367 = arith.index_cast %get3A_366 : i32 to index
        %get3A_368 = arith.index_cast %mul3A_92 : i32 to index
        %get3A_369 = tpu.vector_load %arg9[%get3A_367, %get3A_368] {strides = array<i32>} : memref<64x512xf32, #tpu.memory_space<vmem>>, vector<1x16xf32>,
        %get3A_370 = vector.shape_cast %get3A_369 : vector<1x16xf32> to vector<16xf32>
        %max3A_371 = arith.maximumf %max3A_362, %get3A_370 : vector<16xf32>
        %add3A_372 = arith.addf %add3A_363, %get3A_370 : vector<16xf32>
        %mul3A_373 = arith.mulf %get3A_370, %get3A_370 : vector<16xf32>
        %add3A_374 = arith.addf %add3A_365, %mul3A_373 : vector<16xf32>
        %get3A_375 = arith.constant 30 : i32
        %get3A_376 = arith.index_cast %get3A_375 : i32 to index
        %get3A_377 = arith.index_cast %mul3A_92 : i32 to index
        %get3A_378 = tpu.vector_load %arg9[%get3A_376, %get3A_377] {strides = array<i32>} : memref<64x512xf32, #tpu.memory_space<vmem>>, vector<1x16xf32>,
        %get3A_379 = vector.shape_cast %get3A_378 : vector<1x16xf32> to vector<16xf32>
        %max3A_380 = arith.maximumf %max3A_371, %get3A_379 : vector<16xf32>
        %add3A_381 = arith.addf %add3A_372, %get3A_379 : vector<16xf32>
        %mul3A_382 = arith.mulf %get3A_379, %get3A_379 : vector<16xf32>
        %add3A_383 = arith.addf %add3A_374, %mul3A_382 : vector<16xf32>
        %get3A_384 = arith.constant 31 : i32
        %get3A_385 = arith.index_cast %get3A_384 : i32 to index
        %get3A_386 = arith.index_cast %mul3A_92 : i32 to index
        %get3A_387 = tpu.vector_load %arg9[%get3A_385, %get3A_386] {strides = array<i32>} : memref<64x512xf32, #tpu.memory_space<vmem>>, vector<1x16xf32>,
        %get3A_388 = vector.shape_cast %get3A_387 : vector<1x16xf32> to vector<16xf32>
        %max3A_389 = arith.maximumf %max3A_380, %get3A_388 : vector<16xf32>
        %add3A_390 = arith.addf %add3A_381, %get3A_388 : vector<16xf32>
        %mul3A_391 = arith.mulf %get3A_388, %get3A_388 : vector<16xf32>
        %add3A_392 = arith.addf %add3A_383, %mul3A_391 : vector<16xf32>
        %add3A_393 = arith.constant 1 : i32
        %add3A_394 = arith.addi %mul3A_66, %add3A_393 : i32
        %swap3A_395 = arith.index_cast %add3A_394 : i32 to index
        %swap3A_396 = arith.index_cast %mul3A_92 : i32 to index
        %swap3A_397 = tpu.vector_load %arg10[%swap3A_395, %swap3A_396] {strides = array<i32>} : memref<16x512xf32, #tpu.memory_space<vmem>>, vector<1x16xf32>,
        %swap3A_398 = vector.shape_cast %swap3A_397 : vector<1x16xf32> to vector<16xf32>
        %swap3A_399 = vector.shape_cast %max3A_389 : vector<16xf32> to vector<1x16xf32>
        tpu.vector_store %arg10[%swap3A_395, %swap3A_396], %swap3A_399 {strides = array<i32>} : memref<16x512xf32, #tpu.memory_space<vmem>>, vector<1x16xf32>,
        %add3A_400 = arith.constant 1 : i32
        %add3A_401 = arith.addi %mul3A_66, %add3A_400 : i32
        %swap3A_402 = arith.index_cast %add3A_401 : i32 to index
        %swap3A_403 = arith.index_cast %mul3A_92 : i32 to index
        %swap3A_404 = tpu.vector_load %arg11[%swap3A_402, %swap3A_403] {strides = array<i32>} : memref<16x512xf32, #tpu.memory_space<vmem>>, vector<1x16xf32>,
        %swap3A_405 = vector.shape_cast %swap3A_404 : vector<1x16xf32> to vector<16xf32>
        %swap3A_406 = vector.shape_cast %add3A_390 : vector<16xf32> to vector<1x16xf32>
        tpu.vector_store %arg11[%swap3A_402, %swap3A_403], %swap3A_406 {strides = array<i32>} : memref<16x512xf32, #tpu.memory_space<vmem>>, vector<1x16xf32>,
        %add3A_407 = arith.constant 1 : i32
        %add3A_408 = arith.addi %mul3A_66, %add3A_407 : i32
        %swap3A_409 = arith.index_cast %add3A_408 : i32 to index
        %swap3A_410 = arith.index_cast %mul3A_92 : i32 to index
        %swap3A_411 = tpu.vector_load %arg12[%swap3A_409, %swap3A_410] {strides = array<i32>} : memref<16x512xf32, #tpu.memory_space<vmem>>, vector<1x16xf32>,
        %swap3A_412 = vector.shape_cast %swap3A_411 : vector<1x16xf32> to vector<16xf32>
        %swap3A_413 = vector.shape_cast %add3A_392 : vector<16xf32> to vector<1x16xf32>
        tpu.vector_store %arg12[%swap3A_409, %swap3A_410], %swap3A_413 {strides = array<i32>} : memref<16x512xf32, #tpu.memory_space<vmem>>, vector<1x16xf32>,
        %get3A_414 = arith.constant 32 : i32
        %get3A_415 = arith.index_cast %get3A_414 : i32 to index
        %get3A_416 = arith.index_cast %mul3A_92 : i32 to index
        %get3A_417 = tpu.vector_load %arg9[%get3A_415, %get3A_416] {strides = array<i32>} : memref<64x512xf32, #tpu.memory_space<vmem>>, vector<1x16xf32>,
        %get3A_418 = vector.shape_cast %get3A_417 : vector<1x16xf32> to vector<16xf32>
        %mul3A_419 = arith.mulf %get3A_418, %get3A_418 : vector<16xf32>
        %get3A_420 = arith.constant 33 : i32
        %get3A_421 = arith.index_cast %get3A_420 : i32 to index
        %get3A_422 = arith.index_cast %mul3A_92 : i32 to index
        %get3A_423 = tpu.vector_load %arg9[%get3A_421, %get3A_422] {strides = array<i32>} : memref<64x512xf32, #tpu.memory_space<vmem>>, vector<1x16xf32>,
        %get3A_424 = vector.shape_cast %get3A_423 : vector<1x16xf32> to vector<16xf32>
        %max3A_425 = arith.maximumf %get3A_418, %get3A_424 : vector<16xf32>
        %add3A_426 = arith.addf %get3A_418, %get3A_424 : vector<16xf32>
        %mul3A_427 = arith.mulf %get3A_424, %get3A_424 : vector<16xf32>
        %add3A_428 = arith.addf %mul3A_419, %mul3A_427 : vector<16xf32>
        %get3A_429 = arith.constant 34 : i32
        %get3A_430 = arith.index_cast %get3A_429 : i32 to index
        %get3A_431 = arith.index_cast %mul3A_92 : i32 to index
        %get3A_432 = tpu.vector_load %arg9[%get3A_430, %get3A_431] {strides = array<i32>} : memref<64x512xf32, #tpu.memory_space<vmem>>, vector<1x16xf32>,
        %get3A_433 = vector.shape_cast %get3A_432 : vector<1x16xf32> to vector<16xf32>
        %max3A_434 = arith.maximumf %max3A_425, %get3A_433 : vector<16xf32>
        %add3A_435 = arith.addf %add3A_426, %get3A_433 : vector<16xf32>
        %mul3A_436 = arith.mulf %get3A_433, %get3A_433 : vector<16xf32>
        %add3A_437 = arith.addf %add3A_428, %mul3A_436 : vector<16xf32>
        %get3A_438 = arith.constant 35 : i32
        %get3A_439 = arith.index_cast %get3A_438 : i32 to index
        %get3A_440 = arith.index_cast %mul3A_92 : i32 to index
        %get3A_441 = tpu.vector_load %arg9[%get3A_439, %get3A_440] {strides = array<i32>} : memref<64x512xf32, #tpu.memory_space<vmem>>, vector<1x16xf32>,
        %get3A_442 = vector.shape_cast %get3A_441 : vector<1x16xf32> to vector<16xf32>
        %max3A_443 = arith.maximumf %max3A_434, %get3A_442 : vector<16xf32>
        %add3A_444 = arith.addf %add3A_435, %get3A_442 : vector<16xf32>
        %mul3A_445 = arith.mulf %get3A_442, %get3A_442 : vector<16xf32>
        %add3A_446 = arith.addf %add3A_437, %mul3A_445 : vector<16xf32>
        %get3A_447 = arith.constant 36 : i32
        %get3A_448 = arith.index_cast %get3A_447 : i32 to index
        %get3A_449 = arith.index_cast %mul3A_92 : i32 to index
        %get3A_450 = tpu.vector_load %arg9[%get3A_448, %get3A_449] {strides = array<i32>} : memref<64x512xf32, #tpu.memory_space<vmem>>, vector<1x16xf32>,
        %get3A_451 = vector.shape_cast %get3A_450 : vector<1x16xf32> to vector<16xf32>
        %max3A_452 = arith.maximumf %max3A_443, %get3A_451 : vector<16xf32>
        %add3A_453 = arith.addf %add3A_444, %get3A_451 : vector<16xf32>
        %mul3A_454 = arith.mulf %get3A_451, %get3A_451 : vector<16xf32>
        %add3A_455 = arith.addf %add3A_446, %mul3A_454 : vector<16xf32>
        %get3A_456 = arith.constant 37 : i32
        %get3A_457 = arith.index_cast %get3A_456 : i32 to index
        %get3A_458 = arith.index_cast %mul3A_92 : i32 to index
        %get3A_459 = tpu.vector_load %arg9[%get3A_457, %get3A_458] {strides = array<i32>} : memref<64x512xf32, #tpu.memory_space<vmem>>, vector<1x16xf32>,
        %get3A_460 = vector.shape_cast %get3A_459 : vector<1x16xf32> to vector<16xf32>
        %max3A_461 = arith.maximumf %max3A_452, %get3A_460 : vector<16xf32>
        %add3A_462 = arith.addf %add3A_453, %get3A_460 : vector<16xf32>
        %mul3A_463 = arith.mulf %get3A_460, %get3A_460 : vector<16xf32>
        %add3A_464 = arith.addf %add3A_455, %mul3A_463 : vector<16xf32>
        %get3A_465 = arith.constant 38 : i32
        %get3A_466 = arith.index_cast %get3A_465 : i32 to index
        %get3A_467 = arith.index_cast %mul3A_92 : i32 to index
        %get3A_468 = tpu.vector_load %arg9[%get3A_466, %get3A_467] {strides = array<i32>} : memref<64x512xf32, #tpu.memory_space<vmem>>, vector<1x16xf32>,
        %get3A_469 = vector.shape_cast %get3A_468 : vector<1x16xf32> to vector<16xf32>
        %max3A_470 = arith.maximumf %max3A_461, %get3A_469 : vector<16xf32>
        %add3A_471 = arith.addf %add3A_462, %get3A_469 : vector<16xf32>
        %mul3A_472 = arith.mulf %get3A_469, %get3A_469 : vector<16xf32>
        %add3A_473 = arith.addf %add3A_464, %mul3A_472 : vector<16xf32>
        %get3A_474 = arith.constant 39 : i32
        %get3A_475 = arith.index_cast %get3A_474 : i32 to index
        %get3A_476 = arith.index_cast %mul3A_92 : i32 to index
        %get3A_477 = tpu.vector_load %arg9[%get3A_475, %get3A_476] {strides = array<i32>} : memref<64x512xf32, #tpu.memory_space<vmem>>, vector<1x16xf32>,
        %get3A_478 = vector.shape_cast %get3A_477 : vector<1x16xf32> to vector<16xf32>
        %max3A_479 = arith.maximumf %max3A_470, %get3A_478 : vector<16xf32>
        %add3A_480 = arith.addf %add3A_471, %get3A_478 : vector<16xf32>
        %mul3A_481 = arith.mulf %get3A_478, %get3A_478 : vector<16xf32>
        %add3A_482 = arith.addf %add3A_473, %mul3A_481 : vector<16xf32>
        %get3A_483 = arith.constant 40 : i32
        %get3A_484 = arith.index_cast %get3A_483 : i32 to index
        %get3A_485 = arith.index_cast %mul3A_92 : i32 to index
        %get3A_486 = tpu.vector_load %arg9[%get3A_484, %get3A_485] {strides = array<i32>} : memref<64x512xf32, #tpu.memory_space<vmem>>, vector<1x16xf32>,
        %get3A_487 = vector.shape_cast %get3A_486 : vector<1x16xf32> to vector<16xf32>
        %max3A_488 = arith.maximumf %max3A_479, %get3A_487 : vector<16xf32>
        %add3A_489 = arith.addf %add3A_480, %get3A_487 : vector<16xf32>
        %mul3A_490 = arith.mulf %get3A_487, %get3A_487 : vector<16xf32>
        %add3A_491 = arith.addf %add3A_482, %mul3A_490 : vector<16xf32>
        %get3A_492 = arith.constant 41 : i32
        %get3A_493 = arith.index_cast %get3A_492 : i32 to index
        %get3A_494 = arith.index_cast %mul3A_92 : i32 to index
        %get3A_495 = tpu.vector_load %arg9[%get3A_493, %get3A_494] {strides = array<i32>} : memref<64x512xf32, #tpu.memory_space<vmem>>, vector<1x16xf32>,
        %get3A_496 = vector.shape_cast %get3A_495 : vector<1x16xf32> to vector<16xf32>
        %max3A_497 = arith.maximumf %max3A_488, %get3A_496 : vector<16xf32>
        %add3A_498 = arith.addf %add3A_489, %get3A_496 : vector<16xf32>
        %mul3A_499 = arith.mulf %get3A_496, %get3A_496 : vector<16xf32>
        %add3A_500 = arith.addf %add3A_491, %mul3A_499 : vector<16xf32>
        %get3A_501 = arith.constant 42 : i32
        %get3A_502 = arith.index_cast %get3A_501 : i32 to index
        %get3A_503 = arith.index_cast %mul3A_92 : i32 to index
        %get3A_504 = tpu.vector_load %arg9[%get3A_502, %get3A_503] {strides = array<i32>} : memref<64x512xf32, #tpu.memory_space<vmem>>, vector<1x16xf32>,
        %get3A_505 = vector.shape_cast %get3A_504 : vector<1x16xf32> to vector<16xf32>
        %max3A_506 = arith.maximumf %max3A_497, %get3A_505 : vector<16xf32>
        %add3A_507 = arith.addf %add3A_498, %get3A_505 : vector<16xf32>
        %mul3A_508 = arith.mulf %get3A_505, %get3A_505 : vector<16xf32>
        %add3A_509 = arith.addf %add3A_500, %mul3A_508 : vector<16xf32>
        %get3A_510 = arith.constant 43 : i32
        %get3A_511 = arith.index_cast %get3A_510 : i32 to index
        %get3A_512 = arith.index_cast %mul3A_92 : i32 to index
        %get3A_513 = tpu.vector_load %arg9[%get3A_511, %get3A_512] {strides = array<i32>} : memref<64x512xf32, #tpu.memory_space<vmem>>, vector<1x16xf32>,
        %get3A_514 = vector.shape_cast %get3A_513 : vector<1x16xf32> to vector<16xf32>
        %max3A_515 = arith.maximumf %max3A_506, %get3A_514 : vector<16xf32>
        %add3A_516 = arith.addf %add3A_507, %get3A_514 : vector<16xf32>
        %mul3A_517 = arith.mulf %get3A_514, %get3A_514 : vector<16xf32>
        %add3A_518 = arith.addf %add3A_509, %mul3A_517 : vector<16xf32>
        %get3A_519 = arith.constant 44 : i32
        %get3A_520 = arith.index_cast %get3A_519 : i32 to index
        %get3A_521 = arith.index_cast %mul3A_92 : i32 to index
        %get3A_522 = tpu.vector_load %arg9[%get3A_520, %get3A_521] {strides = array<i32>} : memref<64x512xf32, #tpu.memory_space<vmem>>, vector<1x16xf32>,
        %get3A_523 = vector.shape_cast %get3A_522 : vector<1x16xf32> to vector<16xf32>
        %max3A_524 = arith.maximumf %max3A_515, %get3A_523 : vector<16xf32>
        %add3A_525 = arith.addf %add3A_516, %get3A_523 : vector<16xf32>
        %mul3A_526 = arith.mulf %get3A_523, %get3A_523 : vector<16xf32>
        %add3A_527 = arith.addf %add3A_518, %mul3A_526 : vector<16xf32>
        %get3A_528 = arith.constant 45 : i32
        %get3A_529 = arith.index_cast %get3A_528 : i32 to index
        %get3A_530 = arith.index_cast %mul3A_92 : i32 to index
        %get3A_531 = tpu.vector_load %arg9[%get3A_529, %get3A_530] {strides = array<i32>} : memref<64x512xf32, #tpu.memory_space<vmem>>, vector<1x16xf32>,
        %get3A_532 = vector.shape_cast %get3A_531 : vector<1x16xf32> to vector<16xf32>
        %max3A_533 = arith.maximumf %max3A_524, %get3A_532 : vector<16xf32>
        %add3A_534 = arith.addf %add3A_525, %get3A_532 : vector<16xf32>
        %mul3A_535 = arith.mulf %get3A_532, %get3A_532 : vector<16xf32>
        %add3A_536 = arith.addf %add3A_527, %mul3A_535 : vector<16xf32>
        %get3A_537 = arith.constant 46 : i32
        %get3A_538 = arith.index_cast %get3A_537 : i32 to index
        %get3A_539 = arith.index_cast %mul3A_92 : i32 to index
        %get3A_540 = tpu.vector_load %arg9[%get3A_538, %get3A_539] {strides = array<i32>} : memref<64x512xf32, #tpu.memory_space<vmem>>, vector<1x16xf32>,
        %get3A_541 = vector.shape_cast %get3A_540 : vector<1x16xf32> to vector<16xf32>
        %max3A_542 = arith.maximumf %max3A_533, %get3A_541 : vector<16xf32>
        %add3A_543 = arith.addf %add3A_534, %get3A_541 : vector<16xf32>
        %mul3A_544 = arith.mulf %get3A_541, %get3A_541 : vector<16xf32>
        %add3A_545 = arith.addf %add3A_536, %mul3A_544 : vector<16xf32>
        %get3A_546 = arith.constant 47 : i32
        %get3A_547 = arith.index_cast %get3A_546 : i32 to index
        %get3A_548 = arith.index_cast %mul3A_92 : i32 to index
        %get3A_549 = tpu.vector_load %arg9[%get3A_547, %get3A_548] {strides = array<i32>} : memref<64x512xf32, #tpu.memory_space<vmem>>, vector<1x16xf32>,
        %get3A_550 = vector.shape_cast %get3A_549 : vector<1x16xf32> to vector<16xf32>
        %max3A_551 = arith.maximumf %max3A_542, %get3A_550 : vector<16xf32>
        %add3A_552 = arith.addf %add3A_543, %get3A_550 : vector<16xf32>
        %mul3A_553 = arith.mulf %get3A_550, %get3A_550 : vector<16xf32>
        %add3A_554 = arith.addf %add3A_545, %mul3A_553 : vector<16xf32>
        %add3A_555 = arith.constant 2 : i32
        %add3A_556 = arith.addi %mul3A_66, %add3A_555 : i32
        %swap3A_557 = arith.index_cast %add3A_556 : i32 to index
        %swap3A_558 = arith.index_cast %mul3A_92 : i32 to index
        %swap3A_559 = tpu.vector_load %arg10[%swap3A_557, %swap3A_558] {strides = array<i32>} : memref<16x512xf32, #tpu.memory_space<vmem>>, vector<1x16xf32>,
        %swap3A_560 = vector.shape_cast %swap3A_559 : vector<1x16xf32> to vector<16xf32>
        %swap3A_561 = vector.shape_cast %max3A_551 : vector<16xf32> to vector<1x16xf32>
        tpu.vector_store %arg10[%swap3A_557, %swap3A_558], %swap3A_561 {strides = array<i32>} : memref<16x512xf32, #tpu.memory_space<vmem>>, vector<1x16xf32>,
        %add3A_562 = arith.constant 2 : i32
        %add3A_563 = arith.addi %mul3A_66, %add3A_562 : i32
        %swap3A_564 = arith.index_cast %add3A_563 : i32 to index
        %swap3A_565 = arith.index_cast %mul3A_92 : i32 to index
        %swap3A_566 = tpu.vector_load %arg11[%swap3A_564, %swap3A_565] {strides = array<i32>} : memref<16x512xf32, #tpu.memory_space<vmem>>, vector<1x16xf32>,
        %swap3A_567 = vector.shape_cast %swap3A_566 : vector<1x16xf32> to vector<16xf32>
        %swap3A_568 = vector.shape_cast %add3A_552 : vector<16xf32> to vector<1x16xf32>
        tpu.vector_store %arg11[%swap3A_564, %swap3A_565], %swap3A_568 {strides = array<i32>} : memref<16x512xf32, #tpu.memory_space<vmem>>, vector<1x16xf32>,
        %add3A_569 = arith.constant 2 : i32
        %add3A_570 = arith.addi %mul3A_66, %add3A_569 : i32
        %swap3A_571 = arith.index_cast %add3A_570 : i32 to index
        %swap3A_572 = arith.index_cast %mul3A_92 : i32 to index
        %swap3A_573 = tpu.vector_load %arg12[%swap3A_571, %swap3A_572] {strides = array<i32>} : memref<16x512xf32, #tpu.memory_space<vmem>>, vector<1x16xf32>,
        %swap3A_574 = vector.shape_cast %swap3A_573 : vector<1x16xf32> to vector<16xf32>
        %swap3A_575 = vector.shape_cast %add3A_554 : vector<16xf32> to vector<1x16xf32>
        tpu.vector_store %arg12[%swap3A_571, %swap3A_572], %swap3A_575 {strides = array<i32>} : memref<16x512xf32, #tpu.memory_space<vmem>>, vector<1x16xf32>,
        %get3A_576 = arith.constant 48 : i32
        %get3A_577 = arith.index_cast %get3A_576 : i32 to index
        %get3A_578 = arith.index_cast %mul3A_92 : i32 to index
        %get3A_579 = tpu.vector_load %arg9[%get3A_577, %get3A_578] {strides = array<i32>} : memref<64x512xf32, #tpu.memory_space<vmem>>, vector<1x16xf32>,
        %get3A_580 = vector.shape_cast %get3A_579 : vector<1x16xf32> to vector<16xf32>
        %mul3A_581 = arith.mulf %get3A_580, %get3A_580 : vector<16xf32>
        %get3A_582 = arith.constant 49 : i32
        %get3A_583 = arith.index_cast %get3A_582 : i32 to index
        %get3A_584 = arith.index_cast %mul3A_92 : i32 to index
        %get3A_585 = tpu.vector_load %arg9[%get3A_583, %get3A_584] {strides = array<i32>} : memref<64x512xf32, #tpu.memory_space<vmem>>, vector<1x16xf32>,
        %get3A_586 = vector.shape_cast %get3A_585 : vector<1x16xf32> to vector<16xf32>
        %max3A_587 = arith.maximumf %get3A_580, %get3A_586 : vector<16xf32>
        %add3A_588 = arith.addf %get3A_580, %get3A_586 : vector<16xf32>
        %mul3A_589 = arith.mulf %get3A_586, %get3A_586 : vector<16xf32>
        %add3A_590 = arith.addf %mul3A_581, %mul3A_589 : vector<16xf32>
        %get3A_591 = arith.constant 50 : i32
        %get3A_592 = arith.index_cast %get3A_591 : i32 to index
        %get3A_593 = arith.index_cast %mul3A_92 : i32 to index
        %get3A_594 = tpu.vector_load %arg9[%get3A_592, %get3A_593] {strides = array<i32>} : memref<64x512xf32, #tpu.memory_space<vmem>>, vector<1x16xf32>,
        %get3A_595 = vector.shape_cast %get3A_594 : vector<1x16xf32> to vector<16xf32>
        %max3A_596 = arith.maximumf %max3A_587, %get3A_595 : vector<16xf32>
        %add3A_597 = arith.addf %add3A_588, %get3A_595 : vector<16xf32>
        %mul3A_598 = arith.mulf %get3A_595, %get3A_595 : vector<16xf32>
        %add3A_599 = arith.addf %add3A_590, %mul3A_598 : vector<16xf32>
        %get3A_600 = arith.constant 51 : i32
        %get3A_601 = arith.index_cast %get3A_600 : i32 to index
        %get3A_602 = arith.index_cast %mul3A_92 : i32 to index
        %get3A_603 = tpu.vector_load %arg9[%get3A_601, %get3A_602] {strides = array<i32>} : memref<64x512xf32, #tpu.memory_space<vmem>>, vector<1x16xf32>,
        %get3A_604 = vector.shape_cast %get3A_603 : vector<1x16xf32> to vector<16xf32>
        %max3A_605 = arith.maximumf %max3A_596, %get3A_604 : vector<16xf32>
        %add3A_606 = arith.addf %add3A_597, %get3A_604 : vector<16xf32>
        %mul3A_607 = arith.mulf %get3A_604, %get3A_604 : vector<16xf32>
        %add3A_608 = arith.addf %add3A_599, %mul3A_607 : vector<16xf32>
        %get3A_609 = arith.constant 52 : i32
        %get3A_610 = arith.index_cast %get3A_609 : i32 to index
        %get3A_611 = arith.index_cast %mul3A_92 : i32 to index
        %get3A_612 = tpu.vector_load %arg9[%get3A_610, %get3A_611] {strides = array<i32>} : memref<64x512xf32, #tpu.memory_space<vmem>>, vector<1x16xf32>,
        %get3A_613 = vector.shape_cast %get3A_612 : vector<1x16xf32> to vector<16xf32>
        %max3A_614 = arith.maximumf %max3A_605, %get3A_613 : vector<16xf32>
        %add3A_615 = arith.addf %add3A_606, %get3A_613 : vector<16xf32>
        %mul3A_616 = arith.mulf %get3A_613, %get3A_613 : vector<16xf32>
        %add3A_617 = arith.addf %add3A_608, %mul3A_616 : vector<16xf32>
        %get3A_618 = arith.constant 53 : i32
        %get3A_619 = arith.index_cast %get3A_618 : i32 to index
        %get3A_620 = arith.index_cast %mul3A_92 : i32 to index
        %get3A_621 = tpu.vector_load %arg9[%get3A_619, %get3A_620] {strides = array<i32>} : memref<64x512xf32, #tpu.memory_space<vmem>>, vector<1x16xf32>,
        %get3A_622 = vector.shape_cast %get3A_621 : vector<1x16xf32> to vector<16xf32>
        %max3A_623 = arith.maximumf %max3A_614, %get3A_622 : vector<16xf32>
        %add3A_624 = arith.addf %add3A_615, %get3A_622 : vector<16xf32>
        %mul3A_625 = arith.mulf %get3A_622, %get3A_622 : vector<16xf32>
        %add3A_626 = arith.addf %add3A_617, %mul3A_625 : vector<16xf32>
        %get3A_627 = arith.constant 54 : i32
        %get3A_628 = arith.index_cast %get3A_627 : i32 to index
        %get3A_629 = arith.index_cast %mul3A_92 : i32 to index
        %get3A_630 = tpu.vector_load %arg9[%get3A_628, %get3A_629] {strides = array<i32>} : memref<64x512xf32, #tpu.memory_space<vmem>>, vector<1x16xf32>,
        %get3A_631 = vector.shape_cast %get3A_630 : vector<1x16xf32> to vector<16xf32>
        %max3A_632 = arith.maximumf %max3A_623, %get3A_631 : vector<16xf32>
        %add3A_633 = arith.addf %add3A_624, %get3A_631 : vector<16xf32>
        %mul3A_634 = arith.mulf %get3A_631, %get3A_631 : vector<16xf32>
        %add3A_635 = arith.addf %add3A_626, %mul3A_634 : vector<16xf32>
        %get3A_636 = arith.constant 55 : i32
        %get3A_637 = arith.index_cast %get3A_636 : i32 to index
        %get3A_638 = arith.index_cast %mul3A_92 : i32 to index
        %get3A_639 = tpu.vector_load %arg9[%get3A_637, %get3A_638] {strides = array<i32>} : memref<64x512xf32, #tpu.memory_space<vmem>>, vector<1x16xf32>,
        %get3A_640 = vector.shape_cast %get3A_639 : vector<1x16xf32> to vector<16xf32>
        %max3A_641 = arith.maximumf %max3A_632, %get3A_640 : vector<16xf32>
        %add3A_642 = arith.addf %add3A_633, %get3A_640 : vector<16xf32>
        %mul3A_643 = arith.mulf %get3A_640, %get3A_640 : vector<16xf32>
        %add3A_644 = arith.addf %add3A_635, %mul3A_643 : vector<16xf32>
        %get3A_645 = arith.constant 56 : i32
        %get3A_646 = arith.index_cast %get3A_645 : i32 to index
        %get3A_647 = arith.index_cast %mul3A_92 : i32 to index
        %get3A_648 = tpu.vector_load %arg9[%get3A_646, %get3A_647] {strides = array<i32>} : memref<64x512xf32, #tpu.memory_space<vmem>>, vector<1x16xf32>,
        %get3A_649 = vector.shape_cast %get3A_648 : vector<1x16xf32> to vector<16xf32>
        %max3A_650 = arith.maximumf %max3A_641, %get3A_649 : vector<16xf32>
        %add3A_651 = arith.addf %add3A_642, %get3A_649 : vector<16xf32>
        %mul3A_652 = arith.mulf %get3A_649, %get3A_649 : vector<16xf32>
        %add3A_653 = arith.addf %add3A_644, %mul3A_652 : vector<16xf32>
        %get3A_654 = arith.constant 57 : i32
        %get3A_655 = arith.index_cast %get3A_654 : i32 to index
        %get3A_656 = arith.index_cast %mul3A_92 : i32 to index
        %get3A_657 = tpu.vector_load %arg9[%get3A_655, %get3A_656] {strides = array<i32>} : memref<64x512xf32, #tpu.memory_space<vmem>>, vector<1x16xf32>,
        %get3A_658 = vector.shape_cast %get3A_657 : vector<1x16xf32> to vector<16xf32>
        %max3A_659 = arith.maximumf %max3A_650, %get3A_658 : vector<16xf32>
        %add3A_660 = arith.addf %add3A_651, %get3A_658 : vector<16xf32>
        %mul3A_661 = arith.mulf %get3A_658, %get3A_658 : vector<16xf32>
        %add3A_662 = arith.addf %add3A_653, %mul3A_661 : vector<16xf32>
        %get3A_663 = arith.constant 58 : i32
        %get3A_664 = arith.index_cast %get3A_663 : i32 to index
        %get3A_665 = arith.index_cast %mul3A_92 : i32 to index
        %get3A_666 = tpu.vector_load %arg9[%get3A_664, %get3A_665] {strides = array<i32>} : memref<64x512xf32, #tpu.memory_space<vmem>>, vector<1x16xf32>,
        %get3A_667 = vector.shape_cast %get3A_666 : vector<1x16xf32> to vector<16xf32>
        %max3A_668 = arith.maximumf %max3A_659, %get3A_667 : vector<16xf32>
        %add3A_669 = arith.addf %add3A_660, %get3A_667 : vector<16xf32>
        %mul3A_670 = arith.mulf %get3A_667, %get3A_667 : vector<16xf32>
        %add3A_671 = arith.addf %add3A_662, %mul3A_670 : vector<16xf32>
        %get3A_672 = arith.constant 59 : i32
        %get3A_673 = arith.index_cast %get3A_672 : i32 to index
        %get3A_674 = arith.index_cast %mul3A_92 : i32 to index
        %get3A_675 = tpu.vector_load %arg9[%get3A_673, %get3A_674] {strides = array<i32>} : memref<64x512xf32, #tpu.memory_space<vmem>>, vector<1x16xf32>,
        %get3A_676 = vector.shape_cast %get3A_675 : vector<1x16xf32> to vector<16xf32>
        %max3A_677 = arith.maximumf %max3A_668, %get3A_676 : vector<16xf32>
        %add3A_678 = arith.addf %add3A_669, %get3A_676 : vector<16xf32>
        %mul3A_679 = arith.mulf %get3A_676, %get3A_676 : vector<16xf32>
        %add3A_680 = arith.addf %add3A_671, %mul3A_679 : vector<16xf32>
        %get3A_681 = arith.constant 60 : i32
        %get3A_682 = arith.index_cast %get3A_681 : i32 to index
        %get3A_683 = arith.index_cast %mul3A_92 : i32 to index
        %get3A_684 = tpu.vector_load %arg9[%get3A_682, %get3A_683] {strides = array<i32>} : memref<64x512xf32, #tpu.memory_space<vmem>>, vector<1x16xf32>,
        %get3A_685 = vector.shape_cast %get3A_684 : vector<1x16xf32> to vector<16xf32>
        %max3A_686 = arith.maximumf %max3A_677, %get3A_685 : vector<16xf32>
        %add3A_687 = arith.addf %add3A_678, %get3A_685 : vector<16xf32>
        %mul3A_688 = arith.mulf %get3A_685, %get3A_685 : vector<16xf32>
        %add3A_689 = arith.addf %add3A_680, %mul3A_688 : vector<16xf32>
        %get3A_690 = arith.constant 61 : i32
        %get3A_691 = arith.index_cast %get3A_690 : i32 to index
        %get3A_692 = arith.index_cast %mul3A_92 : i32 to index
        %get3A_693 = tpu.vector_load %arg9[%get3A_691, %get3A_692] {strides = array<i32>} : memref<64x512xf32, #tpu.memory_space<vmem>>, vector<1x16xf32>,
        %get3A_694 = vector.shape_cast %get3A_693 : vector<1x16xf32> to vector<16xf32>
        %max3A_695 = arith.maximumf %max3A_686, %get3A_694 : vector<16xf32>
        %add3A_696 = arith.addf %add3A_687, %get3A_694 : vector<16xf32>
        %mul3A_697 = arith.mulf %get3A_694, %get3A_694 : vector<16xf32>
        %add3A_698 = arith.addf %add3A_689, %mul3A_697 : vector<16xf32>
        %get3A_699 = arith.constant 62 : i32
        %get3A_700 = arith.index_cast %get3A_699 : i32 to index
        %get3A_701 = arith.index_cast %mul3A_92 : i32 to index
        %get3A_702 = tpu.vector_load %arg9[%get3A_700, %get3A_701] {strides = array<i32>} : memref<64x512xf32, #tpu.memory_space<vmem>>, vector<1x16xf32>,
        %get3A_703 = vector.shape_cast %get3A_702 : vector<1x16xf32> to vector<16xf32>
        %max3A_704 = arith.maximumf %max3A_695, %get3A_703 : vector<16xf32>
        %add3A_705 = arith.addf %add3A_696, %get3A_703 : vector<16xf32>
        %mul3A_706 = arith.mulf %get3A_703, %get3A_703 : vector<16xf32>
        %add3A_707 = arith.addf %add3A_698, %mul3A_706 : vector<16xf32>
        %get3A_708 = arith.constant 63 : i32
        %get3A_709 = arith.index_cast %get3A_708 : i32 to index
        %get3A_710 = arith.index_cast %mul3A_92 : i32 to index
        %get3A_711 = tpu.vector_load %arg9[%get3A_709, %get3A_710] {strides = array<i32>} : memref<64x512xf32, #tpu.memory_space<vmem>>, vector<1x16xf32>,
        %get3A_712 = vector.shape_cast %get3A_711 : vector<1x16xf32> to vector<16xf32>
        %max3A_713 = arith.maximumf %max3A_704, %get3A_712 : vector<16xf32>
        %add3A_714 = arith.addf %add3A_705, %get3A_712 : vector<16xf32>
        %mul3A_715 = arith.mulf %get3A_712, %get3A_712 : vector<16xf32>
        %add3A_716 = arith.addf %add3A_707, %mul3A_715 : vector<16xf32>
        %add3A_717 = arith.constant 3 : i32
        %add3A_718 = arith.addi %mul3A_66, %add3A_717 : i32
        %swap3A_719 = arith.index_cast %add3A_718 : i32 to index
        %swap3A_720 = arith.index_cast %mul3A_92 : i32 to index
        %swap3A_721 = tpu.vector_load %arg10[%swap3A_719, %swap3A_720] {strides = array<i32>} : memref<16x512xf32, #tpu.memory_space<vmem>>, vector<1x16xf32>,
        %swap3A_722 = vector.shape_cast %swap3A_721 : vector<1x16xf32> to vector<16xf32>
        %swap3A_723 = vector.shape_cast %max3A_713 : vector<16xf32> to vector<1x16xf32>
        tpu.vector_store %arg10[%swap3A_719, %swap3A_720], %swap3A_723 {strides = array<i32>} : memref<16x512xf32, #tpu.memory_space<vmem>>, vector<1x16xf32>,
        %add3A_724 = arith.constant 3 : i32
        %add3A_725 = arith.addi %mul3A_66, %add3A_724 : i32
        %swap3A_726 = arith.index_cast %add3A_725 : i32 to index
        %swap3A_727 = arith.index_cast %mul3A_92 : i32 to index
        %swap3A_728 = tpu.vector_load %arg11[%swap3A_726, %swap3A_727] {strides = array<i32>} : memref<16x512xf32, #tpu.memory_space<vmem>>, vector<1x16xf32>,
        %swap3A_729 = vector.shape_cast %swap3A_728 : vector<1x16xf32> to vector<16xf32>
        %swap3A_730 = vector.shape_cast %add3A_714 : vector<16xf32> to vector<1x16xf32>
        tpu.vector_store %arg11[%swap3A_726, %swap3A_727], %swap3A_730 {strides = array<i32>} : memref<16x512xf32, #tpu.memory_space<vmem>>, vector<1x16xf32>,
        %add3A_731 = arith.constant 3 : i32
        %add3A_732 = arith.addi %mul3A_66, %add3A_731 : i32
        %swap3A_733 = arith.index_cast %add3A_732 : i32 to index
        %swap3A_734 = arith.index_cast %mul3A_92 : i32 to index
        %swap3A_735 = tpu.vector_load %arg12[%swap3A_733, %swap3A_734] {strides = array<i32>} : memref<16x512xf32, #tpu.memory_space<vmem>>, vector<1x16xf32>,
        %swap3A_736 = vector.shape_cast %swap3A_735 : vector<1x16xf32> to vector<16xf32>
        %swap3A_737 = vector.shape_cast %add3A_716 : vector<16xf32> to vector<1x16xf32>
        tpu.vector_store %arg12[%swap3A_733, %swap3A_734], %swap3A_737 {strides = array<i32>} : memref<16x512xf32, #tpu.memory_space<vmem>>, vector<1x16xf32>,
        %scan3A_738 = arith.constant 0 : i32
        scf.yield %scan3A_738 : i32
      }
      %scan3A_73 = arith.constant 32 : i32
      %rem3A_74 = arith.constant 4 : i32
      %rem3A_75 = arith.remsi %add3A_56, %rem3A_74 : i32
      %eq3A_76 = arith.constant 3 : i32
      %eq3A_77 = arith.cmpi eq, %rem3A_75, %eq3A_76 : i32
      %convert_element_type3A_78 = arith.extui %eq3A_77 : i1 to i32
      %cond3A_79 = arith.constant 0 : i32
      %cond3A_80 = arith.cmpi ne, %convert_element_type3A_78, %cond3A_79 : i32
      scf.if %cond3A_80 {
        %div3A = arith.constant 4 : i32
        %div3A_89 = arith.divsi %add3A_56, %div3A : i32
        %mul3A_90 = arith.constant 16 : i32
        %mul3A_91 = arith.muli %div3A_89, %mul3A_90 : i32
        %add3A_92 = arith.addi %mul3A_2, %mul3A_91 : i32
        "tpu.region"() ({
          %run_scoped3A = tpu.sem_alloc : memref<!tpu.dma_semaphore, #tpu.memory_space<semaphore_mem>>
          %dma_start3A_93 = arith.constant 0 : i32
          %dma_start3A_94 = tpu.memref_slice %arg4[%add3A_92, %dma_start3A_93] : memref<4096x512xf32, #tpu.memory_space<hbm>> -> memref<16x512xf32, #tpu.memory_space<hbm>>
          %dma_start3A_95 = arith.constant 0 : i32
          %dma_start3A_96 = tpu.memref_slice %arg4[%add3A_92, %dma_start3A_95] : memref<4096x512xf32, #tpu.memory_space<hbm>> -> memref<16x512xf32, #tpu.memory_space<hbm>>
          tpu.enqueue_dma source(%arg10 : memref<16x512xf32, #tpu.memory_space<vmem>>) target(%dma_start3A_96 : memref<16x512xf32, #tpu.memory_space<hbm>>) target_semaphore(%run_scoped3A : memref<!tpu.dma_semaphore, #tpu.memory_space<semaphore_mem>>)
          %dma_wait3A_97 = arith.constant 0 : i32
          %dma_wait3A_98 = tpu.memref_slice %arg4[%add3A_92, %dma_wait3A_97] : memref<4096x512xf32, #tpu.memory_space<hbm>> -> memref<16x512xf32, #tpu.memory_space<hbm>>
          %dma_wait3A_99 = arith.constant 0 : i32
          %dma_wait3A_100 = tpu.memref_slice %arg4[%add3A_92, %dma_wait3A_99] : memref<4096x512xf32, #tpu.memory_space<hbm>> -> memref<16x512xf32, #tpu.memory_space<hbm>>
          tpu.wait_dma2 semaphore(%run_scoped3A : memref<!tpu.dma_semaphore, #tpu.memory_space<semaphore_mem>>) src(%arg10 : memref<16x512xf32, #tpu.memory_space<vmem>>) dst(%dma_wait3A_100 : memref<16x512xf32, #tpu.memory_space<hbm>>)
          tpu.yield
        }) : () -> ()
        "tpu.region"() ({
          %run_scoped3A = tpu.sem_alloc : memref<!tpu.dma_semaphore, #tpu.memory_space<semaphore_mem>>
          %dma_start3A_93 = arith.constant 0 : i32
          %dma_start3A_94 = tpu.memref_slice %arg5[%add3A_92, %dma_start3A_93] : memref<4096x512xf32, #tpu.memory_space<hbm>> -> memref<16x512xf32, #tpu.memory_space<hbm>>
          %dma_start3A_95 = arith.constant 0 : i32
          %dma_start3A_96 = tpu.memref_slice %arg5[%add3A_92, %dma_start3A_95] : memref<4096x512xf32, #tpu.memory_space<hbm>> -> memref<16x512xf32, #tpu.memory_space<hbm>>
          tpu.enqueue_dma source(%arg11 : memref<16x512xf32, #tpu.memory_space<vmem>>) target(%dma_start3A_96 : memref<16x512xf32, #tpu.memory_space<hbm>>) target_semaphore(%run_scoped3A : memref<!tpu.dma_semaphore, #tpu.memory_space<semaphore_mem>>)
          %dma_wait3A_97 = arith.constant 0 : i32
          %dma_wait3A_98 = tpu.memref_slice %arg5[%add3A_92, %dma_wait3A_97] : memref<4096x512xf32, #tpu.memory_space<hbm>> -> memref<16x512xf32, #tpu.memory_space<hbm>>
          %dma_wait3A_99 = arith.constant 0 : i32
          %dma_wait3A_100 = tpu.memref_slice %arg5[%add3A_92, %dma_wait3A_99] : memref<4096x512xf32, #tpu.memory_space<hbm>> -> memref<16x512xf32, #tpu.memory_space<hbm>>
          tpu.wait_dma2 semaphore(%run_scoped3A : memref<!tpu.dma_semaphore, #tpu.memory_space<semaphore_mem>>) src(%arg11 : memref<16x512xf32, #tpu.memory_space<vmem>>) dst(%dma_wait3A_100 : memref<16x512xf32, #tpu.memory_space<hbm>>)
          tpu.yield
        }) : () -> ()
        "tpu.region"() ({
          %run_scoped3A = tpu.sem_alloc : memref<!tpu.dma_semaphore, #tpu.memory_space<semaphore_mem>>
          %dma_start3A_93 = arith.constant 0 : i32
          %dma_start3A_94 = tpu.memref_slice %arg6[%add3A_92, %dma_start3A_93] : memref<4096x512xf32, #tpu.memory_space<hbm>> -> memref<16x512xf32, #tpu.memory_space<hbm>>
          %dma_start3A_95 = arith.constant 0 : i32
          %dma_start3A_96 = tpu.memref_slice %arg6[%add3A_92, %dma_start3A_95] : memref<4096x512xf32, #tpu.memory_space<hbm>> -> memref<16x512xf32, #tpu.memory_space<hbm>>
          tpu.enqueue_dma source(%arg12 : memref<16x512xf32, #tpu.memory_space<vmem>>) target(%dma_start3A_96 : memref<16x512xf32, #tpu.memory_space<hbm>>) target_semaphore(%run_scoped3A : memref<!tpu.dma_semaphore, #tpu.memory_space<semaphore_mem>>)
          %dma_wait3A_97 = arith.constant 0 : i32
          %dma_wait3A_98 = tpu.memref_slice %arg6[%add3A_92, %dma_wait3A_97] : memref<4096x512xf32, #tpu.memory_space<hbm>> -> memref<16x512xf32, #tpu.memory_space<hbm>>
          %dma_wait3A_99 = arith.constant 0 : i32
          %dma_wait3A_100 = tpu.memref_slice %arg6[%add3A_92, %dma_wait3A_99] : memref<4096x512xf32, #tpu.memory_space<hbm>> -> memref<16x512xf32, #tpu.memory_space<hbm>>
          tpu.wait_dma2 semaphore(%run_scoped3A : memref<!tpu.dma_semaphore, #tpu.memory_space<semaphore_mem>>) src(%arg12 : memref<16x512xf32, #tpu.memory_space<vmem>>) dst(%dma_wait3A_100 : memref<16x512xf32, #tpu.memory_space<hbm>>)
          tpu.yield
        }) : () -> ()
      } else {
      }
      %add3A_81 = arith.constant 2 : i32
      %add3A_82 = arith.addi %add3A_56, %add3A_81 : i32
      %lt3A_83 = arith.constant 32 : i32
      %lt3A_84 = arith.cmpi slt, %add3A_82, %lt3A_83 : i32
      %convert_element_type3A_85 = arith.extui %lt3A_84 : i1 to i32
      %cond3A_86 = arith.constant 0 : i32
      %cond3A_87 = arith.cmpi ne, %convert_element_type3A_85, %cond3A_86 : i32
      scf.if %cond3A_87 {
        %add3A_89 = arith.constant 2 : i32
        %add3A_90 = arith.addi %add3A_56, %add3A_89 : i32
        %dma_start3A_91 = arith.constant 0 : i32
        %dma_start3A_92 = tpu.memref_slice %arg7[%add3A_90, %dma_start3A_91] : memref<32x64xi32, #tpu.memory_space<vmem>> -> memref<1x64xi32, #tpu.memory_space<vmem>>
        %dma_start3A_93 = tpu.memref_squeeze %dma_start3A_92 : memref<1x64xi32, #tpu.memory_space<vmem>> -> memref<64xi32, #tpu.memory_space<vmem>>
        %dma_start3A_94 = arith.constant 0 : i32
        %dma_start3A_95 = arith.constant 0 : i32
        %dma_start3A_96 = tpu.memref_slice %arg2[%dma_start3A_94, %dma_start3A_95] : memref<16384x512xf32, #tpu.memory_space<hbm>> -> memref<16384x512xf32, #tpu.memory_space<hbm>>
        tpu.enqueue_indirect_dma source(%dma_start3A_96 : memref<16384x512xf32, #tpu.memory_space<hbm>>) target(%arg9 : memref<64x512xf32, #tpu.memory_space<vmem>>) offsets(%dma_start3A_93 : memref<64xi32, #tpu.memory_space<vmem>>) semaphore(%arg14 : memref<!tpu.dma_semaphore, #tpu.memory_space<semaphore_mem>>)
      } else {
      }
      %scan3A_88 = arith.constant 0 : i32
      scf.yield %scan3A_88 : i32
    }
    %scan3A_21 = arith.constant 16 : i32
    return
  }
}

module attributes {stable_mosaic.version = 14 : i64} {
  func.func @_knn_body(%arg0: i32, %arg1: i32, %arg2: memref<1x256x3xf32, #tpu.memory_space<vmem>>, %arg3: memref<1x3x4096xf32, #tpu.memory_space<vmem>>, %arg4: memref<1x256x16xi32, #tpu.memory_space<vmem>>) attributes {dimension_semantics = [#tpu.dimension_semantics<arbitrary>, #tpu.dimension_semantics<arbitrary>], iteration_bounds = array<i64: 4, 4>, scalar_prefetch = 0 : i64, scratch_operands = 0 : i64, tpu.core_type = #tpu.core_type<tc>, window_params = [{transform_indices = @transform_0, window_bounds = array<i64: 1, 256, 3>}, {transform_indices = @transform_1, window_bounds = array<i64: 1, 3, 4096>}, {transform_indices = @transform_2, window_bounds = array<i64: 1, 256, 16>}]} {
    %get3A = arith.constant 0 : index
    %get3A_0 = arith.constant 0 : index
    %get3A_1 = arith.constant 0 : index
    %get3A_2 = vector.load %arg2[%get3A, %get3A_0, %get3A_1] : memref<1x256x3xf32, #tpu.memory_space<vmem>>, vector<1x256x3xf32>
    %get3A_3 = vector.shape_cast %get3A_2 : vector<1x256x3xf32> to vector<256x3xf32>
    %get3A_4 = arith.constant 0 : index
    %get3A_5 = arith.constant 0 : index
    %get3A_6 = arith.constant 0 : index
    %get3A_7 = vector.load %arg3[%get3A_4, %get3A_5, %get3A_6] : memref<1x3x4096xf32, #tpu.memory_space<vmem>>, vector<1x3x4096xf32>
    %get3A_8 = vector.shape_cast %get3A_7 : vector<1x3x4096xf32> to vector<3x4096xf32>
    %slice3A = vector.extract_strided_slice %get3A_3 {offsets = [0, 0], sizes = [256, 1], strides = [1, 1]} : vector<256x3xf32> to vector<256x1xf32>
    %slice3A_9 = vector.extract_strided_slice %get3A_8 {offsets = [0, 0], sizes = [1, 4096], strides = [1, 1]} : vector<3x4096xf32> to vector<1x4096xf32>
    %sub3A = vector.broadcast %slice3A : vector<256x1xf32> to vector<256x4096xf32>
    %sub3A_10 = vector.broadcast %slice3A_9 : vector<1x4096xf32> to vector<256x4096xf32>
    %sub3A_11 = arith.subf %sub3A, %sub3A_10 : vector<256x4096xf32>
    %slice3A_12 = vector.extract_strided_slice %get3A_3 {offsets = [0, 1], sizes = [256, 1], strides = [1, 1]} : vector<256x3xf32> to vector<256x1xf32>
    %slice3A_13 = vector.extract_strided_slice %get3A_8 {offsets = [1, 0], sizes = [1, 4096], strides = [1, 1]} : vector<3x4096xf32> to vector<1x4096xf32>
    %sub3A_14 = vector.broadcast %slice3A_12 : vector<256x1xf32> to vector<256x4096xf32>
    %sub3A_15 = vector.broadcast %slice3A_13 : vector<1x4096xf32> to vector<256x4096xf32>
    %sub3A_16 = arith.subf %sub3A_14, %sub3A_15 : vector<256x4096xf32>
    %slice3A_17 = vector.extract_strided_slice %get3A_3 {offsets = [0, 2], sizes = [256, 1], strides = [1, 1]} : vector<256x3xf32> to vector<256x1xf32>
    %slice3A_18 = vector.extract_strided_slice %get3A_8 {offsets = [2, 0], sizes = [1, 4096], strides = [1, 1]} : vector<3x4096xf32> to vector<1x4096xf32>
    %sub3A_19 = vector.broadcast %slice3A_17 : vector<256x1xf32> to vector<256x4096xf32>
    %sub3A_20 = vector.broadcast %slice3A_18 : vector<1x4096xf32> to vector<256x4096xf32>
    %sub3A_21 = arith.subf %sub3A_19, %sub3A_20 : vector<256x4096xf32>
    %mul3A = arith.mulf %sub3A_11, %sub3A_11 : vector<256x4096xf32>
    %mul3A_22 = arith.mulf %sub3A_16, %sub3A_16 : vector<256x4096xf32>
    %add3A = arith.addf %mul3A, %mul3A_22 : vector<256x4096xf32>
    %mul3A_23 = arith.mulf %sub3A_21, %sub3A_21 : vector<256x4096xf32>
    %add3A_24 = arith.addf %add3A, %mul3A_23 : vector<256x4096xf32>
    %iota3A = tpu.iota {dimensions = array<i32: 1>} : vector<256x4096xi32>
    %mul3A_25 = arith.constant 4096 : i32
    %mul3A_26 = arith.muli %arg0, %mul3A_25 : i32
    %reduce_min3A = arith.constant dense<0x7F800000> : vector<256xf32>
    %reduce_min3A_27 = vector.multi_reduction <minimumf>, %add3A_24, %reduce_min3A [1] : vector<256x4096xf32> to vector<256xf32>
    %broadcast_in_dim3A = vector.shape_cast %reduce_min3A_27 : vector<256xf32> to vector<256x1xf32>
    %le3A = vector.broadcast %broadcast_in_dim3A : vector<256x1xf32> to vector<256x4096xf32>
    %le3A_28 = arith.cmpf ole, %add3A_24, %le3A : vector<256x4096xf32>
    %jit3A = arith.constant 4096 : i32
    %broadcast_in_dim3A_29 = vector.broadcast %jit3A : i32 to vector<256x4096xi32>
    %select_n3A = arith.select %le3A_28, %iota3A, %broadcast_in_dim3A_29 : vector<256x4096xi1>, vector<256x4096xi32>
    %reduce_min3A_30 = arith.constant dense<2147483647> : vector<256xi32>
    %reduce_min3A_31 = vector.multi_reduction <minsi>, %select_n3A, %reduce_min3A_30 [1] : vector<256x4096xi32> to vector<256xi32>
    %add3A_32 = vector.broadcast %mul3A_26 : i32 to vector<256xi32>
    %add3A_33 = arith.addi %reduce_min3A_31, %add3A_32 : vector<256xi32>
    %broadcast_in_dim3A_34 = vector.shape_cast %reduce_min3A_31 : vector<256xi32> to vector<256x1xi32>
    %eq3A = vector.broadcast %broadcast_in_dim3A_34 : vector<256x1xi32> to vector<256x4096xi32>
    %eq3A_35 = arith.cmpi eq, %iota3A, %eq3A : vector<256x4096xi32>
    %jit3A_36 = arith.constant 3.000000e+38 : f32
    %broadcast_in_dim3A_37 = vector.broadcast %jit3A_36 : f32 to vector<256x4096xf32>
    %select_n3A_38 = arith.select %eq3A_35, %broadcast_in_dim3A_37, %add3A_24 : vector<256x4096xi1>, vector<256x4096xf32>
    %reduce_min3A_39 = arith.constant dense<0x7F800000> : vector<256xf32>
    %reduce_min3A_40 = vector.multi_reduction <minimumf>, %select_n3A_38, %reduce_min3A_39 [1] : vector<256x4096xf32> to vector<256xf32>
    %broadcast_in_dim3A_41 = vector.shape_cast %reduce_min3A_40 : vector<256xf32> to vector<256x1xf32>
    %le3A_42 = vector.broadcast %broadcast_in_dim3A_41 : vector<256x1xf32> to vector<256x4096xf32>
    %le3A_43 = arith.cmpf ole, %select_n3A_38, %le3A_42 : vector<256x4096xf32>
    %jit3A_44 = arith.constant 4096 : i32
    %broadcast_in_dim3A_45 = vector.broadcast %jit3A_44 : i32 to vector<256x4096xi32>
    %select_n3A_46 = arith.select %le3A_43, %iota3A, %broadcast_in_dim3A_45 : vector<256x4096xi1>, vector<256x4096xi32>
    %reduce_min3A_47 = arith.constant dense<2147483647> : vector<256xi32>
    %reduce_min3A_48 = vector.multi_reduction <minsi>, %select_n3A_46, %reduce_min3A_47 [1] : vector<256x4096xi32> to vector<256xi32>
    %add3A_49 = vector.broadcast %mul3A_26 : i32 to vector<256xi32>
    %add3A_50 = arith.addi %reduce_min3A_48, %add3A_49 : vector<256xi32>
    %broadcast_in_dim3A_51 = vector.shape_cast %reduce_min3A_48 : vector<256xi32> to vector<256x1xi32>
    %eq3A_52 = vector.broadcast %broadcast_in_dim3A_51 : vector<256x1xi32> to vector<256x4096xi32>
    %eq3A_53 = arith.cmpi eq, %iota3A, %eq3A_52 : vector<256x4096xi32>
    %jit3A_54 = arith.constant 3.000000e+38 : f32
    %broadcast_in_dim3A_55 = vector.broadcast %jit3A_54 : f32 to vector<256x4096xf32>
    %select_n3A_56 = arith.select %eq3A_53, %broadcast_in_dim3A_55, %select_n3A_38 : vector<256x4096xi1>, vector<256x4096xf32>
    %reduce_min3A_57 = arith.constant dense<0x7F800000> : vector<256xf32>
    %reduce_min3A_58 = vector.multi_reduction <minimumf>, %select_n3A_56, %reduce_min3A_57 [1] : vector<256x4096xf32> to vector<256xf32>
    %broadcast_in_dim3A_59 = vector.shape_cast %reduce_min3A_58 : vector<256xf32> to vector<256x1xf32>
    %le3A_60 = vector.broadcast %broadcast_in_dim3A_59 : vector<256x1xf32> to vector<256x4096xf32>
    %le3A_61 = arith.cmpf ole, %select_n3A_56, %le3A_60 : vector<256x4096xf32>
    %jit3A_62 = arith.constant 4096 : i32
    %broadcast_in_dim3A_63 = vector.broadcast %jit3A_62 : i32 to vector<256x4096xi32>
    %select_n3A_64 = arith.select %le3A_61, %iota3A, %broadcast_in_dim3A_63 : vector<256x4096xi1>, vector<256x4096xi32>
    %reduce_min3A_65 = arith.constant dense<2147483647> : vector<256xi32>
    %reduce_min3A_66 = vector.multi_reduction <minsi>, %select_n3A_64, %reduce_min3A_65 [1] : vector<256x4096xi32> to vector<256xi32>
    %add3A_67 = vector.broadcast %mul3A_26 : i32 to vector<256xi32>
    %add3A_68 = arith.addi %reduce_min3A_66, %add3A_67 : vector<256xi32>
    %broadcast_in_dim3A_69 = vector.shape_cast %reduce_min3A_66 : vector<256xi32> to vector<256x1xi32>
    %eq3A_70 = vector.broadcast %broadcast_in_dim3A_69 : vector<256x1xi32> to vector<256x4096xi32>
    %eq3A_71 = arith.cmpi eq, %iota3A, %eq3A_70 : vector<256x4096xi32>
    %jit3A_72 = arith.constant 3.000000e+38 : f32
    %broadcast_in_dim3A_73 = vector.broadcast %jit3A_72 : f32 to vector<256x4096xf32>
    %select_n3A_74 = arith.select %eq3A_71, %broadcast_in_dim3A_73, %select_n3A_56 : vector<256x4096xi1>, vector<256x4096xf32>
    %reduce_min3A_75 = arith.constant dense<0x7F800000> : vector<256xf32>
    %reduce_min3A_76 = vector.multi_reduction <minimumf>, %select_n3A_74, %reduce_min3A_75 [1] : vector<256x4096xf32> to vector<256xf32>
    %broadcast_in_dim3A_77 = vector.shape_cast %reduce_min3A_76 : vector<256xf32> to vector<256x1xf32>
    %le3A_78 = vector.broadcast %broadcast_in_dim3A_77 : vector<256x1xf32> to vector<256x4096xf32>
    %le3A_79 = arith.cmpf ole, %select_n3A_74, %le3A_78 : vector<256x4096xf32>
    %jit3A_80 = arith.constant 4096 : i32
    %broadcast_in_dim3A_81 = vector.broadcast %jit3A_80 : i32 to vector<256x4096xi32>
    %select_n3A_82 = arith.select %le3A_79, %iota3A, %broadcast_in_dim3A_81 : vector<256x4096xi1>, vector<256x4096xi32>
    %reduce_min3A_83 = arith.constant dense<2147483647> : vector<256xi32>
    %reduce_min3A_84 = vector.multi_reduction <minsi>, %select_n3A_82, %reduce_min3A_83 [1] : vector<256x4096xi32> to vector<256xi32>
    %add3A_85 = vector.broadcast %mul3A_26 : i32 to vector<256xi32>
    %add3A_86 = arith.addi %reduce_min3A_84, %add3A_85 : vector<256xi32>
    %broadcast_in_dim3A_87 = vector.shape_cast %reduce_min3A_84 : vector<256xi32> to vector<256x1xi32>
    %eq3A_88 = vector.broadcast %broadcast_in_dim3A_87 : vector<256x1xi32> to vector<256x4096xi32>
    %eq3A_89 = arith.cmpi eq, %iota3A, %eq3A_88 : vector<256x4096xi32>
    %jit3A_90 = arith.constant 3.000000e+38 : f32
    %broadcast_in_dim3A_91 = vector.broadcast %jit3A_90 : f32 to vector<256x4096xf32>
    %select_n3A_92 = arith.select %eq3A_89, %broadcast_in_dim3A_91, %select_n3A_74 : vector<256x4096xi1>, vector<256x4096xf32>
    %reduce_min3A_93 = arith.constant dense<0x7F800000> : vector<256xf32>
    %reduce_min3A_94 = vector.multi_reduction <minimumf>, %select_n3A_92, %reduce_min3A_93 [1] : vector<256x4096xf32> to vector<256xf32>
    %broadcast_in_dim3A_95 = vector.shape_cast %reduce_min3A_94 : vector<256xf32> to vector<256x1xf32>
    %le3A_96 = vector.broadcast %broadcast_in_dim3A_95 : vector<256x1xf32> to vector<256x4096xf32>
    %le3A_97 = arith.cmpf ole, %select_n3A_92, %le3A_96 : vector<256x4096xf32>
    %jit3A_98 = arith.constant 4096 : i32
    %broadcast_in_dim3A_99 = vector.broadcast %jit3A_98 : i32 to vector<256x4096xi32>
    %select_n3A_100 = arith.select %le3A_97, %iota3A, %broadcast_in_dim3A_99 : vector<256x4096xi1>, vector<256x4096xi32>
    %reduce_min3A_101 = arith.constant dense<2147483647> : vector<256xi32>
    %reduce_min3A_102 = vector.multi_reduction <minsi>, %select_n3A_100, %reduce_min3A_101 [1] : vector<256x4096xi32> to vector<256xi32>
    %add3A_103 = vector.broadcast %mul3A_26 : i32 to vector<256xi32>
    %add3A_104 = arith.addi %reduce_min3A_102, %add3A_103 : vector<256xi32>
    %broadcast_in_dim3A_105 = vector.shape_cast %reduce_min3A_102 : vector<256xi32> to vector<256x1xi32>
    %eq3A_106 = vector.broadcast %broadcast_in_dim3A_105 : vector<256x1xi32> to vector<256x4096xi32>
    %eq3A_107 = arith.cmpi eq, %iota3A, %eq3A_106 : vector<256x4096xi32>
    %jit3A_108 = arith.constant 3.000000e+38 : f32
    %broadcast_in_dim3A_109 = vector.broadcast %jit3A_108 : f32 to vector<256x4096xf32>
    %select_n3A_110 = arith.select %eq3A_107, %broadcast_in_dim3A_109, %select_n3A_92 : vector<256x4096xi1>, vector<256x4096xf32>
    %reduce_min3A_111 = arith.constant dense<0x7F800000> : vector<256xf32>
    %reduce_min3A_112 = vector.multi_reduction <minimumf>, %select_n3A_110, %reduce_min3A_111 [1] : vector<256x4096xf32> to vector<256xf32>
    %broadcast_in_dim3A_113 = vector.shape_cast %reduce_min3A_112 : vector<256xf32> to vector<256x1xf32>
    %le3A_114 = vector.broadcast %broadcast_in_dim3A_113 : vector<256x1xf32> to vector<256x4096xf32>
    %le3A_115 = arith.cmpf ole, %select_n3A_110, %le3A_114 : vector<256x4096xf32>
    %jit3A_116 = arith.constant 4096 : i32
    %broadcast_in_dim3A_117 = vector.broadcast %jit3A_116 : i32 to vector<256x4096xi32>
    %select_n3A_118 = arith.select %le3A_115, %iota3A, %broadcast_in_dim3A_117 : vector<256x4096xi1>, vector<256x4096xi32>
    %reduce_min3A_119 = arith.constant dense<2147483647> : vector<256xi32>
    %reduce_min3A_120 = vector.multi_reduction <minsi>, %select_n3A_118, %reduce_min3A_119 [1] : vector<256x4096xi32> to vector<256xi32>
    %add3A_121 = vector.broadcast %mul3A_26 : i32 to vector<256xi32>
    %add3A_122 = arith.addi %reduce_min3A_120, %add3A_121 : vector<256xi32>
    %broadcast_in_dim3A_123 = vector.shape_cast %reduce_min3A_120 : vector<256xi32> to vector<256x1xi32>
    %eq3A_124 = vector.broadcast %broadcast_in_dim3A_123 : vector<256x1xi32> to vector<256x4096xi32>
    %eq3A_125 = arith.cmpi eq, %iota3A, %eq3A_124 : vector<256x4096xi32>
    %jit3A_126 = arith.constant 3.000000e+38 : f32
    %broadcast_in_dim3A_127 = vector.broadcast %jit3A_126 : f32 to vector<256x4096xf32>
    %select_n3A_128 = arith.select %eq3A_125, %broadcast_in_dim3A_127, %select_n3A_110 : vector<256x4096xi1>, vector<256x4096xf32>
    %reduce_min3A_129 = arith.constant dense<0x7F800000> : vector<256xf32>
    %reduce_min3A_130 = vector.multi_reduction <minimumf>, %select_n3A_128, %reduce_min3A_129 [1] : vector<256x4096xf32> to vector<256xf32>
    %broadcast_in_dim3A_131 = vector.shape_cast %reduce_min3A_130 : vector<256xf32> to vector<256x1xf32>
    %le3A_132 = vector.broadcast %broadcast_in_dim3A_131 : vector<256x1xf32> to vector<256x4096xf32>
    %le3A_133 = arith.cmpf ole, %select_n3A_128, %le3A_132 : vector<256x4096xf32>
    %jit3A_134 = arith.constant 4096 : i32
    %broadcast_in_dim3A_135 = vector.broadcast %jit3A_134 : i32 to vector<256x4096xi32>
    %select_n3A_136 = arith.select %le3A_133, %iota3A, %broadcast_in_dim3A_135 : vector<256x4096xi1>, vector<256x4096xi32>
    %reduce_min3A_137 = arith.constant dense<2147483647> : vector<256xi32>
    %reduce_min3A_138 = vector.multi_reduction <minsi>, %select_n3A_136, %reduce_min3A_137 [1] : vector<256x4096xi32> to vector<256xi32>
    %add3A_139 = vector.broadcast %mul3A_26 : i32 to vector<256xi32>
    %add3A_140 = arith.addi %reduce_min3A_138, %add3A_139 : vector<256xi32>
    %broadcast_in_dim3A_141 = vector.shape_cast %reduce_min3A_138 : vector<256xi32> to vector<256x1xi32>
    %eq3A_142 = vector.broadcast %broadcast_in_dim3A_141 : vector<256x1xi32> to vector<256x4096xi32>
    %eq3A_143 = arith.cmpi eq, %iota3A, %eq3A_142 : vector<256x4096xi32>
    %jit3A_144 = arith.constant 3.000000e+38 : f32
    %broadcast_in_dim3A_145 = vector.broadcast %jit3A_144 : f32 to vector<256x4096xf32>
    %select_n3A_146 = arith.select %eq3A_143, %broadcast_in_dim3A_145, %select_n3A_128 : vector<256x4096xi1>, vector<256x4096xf32>
    %reduce_min3A_147 = arith.constant dense<0x7F800000> : vector<256xf32>
    %reduce_min3A_148 = vector.multi_reduction <minimumf>, %select_n3A_146, %reduce_min3A_147 [1] : vector<256x4096xf32> to vector<256xf32>
    %broadcast_in_dim3A_149 = vector.shape_cast %reduce_min3A_148 : vector<256xf32> to vector<256x1xf32>
    %le3A_150 = vector.broadcast %broadcast_in_dim3A_149 : vector<256x1xf32> to vector<256x4096xf32>
    %le3A_151 = arith.cmpf ole, %select_n3A_146, %le3A_150 : vector<256x4096xf32>
    %jit3A_152 = arith.constant 4096 : i32
    %broadcast_in_dim3A_153 = vector.broadcast %jit3A_152 : i32 to vector<256x4096xi32>
    %select_n3A_154 = arith.select %le3A_151, %iota3A, %broadcast_in_dim3A_153 : vector<256x4096xi1>, vector<256x4096xi32>
    %reduce_min3A_155 = arith.constant dense<2147483647> : vector<256xi32>
    %reduce_min3A_156 = vector.multi_reduction <minsi>, %select_n3A_154, %reduce_min3A_155 [1] : vector<256x4096xi32> to vector<256xi32>
    %add3A_157 = vector.broadcast %mul3A_26 : i32 to vector<256xi32>
    %add3A_158 = arith.addi %reduce_min3A_156, %add3A_157 : vector<256xi32>
    %broadcast_in_dim3A_159 = vector.shape_cast %reduce_min3A_156 : vector<256xi32> to vector<256x1xi32>
    %eq3A_160 = vector.broadcast %broadcast_in_dim3A_159 : vector<256x1xi32> to vector<256x4096xi32>
    %eq3A_161 = arith.cmpi eq, %iota3A, %eq3A_160 : vector<256x4096xi32>
    %jit3A_162 = arith.constant 3.000000e+38 : f32
    %broadcast_in_dim3A_163 = vector.broadcast %jit3A_162 : f32 to vector<256x4096xf32>
    %select_n3A_164 = arith.select %eq3A_161, %broadcast_in_dim3A_163, %select_n3A_146 : vector<256x4096xi1>, vector<256x4096xf32>
    %reduce_min3A_165 = arith.constant dense<0x7F800000> : vector<256xf32>
    %reduce_min3A_166 = vector.multi_reduction <minimumf>, %select_n3A_164, %reduce_min3A_165 [1] : vector<256x4096xf32> to vector<256xf32>
    %broadcast_in_dim3A_167 = vector.shape_cast %reduce_min3A_166 : vector<256xf32> to vector<256x1xf32>
    %le3A_168 = vector.broadcast %broadcast_in_dim3A_167 : vector<256x1xf32> to vector<256x4096xf32>
    %le3A_169 = arith.cmpf ole, %select_n3A_164, %le3A_168 : vector<256x4096xf32>
    %jit3A_170 = arith.constant 4096 : i32
    %broadcast_in_dim3A_171 = vector.broadcast %jit3A_170 : i32 to vector<256x4096xi32>
    %select_n3A_172 = arith.select %le3A_169, %iota3A, %broadcast_in_dim3A_171 : vector<256x4096xi1>, vector<256x4096xi32>
    %reduce_min3A_173 = arith.constant dense<2147483647> : vector<256xi32>
    %reduce_min3A_174 = vector.multi_reduction <minsi>, %select_n3A_172, %reduce_min3A_173 [1] : vector<256x4096xi32> to vector<256xi32>
    %add3A_175 = vector.broadcast %mul3A_26 : i32 to vector<256xi32>
    %add3A_176 = arith.addi %reduce_min3A_174, %add3A_175 : vector<256xi32>
    %broadcast_in_dim3A_177 = vector.shape_cast %reduce_min3A_174 : vector<256xi32> to vector<256x1xi32>
    %eq3A_178 = vector.broadcast %broadcast_in_dim3A_177 : vector<256x1xi32> to vector<256x4096xi32>
    %eq3A_179 = arith.cmpi eq, %iota3A, %eq3A_178 : vector<256x4096xi32>
    %jit3A_180 = arith.constant 3.000000e+38 : f32
    %broadcast_in_dim3A_181 = vector.broadcast %jit3A_180 : f32 to vector<256x4096xf32>
    %select_n3A_182 = arith.select %eq3A_179, %broadcast_in_dim3A_181, %select_n3A_164 : vector<256x4096xi1>, vector<256x4096xf32>
    %reduce_min3A_183 = arith.constant dense<0x7F800000> : vector<256xf32>
    %reduce_min3A_184 = vector.multi_reduction <minimumf>, %select_n3A_182, %reduce_min3A_183 [1] : vector<256x4096xf32> to vector<256xf32>
    %broadcast_in_dim3A_185 = vector.shape_cast %reduce_min3A_184 : vector<256xf32> to vector<256x1xf32>
    %le3A_186 = vector.broadcast %broadcast_in_dim3A_185 : vector<256x1xf32> to vector<256x4096xf32>
    %le3A_187 = arith.cmpf ole, %select_n3A_182, %le3A_186 : vector<256x4096xf32>
    %jit3A_188 = arith.constant 4096 : i32
    %broadcast_in_dim3A_189 = vector.broadcast %jit3A_188 : i32 to vector<256x4096xi32>
    %select_n3A_190 = arith.select %le3A_187, %iota3A, %broadcast_in_dim3A_189 : vector<256x4096xi1>, vector<256x4096xi32>
    %reduce_min3A_191 = arith.constant dense<2147483647> : vector<256xi32>
    %reduce_min3A_192 = vector.multi_reduction <minsi>, %select_n3A_190, %reduce_min3A_191 [1] : vector<256x4096xi32> to vector<256xi32>
    %add3A_193 = vector.broadcast %mul3A_26 : i32 to vector<256xi32>
    %add3A_194 = arith.addi %reduce_min3A_192, %add3A_193 : vector<256xi32>
    %broadcast_in_dim3A_195 = vector.shape_cast %reduce_min3A_192 : vector<256xi32> to vector<256x1xi32>
    %eq3A_196 = vector.broadcast %broadcast_in_dim3A_195 : vector<256x1xi32> to vector<256x4096xi32>
    %eq3A_197 = arith.cmpi eq, %iota3A, %eq3A_196 : vector<256x4096xi32>
    %jit3A_198 = arith.constant 3.000000e+38 : f32
    %broadcast_in_dim3A_199 = vector.broadcast %jit3A_198 : f32 to vector<256x4096xf32>
    %select_n3A_200 = arith.select %eq3A_197, %broadcast_in_dim3A_199, %select_n3A_182 : vector<256x4096xi1>, vector<256x4096xf32>
    %reduce_min3A_201 = arith.constant dense<0x7F800000> : vector<256xf32>
    %reduce_min3A_202 = vector.multi_reduction <minimumf>, %select_n3A_200, %reduce_min3A_201 [1] : vector<256x4096xf32> to vector<256xf32>
    %broadcast_in_dim3A_203 = vector.shape_cast %reduce_min3A_202 : vector<256xf32> to vector<256x1xf32>
    %le3A_204 = vector.broadcast %broadcast_in_dim3A_203 : vector<256x1xf32> to vector<256x4096xf32>
    %le3A_205 = arith.cmpf ole, %select_n3A_200, %le3A_204 : vector<256x4096xf32>
    %jit3A_206 = arith.constant 4096 : i32
    %broadcast_in_dim3A_207 = vector.broadcast %jit3A_206 : i32 to vector<256x4096xi32>
    %select_n3A_208 = arith.select %le3A_205, %iota3A, %broadcast_in_dim3A_207 : vector<256x4096xi1>, vector<256x4096xi32>
    %reduce_min3A_209 = arith.constant dense<2147483647> : vector<256xi32>
    %reduce_min3A_210 = vector.multi_reduction <minsi>, %select_n3A_208, %reduce_min3A_209 [1] : vector<256x4096xi32> to vector<256xi32>
    %add3A_211 = vector.broadcast %mul3A_26 : i32 to vector<256xi32>
    %add3A_212 = arith.addi %reduce_min3A_210, %add3A_211 : vector<256xi32>
    %broadcast_in_dim3A_213 = vector.shape_cast %reduce_min3A_210 : vector<256xi32> to vector<256x1xi32>
    %eq3A_214 = vector.broadcast %broadcast_in_dim3A_213 : vector<256x1xi32> to vector<256x4096xi32>
    %eq3A_215 = arith.cmpi eq, %iota3A, %eq3A_214 : vector<256x4096xi32>
    %jit3A_216 = arith.constant 3.000000e+38 : f32
    %broadcast_in_dim3A_217 = vector.broadcast %jit3A_216 : f32 to vector<256x4096xf32>
    %select_n3A_218 = arith.select %eq3A_215, %broadcast_in_dim3A_217, %select_n3A_200 : vector<256x4096xi1>, vector<256x4096xf32>
    %reduce_min3A_219 = arith.constant dense<0x7F800000> : vector<256xf32>
    %reduce_min3A_220 = vector.multi_reduction <minimumf>, %select_n3A_218, %reduce_min3A_219 [1] : vector<256x4096xf32> to vector<256xf32>
    %broadcast_in_dim3A_221 = vector.shape_cast %reduce_min3A_220 : vector<256xf32> to vector<256x1xf32>
    %le3A_222 = vector.broadcast %broadcast_in_dim3A_221 : vector<256x1xf32> to vector<256x4096xf32>
    %le3A_223 = arith.cmpf ole, %select_n3A_218, %le3A_222 : vector<256x4096xf32>
    %jit3A_224 = arith.constant 4096 : i32
    %broadcast_in_dim3A_225 = vector.broadcast %jit3A_224 : i32 to vector<256x4096xi32>
    %select_n3A_226 = arith.select %le3A_223, %iota3A, %broadcast_in_dim3A_225 : vector<256x4096xi1>, vector<256x4096xi32>
    %reduce_min3A_227 = arith.constant dense<2147483647> : vector<256xi32>
    %reduce_min3A_228 = vector.multi_reduction <minsi>, %select_n3A_226, %reduce_min3A_227 [1] : vector<256x4096xi32> to vector<256xi32>
    %add3A_229 = vector.broadcast %mul3A_26 : i32 to vector<256xi32>
    %add3A_230 = arith.addi %reduce_min3A_228, %add3A_229 : vector<256xi32>
    %broadcast_in_dim3A_231 = vector.shape_cast %reduce_min3A_228 : vector<256xi32> to vector<256x1xi32>
    %eq3A_232 = vector.broadcast %broadcast_in_dim3A_231 : vector<256x1xi32> to vector<256x4096xi32>
    %eq3A_233 = arith.cmpi eq, %iota3A, %eq3A_232 : vector<256x4096xi32>
    %jit3A_234 = arith.constant 3.000000e+38 : f32
    %broadcast_in_dim3A_235 = vector.broadcast %jit3A_234 : f32 to vector<256x4096xf32>
    %select_n3A_236 = arith.select %eq3A_233, %broadcast_in_dim3A_235, %select_n3A_218 : vector<256x4096xi1>, vector<256x4096xf32>
    %reduce_min3A_237 = arith.constant dense<0x7F800000> : vector<256xf32>
    %reduce_min3A_238 = vector.multi_reduction <minimumf>, %select_n3A_236, %reduce_min3A_237 [1] : vector<256x4096xf32> to vector<256xf32>
    %broadcast_in_dim3A_239 = vector.shape_cast %reduce_min3A_238 : vector<256xf32> to vector<256x1xf32>
    %le3A_240 = vector.broadcast %broadcast_in_dim3A_239 : vector<256x1xf32> to vector<256x4096xf32>
    %le3A_241 = arith.cmpf ole, %select_n3A_236, %le3A_240 : vector<256x4096xf32>
    %jit3A_242 = arith.constant 4096 : i32
    %broadcast_in_dim3A_243 = vector.broadcast %jit3A_242 : i32 to vector<256x4096xi32>
    %select_n3A_244 = arith.select %le3A_241, %iota3A, %broadcast_in_dim3A_243 : vector<256x4096xi1>, vector<256x4096xi32>
    %reduce_min3A_245 = arith.constant dense<2147483647> : vector<256xi32>
    %reduce_min3A_246 = vector.multi_reduction <minsi>, %select_n3A_244, %reduce_min3A_245 [1] : vector<256x4096xi32> to vector<256xi32>
    %add3A_247 = vector.broadcast %mul3A_26 : i32 to vector<256xi32>
    %add3A_248 = arith.addi %reduce_min3A_246, %add3A_247 : vector<256xi32>
    %broadcast_in_dim3A_249 = vector.shape_cast %reduce_min3A_246 : vector<256xi32> to vector<256x1xi32>
    %eq3A_250 = vector.broadcast %broadcast_in_dim3A_249 : vector<256x1xi32> to vector<256x4096xi32>
    %eq3A_251 = arith.cmpi eq, %iota3A, %eq3A_250 : vector<256x4096xi32>
    %jit3A_252 = arith.constant 3.000000e+38 : f32
    %broadcast_in_dim3A_253 = vector.broadcast %jit3A_252 : f32 to vector<256x4096xf32>
    %select_n3A_254 = arith.select %eq3A_251, %broadcast_in_dim3A_253, %select_n3A_236 : vector<256x4096xi1>, vector<256x4096xf32>
    %reduce_min3A_255 = arith.constant dense<0x7F800000> : vector<256xf32>
    %reduce_min3A_256 = vector.multi_reduction <minimumf>, %select_n3A_254, %reduce_min3A_255 [1] : vector<256x4096xf32> to vector<256xf32>
    %broadcast_in_dim3A_257 = vector.shape_cast %reduce_min3A_256 : vector<256xf32> to vector<256x1xf32>
    %le3A_258 = vector.broadcast %broadcast_in_dim3A_257 : vector<256x1xf32> to vector<256x4096xf32>
    %le3A_259 = arith.cmpf ole, %select_n3A_254, %le3A_258 : vector<256x4096xf32>
    %jit3A_260 = arith.constant 4096 : i32
    %broadcast_in_dim3A_261 = vector.broadcast %jit3A_260 : i32 to vector<256x4096xi32>
    %select_n3A_262 = arith.select %le3A_259, %iota3A, %broadcast_in_dim3A_261 : vector<256x4096xi1>, vector<256x4096xi32>
    %reduce_min3A_263 = arith.constant dense<2147483647> : vector<256xi32>
    %reduce_min3A_264 = vector.multi_reduction <minsi>, %select_n3A_262, %reduce_min3A_263 [1] : vector<256x4096xi32> to vector<256xi32>
    %add3A_265 = vector.broadcast %mul3A_26 : i32 to vector<256xi32>
    %add3A_266 = arith.addi %reduce_min3A_264, %add3A_265 : vector<256xi32>
    %broadcast_in_dim3A_267 = vector.shape_cast %reduce_min3A_264 : vector<256xi32> to vector<256x1xi32>
    %eq3A_268 = vector.broadcast %broadcast_in_dim3A_267 : vector<256x1xi32> to vector<256x4096xi32>
    %eq3A_269 = arith.cmpi eq, %iota3A, %eq3A_268 : vector<256x4096xi32>
    %jit3A_270 = arith.constant 3.000000e+38 : f32
    %broadcast_in_dim3A_271 = vector.broadcast %jit3A_270 : f32 to vector<256x4096xf32>
    %select_n3A_272 = arith.select %eq3A_269, %broadcast_in_dim3A_271, %select_n3A_254 : vector<256x4096xi1>, vector<256x4096xf32>
    %reduce_min3A_273 = arith.constant dense<0x7F800000> : vector<256xf32>
    %reduce_min3A_274 = vector.multi_reduction <minimumf>, %select_n3A_272, %reduce_min3A_273 [1] : vector<256x4096xf32> to vector<256xf32>
    %broadcast_in_dim3A_275 = vector.shape_cast %reduce_min3A_274 : vector<256xf32> to vector<256x1xf32>
    %le3A_276 = vector.broadcast %broadcast_in_dim3A_275 : vector<256x1xf32> to vector<256x4096xf32>
    %le3A_277 = arith.cmpf ole, %select_n3A_272, %le3A_276 : vector<256x4096xf32>
    %jit3A_278 = arith.constant 4096 : i32
    %broadcast_in_dim3A_279 = vector.broadcast %jit3A_278 : i32 to vector<256x4096xi32>
    %select_n3A_280 = arith.select %le3A_277, %iota3A, %broadcast_in_dim3A_279 : vector<256x4096xi1>, vector<256x4096xi32>
    %reduce_min3A_281 = arith.constant dense<2147483647> : vector<256xi32>
    %reduce_min3A_282 = vector.multi_reduction <minsi>, %select_n3A_280, %reduce_min3A_281 [1] : vector<256x4096xi32> to vector<256xi32>
    %add3A_283 = vector.broadcast %mul3A_26 : i32 to vector<256xi32>
    %add3A_284 = arith.addi %reduce_min3A_282, %add3A_283 : vector<256xi32>
    %broadcast_in_dim3A_285 = vector.shape_cast %reduce_min3A_282 : vector<256xi32> to vector<256x1xi32>
    %eq3A_286 = vector.broadcast %broadcast_in_dim3A_285 : vector<256x1xi32> to vector<256x4096xi32>
    %eq3A_287 = arith.cmpi eq, %iota3A, %eq3A_286 : vector<256x4096xi32>
    %jit3A_288 = arith.constant 3.000000e+38 : f32
    %broadcast_in_dim3A_289 = vector.broadcast %jit3A_288 : f32 to vector<256x4096xf32>
    %select_n3A_290 = arith.select %eq3A_287, %broadcast_in_dim3A_289, %select_n3A_272 : vector<256x4096xi1>, vector<256x4096xf32>
    %reduce_min3A_291 = arith.constant dense<0x7F800000> : vector<256xf32>
    %reduce_min3A_292 = vector.multi_reduction <minimumf>, %select_n3A_290, %reduce_min3A_291 [1] : vector<256x4096xf32> to vector<256xf32>
    %broadcast_in_dim3A_293 = vector.shape_cast %reduce_min3A_292 : vector<256xf32> to vector<256x1xf32>
    %le3A_294 = vector.broadcast %broadcast_in_dim3A_293 : vector<256x1xf32> to vector<256x4096xf32>
    %le3A_295 = arith.cmpf ole, %select_n3A_290, %le3A_294 : vector<256x4096xf32>
    %jit3A_296 = arith.constant 4096 : i32
    %broadcast_in_dim3A_297 = vector.broadcast %jit3A_296 : i32 to vector<256x4096xi32>
    %select_n3A_298 = arith.select %le3A_295, %iota3A, %broadcast_in_dim3A_297 : vector<256x4096xi1>, vector<256x4096xi32>
    %reduce_min3A_299 = arith.constant dense<2147483647> : vector<256xi32>
    %reduce_min3A_300 = vector.multi_reduction <minsi>, %select_n3A_298, %reduce_min3A_299 [1] : vector<256x4096xi32> to vector<256xi32>
    %add3A_301 = vector.broadcast %mul3A_26 : i32 to vector<256xi32>
    %add3A_302 = arith.addi %reduce_min3A_300, %add3A_301 : vector<256xi32>
    %stack3A = vector.shape_cast %add3A_33 : vector<256xi32> to vector<256x1xi32>
    %stack3A_303 = vector.shape_cast %add3A_50 : vector<256xi32> to vector<256x1xi32>
    %stack3A_304 = vector.shape_cast %add3A_68 : vector<256xi32> to vector<256x1xi32>
    %stack3A_305 = vector.shape_cast %add3A_86 : vector<256xi32> to vector<256x1xi32>
    %stack3A_306 = vector.shape_cast %add3A_104 : vector<256xi32> to vector<256x1xi32>
    %stack3A_307 = vector.shape_cast %add3A_122 : vector<256xi32> to vector<256x1xi32>
    %stack3A_308 = vector.shape_cast %add3A_140 : vector<256xi32> to vector<256x1xi32>
    %stack3A_309 = vector.shape_cast %add3A_158 : vector<256xi32> to vector<256x1xi32>
    %stack3A_310 = vector.shape_cast %add3A_176 : vector<256xi32> to vector<256x1xi32>
    %stack3A_311 = vector.shape_cast %add3A_194 : vector<256xi32> to vector<256x1xi32>
    %stack3A_312 = vector.shape_cast %add3A_212 : vector<256xi32> to vector<256x1xi32>
    %stack3A_313 = vector.shape_cast %add3A_230 : vector<256xi32> to vector<256x1xi32>
    %stack3A_314 = vector.shape_cast %add3A_248 : vector<256xi32> to vector<256x1xi32>
    %stack3A_315 = vector.shape_cast %add3A_266 : vector<256xi32> to vector<256x1xi32>
    %stack3A_316 = vector.shape_cast %add3A_284 : vector<256xi32> to vector<256x1xi32>
    %stack3A_317 = vector.shape_cast %add3A_302 : vector<256xi32> to vector<256x1xi32>
    %stack3A_318 = tpu.concatenate %stack3A, %stack3A_303, %stack3A_304, %stack3A_305, %stack3A_306, %stack3A_307, %stack3A_308, %stack3A_309, %stack3A_310, %stack3A_311, %stack3A_312, %stack3A_313, %stack3A_314, %stack3A_315, %stack3A_316, %stack3A_317 in 1 : vector<256x1xi32>, vector<256x1xi32>, vector<256x1xi32>, vector<256x1xi32>, vector<256x1xi32>, vector<256x1xi32>, vector<256x1xi32>, vector<256x1xi32>, vector<256x1xi32>, vector<256x1xi32>, vector<256x1xi32>, vector<256x1xi32>, vector<256x1xi32>, vector<256x1xi32>, vector<256x1xi32>, vector<256x1xi32> -> vector<256x16xi32>
    %swap3A = arith.constant 0 : index
    %swap3A_319 = arith.constant 0 : index
    %swap3A_320 = arith.constant 0 : index
    %swap3A_321 = vector.load %arg4[%swap3A, %swap3A_319, %swap3A_320] : memref<1x256x16xi32, #tpu.memory_space<vmem>>, vector<1x256x16xi32>
    %swap3A_322 = vector.shape_cast %swap3A_321 : vector<1x256x16xi32> to vector<256x16xi32>
    %swap3A_323 = vector.shape_cast %stack3A_318 : vector<256x16xi32> to vector<1x256x16xi32>
    tpu.vector_store %arg4[%swap3A, %swap3A_319, %swap3A_320], %swap3A_323 {strides = array<i32>} : memref<1x256x16xi32, #tpu.memory_space<vmem>>, vector<1x256x16xi32>,
    return
  }
  func.func @transform_0(%arg0: i32, %arg1: i32) -> (i32, i32, i32) {
    %c0_i32 = arith.constant 0 : i32
    %c0_i32_0 = arith.constant 0 : i32
    return %arg0, %arg1, %c0_i32 : i32, i32, i32
  }
  func.func @transform_1(%arg0: i32, %arg1: i32) -> (i32, i32, i32) {
    %c0_i32 = arith.constant 0 : i32
    %c0_i32_0 = arith.constant 0 : i32
    %c0_i32_1 = arith.constant 0 : i32
    return %arg0, %c0_i32, %c0_i32_0 : i32, i32, i32
  }
  func.func @transform_2(%arg0: i32, %arg1: i32) -> (i32, i32, i32) {
    %c0_i32 = arith.constant 0 : i32
    %c0_i32_0 = arith.constant 0 : i32
    return %arg0, %arg1, %c0_i32 : i32, i32, i32
  }
}

module attributes {stable_mosaic.version = 14 : i64} {
  func.func @_mm_body(%arg0: i32, %arg1: memref<512x259xf32, #tpu.memory_space<vmem>>, %arg2: memref<259x512xf32, #tpu.memory_space<vmem>>, %arg3: memref<512x512xf32, #tpu.memory_space<vmem>>) attributes {dimension_semantics = [#tpu.dimension_semantics<arbitrary>], iteration_bounds = array<i64: 40>, scalar_prefetch = 0 : i64, scratch_operands = 0 : i64, tpu.core_type = #tpu.core_type<tc>, window_params = [{transform_indices = @transform_0, window_bounds = array<i64: 512, 259>}, {pipeline_mode = #tpu.pipeline_mode<synchronous>, transform_indices = @transform_1, window_bounds = array<i64: 259, 512>}, {transform_indices = @transform_2, window_bounds = array<i64: 512, 512>}]} {
    %get3A = arith.constant 0 : index
    %get3A_0 = arith.constant 0 : index
    %get3A_1 = vector.load %arg1[%get3A, %get3A_0] : memref<512x259xf32, #tpu.memory_space<vmem>>, vector<512x259xf32>
    %get3A_2 = arith.constant 0 : index
    %get3A_3 = arith.constant 0 : index
    %get3A_4 = vector.load %arg2[%get3A_2, %get3A_3] : memref<259x512xf32, #tpu.memory_space<vmem>>, vector<259x512xf32>
    %dot_general3A = arith.constant dense<0.000000e+00> : vector<512x512xf32>
    %dot_general3A_5 = tpu.matmul %get3A_1, %get3A_4, %dot_general3A {dimension_numbers = #tpu.dot_dimension_numbers<[1], [0], [0], [1], [0, 0, 1, 1], [], []>, precision = #tpu.contract_precision<fp32>, transpose_lhs_hint = false} : vector<512x259xf32>, vector<259x512xf32>, vector<512x512xf32> -> vector<512x512xf32>
    %swap3A = arith.constant 0 : index
    %swap3A_6 = arith.constant 0 : index
    %swap3A_7 = vector.load %arg3[%swap3A, %swap3A_6] : memref<512x512xf32, #tpu.memory_space<vmem>>, vector<512x512xf32>
    tpu.vector_store %arg3[%swap3A, %swap3A_6], %dot_general3A_5 {strides = array<i32>} : memref<512x512xf32, #tpu.memory_space<vmem>>, vector<512x512xf32>,
    return
  }
  func.func @transform_0(%arg0: i32) -> (i32, i32) {
    %c0_i32 = arith.constant 0 : i32
    %c0_i32_0 = arith.constant 0 : i32
    return %arg0, %c0_i32 : i32, i32
  }
  func.func @transform_1(%arg0: i32) -> (i32, i32) {
    %c0_i32 = arith.constant 0 : i32
    %c0_i32_0 = arith.constant 0 : i32
    %c0_i32_1 = arith.constant 0 : i32
    return %c0_i32, %c0_i32_0 : i32, i32
  }
  func.func @transform_2(%arg0: i32) -> (i32, i32) {
    %c0_i32 = arith.constant 0 : i32
    %c0_i32_0 = arith.constant 0 : i32
    return %arg0, %c0_i32 : i32, i32
  }
}

module attributes {stable_mosaic.version = 14 : i64} {
  func.func @_bn_body(%arg0: memref<4096x512xf32, #tpu.memory_space<vmem>>, %arg1: memref<4096x512xf32, #tpu.memory_space<vmem>>, %arg2: memref<4096x512xf32, #tpu.memory_space<vmem>>, %arg3: memref<4096x512xf32, #tpu.memory_space<vmem>>, %arg4: memref<1x512xf32, #tpu.memory_space<vmem>>, %arg5: memref<1x512xf32, #tpu.memory_space<vmem>>, %arg6: memref<4096x512xf32, #tpu.memory_space<vmem>>) attributes {dimension_semantics = [], scalar_prefetch = 0 : i64, scratch_operands = 0 : i64, tpu.core_type = #tpu.core_type<tc>} {
    %get3A = arith.constant 0 : index
    %get3A_0 = arith.constant 0 : index
    %get3A_1 = vector.load %arg3[%get3A, %get3A_0] : memref<4096x512xf32, #tpu.memory_space<vmem>>, vector<4096x512xf32>
    %get3A_2 = arith.constant 0 : index
    %get3A_3 = arith.constant 0 : index
    %get3A_4 = vector.load %arg1[%get3A_2, %get3A_3] : memref<4096x512xf32, #tpu.memory_space<vmem>>, vector<4096x512xf32>
    %reduce_sum3A = arith.constant dense<0.000000e+00> : vector<512xf32>
    %reduce_sum3A_5 = vector.multi_reduction <add>, %get3A_1, %reduce_sum3A [0] : vector<4096x512xf32> to vector<512xf32>
    %broadcast_in_dim3A = vector.shape_cast %reduce_sum3A_5 : vector<512xf32> to vector<1x512xf32>
    %reduce_sum3A_6 = arith.constant dense<0.000000e+00> : vector<512xf32>
    %reduce_sum3A_7 = vector.multi_reduction <add>, %get3A_4, %reduce_sum3A_6 [0] : vector<4096x512xf32> to vector<512xf32>
    %broadcast_in_dim3A_8 = vector.shape_cast %reduce_sum3A_7 : vector<512xf32> to vector<1x512xf32>
    %get3A_9 = arith.constant 0 : index
    %get3A_10 = arith.constant 0 : index
    %get3A_11 = vector.load %arg2[%get3A_9, %get3A_10] : memref<4096x512xf32, #tpu.memory_space<vmem>>, vector<4096x512xf32>
    %reduce_sum3A_12 = arith.constant dense<0.000000e+00> : vector<512xf32>
    %reduce_sum3A_13 = vector.multi_reduction <add>, %get3A_11, %reduce_sum3A_12 [0] : vector<4096x512xf32> to vector<512xf32>
    %broadcast_in_dim3A_14 = vector.shape_cast %reduce_sum3A_13 : vector<512xf32> to vector<1x512xf32>
    %mul3A = arith.mulf %get3A_1, %get3A_4 : vector<4096x512xf32>
    %reduce_sum3A_15 = arith.constant dense<0.000000e+00> : vector<512xf32>
    %reduce_sum3A_16 = vector.multi_reduction <add>, %mul3A, %reduce_sum3A_15 [0] : vector<4096x512xf32> to vector<512xf32>
    %broadcast_in_dim3A_17 = vector.shape_cast %reduce_sum3A_16 : vector<512xf32> to vector<1x512xf32>
    %mul3A_18 = arith.mulf %get3A_1, %get3A_1 : vector<4096x512xf32>
    %reduce_sum3A_19 = arith.constant dense<0.000000e+00> : vector<512xf32>
    %reduce_sum3A_20 = vector.multi_reduction <add>, %mul3A_18, %reduce_sum3A_19 [0] : vector<4096x512xf32> to vector<512xf32>
    %broadcast_in_dim3A_21 = vector.shape_cast %reduce_sum3A_20 : vector<512xf32> to vector<1x512xf32>
    %mul3A_22 = arith.constant 1.600000e+01 : f32
    %mul3A_23 = vector.broadcast %mul3A_22 : f32 to vector<1x512xf32>
    %mul3A_24 = arith.mulf %mul3A_23, %broadcast_in_dim3A : vector<1x512xf32>
    %sub3A = arith.subf %broadcast_in_dim3A_8, %mul3A_24 : vector<1x512xf32>
    %div3A = arith.constant 6.553600e+04 : f32
    %div3A_25 = vector.broadcast %div3A : f32 to vector<1x512xf32>
    %div3A_26 = arith.divf %sub3A, %div3A_25 : vector<1x512xf32>
    %mul3A_27 = arith.constant 2.000000e+00 : f32
    %mul3A_28 = vector.broadcast %mul3A_27 : f32 to vector<1x512xf32>
    %mul3A_29 = arith.mulf %mul3A_28, %broadcast_in_dim3A_17 : vector<1x512xf32>
    %sub3A_30 = arith.subf %broadcast_in_dim3A_14, %mul3A_29 : vector<1x512xf32>
    %mul3A_31 = arith.constant 1.600000e+01 : f32
    %mul3A_32 = vector.broadcast %mul3A_31 : f32 to vector<1x512xf32>
    %mul3A_33 = arith.mulf %mul3A_32, %broadcast_in_dim3A_21 : vector<1x512xf32>
    %add3A = arith.addf %sub3A_30, %mul3A_33 : vector<1x512xf32>
    %div3A_34 = arith.constant 6.553600e+04 : f32
    %div3A_35 = vector.broadcast %div3A_34 : f32 to vector<1x512xf32>
    %div3A_36 = arith.divf %add3A, %div3A_35 : vector<1x512xf32>
    %mul3A_37 = arith.mulf %div3A_26, %div3A_26 : vector<1x512xf32>
    %sub3A_38 = arith.subf %div3A_36, %mul3A_37 : vector<1x512xf32>
    %get3A_39 = arith.constant 0 : index
    %get3A_40 = arith.constant 0 : index
    %get3A_41 = vector.load %arg4[%get3A_39, %get3A_40] : memref<1x512xf32, #tpu.memory_space<vmem>>, vector<1x512xf32>
    %add3A_42 = arith.constant 9.99999974E-6 : f32
    %add3A_43 = vector.broadcast %add3A_42 : f32 to vector<1x512xf32>
    %add3A_44 = arith.addf %sub3A_38, %add3A_43 : vector<1x512xf32>
    %rsqrt3A = math.rsqrt %add3A_44 : vector<1x512xf32>
    %mul3A_45 = arith.mulf %get3A_41, %rsqrt3A : vector<1x512xf32>
    %get3A_46 = arith.constant 0 : index
    %get3A_47 = arith.constant 0 : index
    %get3A_48 = vector.load %arg5[%get3A_46, %get3A_47] : memref<1x512xf32, #tpu.memory_space<vmem>>, vector<1x512xf32>
    %mul3A_49 = arith.mulf %div3A_26, %mul3A_45 : vector<1x512xf32>
    %sub3A_50 = arith.subf %get3A_48, %mul3A_49 : vector<1x512xf32>
    %get3A_51 = arith.constant 0 : index
    %get3A_52 = arith.constant 0 : index
    %get3A_53 = vector.load %arg0[%get3A_51, %get3A_52] : memref<4096x512xf32, #tpu.memory_space<vmem>>, vector<4096x512xf32>
    %sub3A_54 = arith.subf %get3A_53, %get3A_1 : vector<4096x512xf32>
    %mul3A_55 = vector.broadcast %mul3A_45 : vector<1x512xf32> to vector<4096x512xf32>
    %mul3A_56 = arith.mulf %sub3A_54, %mul3A_55 : vector<4096x512xf32>
    %add3A_57 = vector.broadcast %sub3A_50 : vector<1x512xf32> to vector<4096x512xf32>
    %add3A_58 = arith.addf %mul3A_56, %add3A_57 : vector<4096x512xf32>
    %max3A = arith.constant 0.000000e+00 : f32
    %max3A_59 = vector.broadcast %max3A : f32 to vector<4096x512xf32>
    %max3A_60 = arith.maximumf %add3A_58, %max3A_59 : vector<4096x512xf32>
    %swap3A = arith.constant 0 : index
    %swap3A_61 = arith.constant 0 : index
    %swap3A_62 = vector.load %arg6[%swap3A, %swap3A_61] : memref<4096x512xf32, #tpu.memory_space<vmem>>, vector<4096x512xf32>
    tpu.vector_store %arg6[%swap3A, %swap3A_61], %max3A_60 {strides = array<i32>} : memref<4096x512xf32, #tpu.memory_space<vmem>>, vector<4096x512xf32>,
    return
  }
}

</mosaic_0001>

<sc_bundles>
// kernel: gather_offload_async_start
scs
__scs_entry_jumppad:
0x0: {  	(pc) =	sbr.rel $0x88, $3  }
0x1: {  	(tag) =	ssettag $0x0;
	lr =	simm.s32 $0x1  }
0x2: {  	[smem:$0x3F9A] =	sst lr;
	_ =	strace $0xD0000000  }
0x3: {  	_ = 	snop  }
0x4: {  	_ = 	snop  }
0x5: {  	_ = 	snop  }
0x6: {  	_ = 	snop  }
0x7: {  	_ = 	snop  }
__scs_overlays_trampoline_lowered:
0x8: {  	[smem:$0x3FA9] =	sst s0  }
0x9: {  	[smem:$0x3FAA] =	sst s1  }
0xa: {  	[smem:$0x3FAB] =	sst s2  }
0xb: {  	[smem:$0x3FAC] =	sst s3  }
0xc: {  	[smem:$0x3FAD] =	sst s4  }
0xd: {  	[smem:$0x3FAE] =	sst s5  }
0xe: {  	[smem:$0x3FAF] =	sst s6  }
0xf: {  	[smem:$0x3FB0] =	sst s7  }
0x10: {  	[smem:$0x3FB1] =	sst s8  }
0x11: {  	[smem:$0x3FB2] =	sst s9;
	s0 =	simm.s32 @!p0 $0x0  }
0x12: {  	s1 =	sld [smem:$0x3F98];
	s0 =	simm.s32 @p0 $0x1  }
0x13: {  	[smem:$0x3FB3] =	sst s0;
	s0 =	simm.s32 @!p1 $0x0  }
0x14: {  	s2 =	sld [smem:$0x3F97];
	s0 =	simm.s32 @p1 $0x1  }
0x15: {  	[smem:$0x3FB4] =	sst s0;
	s0 =	simm.s32 @!p2 $0x0  }
0x16: {  	s3 =	sld [smem:$0x3FDB];
	s0 =	simm.s32 @p2 $0x1  }
0x17: {  	s4 =	simm.s32 $0x1BF5;
	[smem:$0x3FB6] =	sst s0  }
0x18: {  	s0 =	sld [smem:$0x3F99];
	_ =	swait.ge [sflag:s4], $0x0  }
0x19: {  	s7 =	sld [smem:$0x3F9A]  }
0x1a: {  	s8 =	sadd.s32 $0xFFFFE003, lr  }
0x1b: {  	s9 =	sadd.s32 $0xFFFFFEF7, lr;
	s5 =	simm.s32 $0xFFFFFFFF;
	p2 =	slt.u32 s8, $0xFFFFF086  }
0x1c: {  	p1 =	slt.u32 s9, $0xF7A;
	s5 =	simm.s32 @!p2 $0x0  }
0x1d: {  	s5 =	simm.s32 @p1 $0x1;
	p0 =	seq.s32 s7, s2  }
0x1e: {  	s7 =	smul.u32 @!p0 $0xF7A, s2;
	p2 =	seq.s32 @!p0 s5, $0x0  }
0x1f: {  	s9 =	smul.u32 $0xF7A, s1;
	s8 =	simm.s32 @!p0 $0x1BF5;
	p2 =	por !p2, p0  }
0x20: {  	[sflag:s8] =	ssyncset.s32 @!p0 $0xFFFFF086;
	s6 =	sadd.s32 @!p0 s3, s7;
	s7 =	simm.s32 @!p0 $0x108  }
0x21: {  	s3 =	sadd.s32 s3, s9;
	s6 =	sadd.s32 @!p0 $0x88, s6;
	s7 =	simm.s32 @p2 $0x1082  }
0x22: {  	[simem:s7], [sflag:s8] =	dma.local @!p0 [hbm:s6], $0xF7A  }
0x23: {  	s9 =	sor.u32 $0xD0000000, s2;
	s6 =	simm.s32 $0x108;
	_ =	swait.ge @!p0 [sflag:s8], $0x0  }
0x24: {  	s3 =	sadd.s32 $0x88, s3;
	s6 =	simm.s32 @!p1 $0x1082;
	[sflag:s4] =	ssyncset.s32 $0xFFFFF086  }
0x25: {  	[simem:s6], [sflag:s4] =	dma.local [hbm:s3], $0xF7A  }
0x26: {  	[smem:$0x3F9A] =	sst s1;
	(tag) =	ssettag s2;
	_ =	strace s9  }
0x27: {  	s1 =	sld [smem:$0x3FAA]  }
0x28: {  	s2 =	sld [smem:$0x3FAB]  }
0x29: {  	s4 =	sld [smem:$0x3FAD]  }
0x2a: {  	p0 =	seq.s32 s5, $0x0;
	s5 =	sld [smem:$0x3FAE]  }
0x2b: {  	s6 =	sld [smem:$0x3FAF]  }
0x2c: {  	s7 =	sld [smem:$0x3FB0]  }
0x2d: {  	s3 =	simm.s32 $0x108;
	s8 =	sld [smem:$0x3FB1]  }
0x2e: {  	s3 =	simm.s32 @!p0 $0x1082;
	s9 =	sld [smem:$0x3FB2]  }
0x2f: {  	lr =	sadd.s32 s0, s3;
	s0 =	sld [smem:$0x3FA9]  }
0x30: {  	s3 =	sld [smem:$0x3FAC]  }
0x31: {  	[smem:$0x3FB5] =	sst s10  }
0x32: {  	s10 =	sld [smem:$0x3FB3];
	_ =	sdelay $0x3  }
0x33: {  	p0 =	seq.s32 s10, $0x1;
	s10 =	sld [smem:$0x3FB5];
	_ =	sdelay $0x3  }
0x34: {  	[smem:$0x3FB5] =	sst s10  }
0x35: {  	s10 =	sld [smem:$0x3FB4];
	_ =	sdelay $0x3  }
0x36: {  	p1 =	seq.s32 s10, $0x1;
	s10 =	sld [smem:$0x3FB5];
	_ =	sdelay $0x3  }
0x37: {  	[smem:$0x3FB5] =	sst s10  }
0x38: {  	s10 =	sld [smem:$0x3FB6]  }
0x39: {  	_ = 	snop;
	(pc) =	sbr.ind lr, $3  }
0x3a: {  	_ = 	snop  }
0x3b: {  	_ = 	snop  }
0x3c: {  	p2 =	seq.s32 s10, $0x1;
	s10 =	sld [smem:$0x3FB5]  }
0x3d: {  	_ =	shalt  }
0x3e: {  	_ =	shalt  }
0x3f: {  	_ =	shalt  }
0x40: {  	_ =	shalt  }
0x41: {  	_ =	shalt  }
0x42: {  	_ =	shalt  }
0x43: {  	_ =	shalt  }
0x44: {  	_ =	shalt  }
0x45: {  	_ =	shalt  }
0x46: {  	_ =	shalt  }
0x47: {  	_ =	shalt  }
0x48: {  	_ =	shalt  }
0x49: {  	_ =	shalt  }
0x4a: {  	_ =	shalt  }
0x4b: {  	_ =	shalt  }
0x4c: {  	_ =	shalt  }
0x4d: {  	_ =	shalt  }
0x4e: {  	_ =	shalt  }
0x4f: {  	_ =	shalt  }
0x50: {  	_ =	shalt  }
0x51: {  	_ =	shalt  }
0x52: {  	_ =	shalt  }
0x53: {  	_ =	shalt  }
0x54: {  	_ =	shalt  }
0x55: {  	_ =	shalt  }
0x56: {  	_ =	shalt  }
0x57: {  	_ =	shalt  }
0x58: {  	_ =	shalt  }
0x59: {  	_ =	shalt  }
0x5a: {  	_ =	shalt  }
0x5b: {  	_ =	shalt  }
0x5c: {  	_ =	shalt  }
0x5d: {  	_ =	shalt  }
0x5e: {  	_ =	shalt  }
0x5f: {  	_ =	shalt  }
0x60: {  	_ =	shalt  }
0x61: {  	_ =	shalt  }
0x62: {  	_ =	shalt  }
0x63: {  	_ =	shalt  }
0x64: {  	_ =	shalt  }
0x65: {  	_ =	shalt  }
0x66: {  	_ =	shalt  }
0x67: {  	_ =	shalt  }
0x68: {  	_ =	shalt  }
0x69: {  	_ =	shalt  }
0x6a: {  	_ =	shalt  }
0x6b: {  	_ =	shalt  }
0x6c: {  	_ =	shalt  }
0x6d: {  	_ =	shalt  }
0x6e: {  	_ =	shalt  }
0x6f: {  	_ =	shalt  }
0x70: {  	_ =	shalt  }
0x71: {  	_ =	shalt  }
0x72: {  	_ =	shalt  }
0x73: {  	_ =	shalt  }
0x74: {  	_ =	shalt  }
0x75: {  	_ =	shalt  }
0x76: {  	_ =	shalt  }
0x77: {  	_ =	shalt  }
0x78: {  	_ =	shalt  }
0x79: {  	_ =	shalt  }
0x7a: {  	_ =	shalt  }
0x7b: {  	_ =	shalt  }
0x7c: {  	_ =	shalt  }
0x7d: {  	_ =	shalt  }
0x7e: {  	_ =	shalt  }
0x7f: {  	_ =	shalt  }
0x80: {  	_ =	shalt  }
0x81: {  	_ =	shalt  }
0x82: {  	_ =	shalt  }
0x83: {  	_ =	shalt  }
0x84: {  	_ =	shalt  }
0x85: {  	_ =	shalt  }
0x86: {  	_ =	shalt  }
0x87: {  	_ =	shalt  }
.Lfunc_end0:
.L_simem_size_0:
called_computation_lowered:
.L_overlay_start_0:
0x88: {  	s2 =	sld [smem:$0x3FD9]  }
0x89: {  	s3 =	sld [smem:$0x3FFE];
	_ =	sdelay $0x1  }
0x8a: {  	s1 =	srdreg.scid  }
0x8b: {  	s0 =	sand.u32 $0x1, s1  }
0x8c: {  	s14 =	sshll.u32 s0, $0xA;
	s2 =	sadd.s32 s3, s2  }
0x8d: {  	s2 =	sadd.s32 s2, s14  }
0x8e: {  	[smem:$0x3FC1] =	sst s2  }
0x8f: {  	_ = 	snop  }
0x90: {  	s2 =	sld [smem:$0x3FD0];
	_ =	sdelay $0x2  }
0x91: {  	s15 =	simm.s32 $0xA;
	s4 =	simm.s32 $0x10  }
0x92: {  	[smem:s4], [sflag:s15] =	dma.local [hbm:s2], $0x1  }
0x93: {  	_ =	swait.eq [sflag:s15], $0x1  }
0x94: {  	[sflag:s15] =	ssyncset.done $0x0  }
0x95: {  	s16 =	sld [smem:$0x10];
	[sflag:s15] =	ssyncadd.s32 $0xFFFFFFFF  }
0x96: {  	s17 =	sld [smem:$0x11];
	(tm) =	ssettm $0x1  }
0x97: {  	s18 =	sld [smem:$0x3FFB];
	_ =	sdelay $0x3  }
0x98: {  	_ =	strace s18  }
0x99: {  	s4 =	sld [smem:$0x3FFC];
	_ =	sdelay $0x3  }
0x9a: {  	_ =	strace s4  }
0x9b: {  	s4 =	sld [smem:$0x3FFD];
	_ =	sdelay $0x3  }
0x9c: {  	_ =	strace s4  }
0x9d: {  	_ =	strace $0x8FFFFFFF  }
0x9e: {  	s19 =	sld [smem:$0x3FDB];
	_ =	sdelay $0x1  }
0x9f: {  	s5 =	simm.s32 $_scs_section_size  }
0xa0: {  	s6 =	simm.s32 $_size__tile_overlayer_lowered;
	s7 =	simm.s32 $_tile_overlayer_lowered  }
0xa1: {  	s22 =	simm.s32 $0x1BFF;
	s21 =	sshll.u32 s7, $0x1;
	s4 =	sadd.s32 s5, s19  }
0xa2: {  	s8 =	simm.s32 $0x0;
	s20 =	sshll.u32 s6, $0x1;
	s6 =	sadd.s32 s21, s4  }
0xa3: {  	[timem:s8], [sflag:s22] =	dma.local [hbm:s6], s20  }
0xa4: {  	_ =	swait.ge [sflag:s22], s20  }
0xa5: {  	s5 =	ssub.s32 $0x0, s20;
	[sflag:s22] =	ssyncset.done $0x0  }
0xa6: {  	[sflag:s22] =	ssyncadd.s32 s5;
	_ =	sdelay $0x1  }
0xa7: {  	s23 =	simm.s32 $0x1B8B  }
0xa8: {  	_ =	swait.ge [sflag:s23], $0x1  }
0xa9: {  	[sflag:s23] =	ssyncset.done $0x0  }
0xaa: {  	s25 =	simm.s32 $0x1B8E;
	s24 =	sld [smem:$0x3FFE];
	[sflag:s23] =	ssyncadd.s32 $0xFFFFFFFF  }
0xab: {  	s26 =	simm.s32 $execute0_lowered;
	[smem:$0x3FD2] =	sst s25  }
0xac: {  	s6 =	sshll.u32 s26, $0x1;
	_ =	strace $0x80000046;
	[dreg:$0x1] =	wrdreg $0xFFFFFFFF  }
0xad: {  	s28 =	simm.s32 $_size_execute0_lowered;
	s4 =	sadd.s32 s4, s6;
	[dreg:$0x0] =	wrdreg $0x0  }
0xae: {  	s6 =	sshll.u32 s28, $0x1;
	[dreg:$0x2] =	wrdreg s4  }
0xaf: {  	[dreg:$0x3] =	wrdreg s6  }
0xb0: {  	[dreg:$0x4] =	wrdreg $0xC0  }
0xb1: {  	_ =	task [dreg:s8], $0x5FFFF  }
0xb2: {  	[dreg:$0x1] =	wrdreg $0xFFFFFFFF  }
0xb3: {  	[dreg:$0x0] =	wrdreg $0x60  }
0xb4: {  	[dreg:$0x2] =	wrdreg s17  }
0xb5: {  	[dreg:$0x3] =	wrdreg s16  }
0xb6: {  	[dreg:$0x4] =	wrdreg s24  }
0xb7: {  	[dreg:$0x5] =	wrdreg $0x9  }
0xb8: {  	_ =	task.clear_ibuf [dreg:s8], $0x6FFFF;
	_ =	strace $0x90000046  }
0xb9: {  	s29 =	simm.s32 $0x9;
	_ =	strace $0x80000048  }
0xba: {  	_ =	swait.ge [sflag:s29], $0x1  }
0xbb: {  	[sflag:s29] =	ssyncadd.s32 $0xFFFFFFFF  }
0xbc: {  	_ =	strace $0x90000048  }
0xbd: {  	_ =	sfence  }
0xbe: {  	s30 =	sld [smem:$0x0];
	_ =	sdelay $0x2  }
0xbf: {  	s31 =	sshll.u32 s1, $0xD;
	s1 =	sshrl.u32 s1, $0x2  }
0xc0: {  	s3 =	sand.u32 $0x4000, s31;
	s1 =	sadd.s32 s1, s30  }
0xc1: {  	s0 =	sor.u32 s3, s0;
	s1 =	sshll.u32 s1, $0x11  }
0xc2: {  	s0 =	sor.u32 s1, s0  }
0xc3: {  	s0 =	sadd.s32 $0x8F2B, s0  }
0xc4: {  	[sflag:s0] =	ssyncadd.remote.s32 $0x1  }
0xc5: {  	_ =	sfence.sel $0xFFFF  }
0xc6: {  	[dreg:$0x0] =	wrdreg $0xFFFFFFFF;
	(pc) =	sbr.abs _section_cstart, $3  }
0xc7: {  	[dreg:$0x1] =	wrdreg $0xFFFFFFFF  }
0xc8: {  	_ =	task.clear_ibuf [dreg:s8], $0x2FFFF;
	_ =	strace $0x9FFFFFFF  }
0xc9: {  	(tm) =	ssettm $0x7FFFFFFF  }
tec
execute0_lowered:
.L_overlay_start_1:
0x0: {  	(tag) =	ssettag $0x1  }
0x1: {  	s2 =	rddreg [dreg:$0x0]  }
0x2: {  	s3 =	rddreg [dreg:$0x1]  }
0x3: {  	s7 =	rddreg [dreg:$0x2]  }
0x4: {  	s0 =	rddreg [dreg:$0x3];
	s1 =	srdreg.scid;
	_ =	strace $0x80000047  }
0x5: {  	s4 =	simm.s32 $0x1;
	s9 =	simm.s32 $0x3;
	s5 =	sshll.u32 s1, $0x4  }
.Ltmp0:
0x6: {  	s1 =	stileid.u32;
	s5 =	sand.u32 $0x10, s5;
	(pc) =	sbr.rel .LBB2_1-.Ltmp0, $4  }
0x7: {  	s12 =	simm.s32 $0x0;
	s10 =	simm.s32 $0x0;
	s6 =	sor.u32 s1, s5  }
0x8: {  	[sflag:s4] =	ssyncpa.u1 $0x0;
	s5 =	simm.s32 $0x2;
	s6 =	sshll.u32 s6, $0x7  }
0x9: {  	s7 =	sadd.s32 $0x3600, s7;
	[sflag:s5] =	ssyncpa.u1 $0x0;
	s8 =	sadd.s32 $0x80, s6  }
0xa: {  	vm0 =	vmmov $0xff;
	vm1 =	vcmask $0x3F20;
	[sflag:s9] =	ssyncpa.u1 $0x0;
	s9 =	simm.s32 $0x80;
	s11 =	smov.u32 s6  }
.LBB2_9:
0xb: {  	p0 =	seq.s32 s10, $0x2  }
.Ltmp1:
0xc: {  	_ = 	snop;
	(pc) =	sbr.rel @p0 .LBB2_11-.Ltmp1, $1  }
0xd: {  	_ =	sdelay $0x3  }
.LBB2_10:
0xe: {  	s12 =	sadd.s32 $0x80, s11  }
0xf: {  	s13 =	smov.u32 s6;
	p0 =	slt.s32 s12, s8  }
0x10: {  	s13 =	smov.u32 @p0 s12  }
0x11: {  	s10 =	sadd.s32 $0x1, s10;
	s12 =	smov.u32 s11;
	s11 =	smov.u32 s13  }
.LBB2_1:
0x12: {  	p0 =	sne.s32 s10, $0x0  }
.Ltmp2:
0x13: {  	_ = 	snop;
	(pc) =	sbr.rel @!p0 .LBB2_2-.Ltmp2, $1  }
0x14: {  	_ =	sdelay $0x3  }
0x15: {  	s13 =	sand.u32 $0x1, s10  }
0x16: {  	p0 =	seq.s32 s13, $0x0  }
.Ltmp3:
0x17: {  	_ = 	snop;
	(pc) =	sbr.rel @p0 .LBB2_9-.Ltmp3, $1  }
0x18: {  	_ =	sdelay $0x3  }
0x19: {  	_ =	swait.ge [sflag:s5], $0x80  }
0x1a: {  	[sflag:s5] =	ssyncset.done $0x0  }
0x1b: {  	s13 =	simm.s32 $0x0;
	[sflag:s5] =	ssyncadd.s32 $0xFFFFFF80  }
0x1c: {  	v0 =	vld.msk [tilespmem:s13+$0x80 ss:$0x1], $0xffff;
	_ =	sdelay $0x4  }
0x1d: {  	vm2 =	vgt.s32 v0, $0x0  }
0x1e: {  	v0 =	vnsel vm2, $0x0, v0  }
0x1f: {  	v0 =	vmin.u32 v0, $0x3FFF  }
0x20: {  	v0 =	vshll.u32 v0, $0x4;
	_ =	sdelay $0x3  }
0x21: {  	s13 =	simm.s32 $0x4100  }
0x22: {  	[tilespmem:s13], [sflag:$0x1] =	stream.indirect_vreg.gather [hbm:s2], $0x80, v0, vm0, $0x38;
	[tilespmem:$0x8100] =	vst v63  }
0x23: {  	s14 =	simm.s32 $0x4500;
	s31 =	simm.s32 $0x10  }
0x24: {  	[tilespmem:s14], [sflag:$0x1] =	stream.indirect_vreg.gather [hbm:s2], $0x80, v0, vm1, $0x38;
	[tilespmem:$0x8100] =	vst v63  }
0x25: {  	s14 =	simm.s32 $0x80;
	v0 =	vld.msk [tilespmem:s31+$0x80 ss:$0x1], $0xffff  }
.LBB2_5:
0x26: {  	p0 =	sne.s32 s14, $0x1C0;
	_ =	sdelay $0x4  }
0x27: {  	vm2 =	vgt.s32 v0, $0x0  }
0x28: {  	v0 =	vnsel vm2, $0x0, v0  }
0x29: {  	v0 =	vmin.u32 v0, $0x3FFF  }
0x2a: {  	v0 =	vshll.u32 v0, $0x4;
	_ =	sdelay $0x3  }
.Ltmp4:
0x2b: {  	s13 =	sadd.s32 $0x800, s13;
	(pc) =	sbr.rel @p0 .LBB2_5-.Ltmp4, $4  }
0x2c: {  	[tilespmem:s13], [sflag:$0x1] =	stream.indirect_vreg.gather [hbm:s2], $0x80, v0, vm0, $0x38;
	[tilespmem:$0x8100] =	vst v63  }
0x2d: {  	s15 =	sshra.s32 s14, $0x2;
	s16 =	sadd.s32 $0x400, s13  }
0x2e: {  	[tilespmem:s16], [sflag:$0x1] =	stream.indirect_vreg.gather [hbm:s2], $0x80, v0, vm1, $0x38;
	[tilespmem:$0x8100] =	vst v63  }
0x2f: {  	s14 =	sadd.s32 $0x40, s14;
	v0 =	vld.msk [tilespmem:s15+$0x80 ss:$0x1], $0xffff  }
0x30: {  	_ =	sdelay $0x3  }
0x31: {  	vm2 =	vgt.s32 v0, $0x0  }
0x32: {  	v0 =	vnsel vm2, $0x0, v0  }
0x33: {  	v0 =	vmin.u32 v0, $0x3FFF  }
0x34: {  	v0 =	vshll.u32 v0, $0x4;
	_ =	sdelay $0x3  }
0x35: {  	s13 =	sadd.s32 $0x800, s13  }
0x36: {  	[tilespmem:s13], [sflag:$0x1] =	stream.indirect_vreg.gather [hbm:s2], $0x80, v0, vm0, $0x38;
	[tilespmem:$0x8100] =	vst v63  }
0x37: {  	s13 =	sadd.s32 $0x400, s13  }
0x38: {  	[tilespmem:s13], [sflag:$0x1] =	stream.indirect_vreg.gather [hbm:s2], $0x80, v0, vm1, $0x38;
	[tilespmem:$0x8100] =	vst v63  }
0x39: {  	s12 =	sshll.u32 s12, $0x4;
	s14 =	simm.s32 $0x80;
	_ =	swait.ge [sflag:s4], $0x4000  }
0x3a: {  	s15 =	simm.s32 $0x4500;
	s12 =	sadd.s32 s12, s7;
	[sflag:s4] =	ssyncset.done $0x0  }
0x3b: {  	s16 =	sadd.s32 $0x0, s12;
	s13 =	simm.s32 $0x4100;
	[sflag:s4] =	ssyncadd.s32 $0xFFFFC000  }
.LBB2_7:
0x3c: {  	[hbm:s16] =	stream.linear.scatter [tilespmem:s13], [sflag:$0x3], $0x400, $0x38;
	[tilespmem:$0x8100] =	vst v63  }
0x3d: {  	s16 =	smov.u32 s14;
	s13 =	smov.u32 s15;
	p0 =	sne.s32 s14, $0x780  }
.Ltmp5:
0x3e: {  	s14 =	sadd.s32 $0x80, s14;
	(pc) =	sbr.rel @p0 .LBB2_7-.Ltmp5, $2  }
0x3f: {  	_ =	sdelay $0x2  }
0x40: {  	s15 =	sadd.s32 $0x400, s15;
	s16 =	sadd.s32 s16, s12  }
.Ltmp6:
0x41: {  	(pc) =	sbr.rel .LBB2_9-.Ltmp6, $2  }
0x42: {  	_ =	sdelay $0x2  }
0x43: {  	[hbm:s16] =	stream.linear.scatter [tilespmem:s13], [sflag:$0x3], $0x400, $0x38;
	[tilespmem:$0x8100] =	vst v63  }
.LBB2_2:
.Ltmp7:
0x44: {  	(pc) =	sbr.rel .LBB2_10-.Ltmp7, $4  }
0x45: {  	_ = 	snop  }
0x46: {  	s12 =	sshrl.u32 s11, $0x3  }
0x47: {  	s13 =	sand.u32 $0x7, s11;
	s12 =	sadd.s32 s3, s12  }
0x48: {  	[tilespmem:s9], [sflag:$0x2] =	stream.linear.gather [hbm4b:s12+s13], $0x80, $0x38;
	[tilespmem:$0x8100] =	vst v63  }
.LBB2_11:
0x49: {  	s2 =	simm.s32 $0x3  }
0x4a: {  	_ =	swait.ge [sflag:s2], $0x4000  }
0x4b: {  	[sflag:s2] =	ssyncset.done $0x0  }
0x4c: {  	[sflag:s2] =	ssyncadd.s32 $0xFFFFC000  }
0x4d: {  	_ =	sfence.sel $0x180000  }
0x4e: {  	s3 =	simm.s32 $0x2;
	[bflag:$0x0] =	sbarrier.arrive $0xFFFF  }
0x4f: {  	[sflag:s3] =	ssyncpa.u1 $0x1  }
0x50: {  	s31 =	simm.s32 $0x1;
	[sflag:s2] =	ssyncpa.u1 $0x1  }
0x51: {  	[sflag:s31] =	ssyncpa.u1 $0x1  }
0x52: {  	p0 =	sne.s32 s1, $0x0;
	_ =	strace $0x90000047  }
0x53: {  	s0 =	sadd.s32 @!p0 $0x100000, s0;
	[bflag:$0x2] =	sbarrier.arrive $0xFFFF  }
0x54: {  	[sflag:s0] =	ssyncadd.tile.s32 @!p0 $0x1;
	_ =	shalt  }
.Lfunc_end2:
_tile_overlayer_lowered:
.L_overlay_start_2:
0x55: {  	(tag) =	ssettag $0x2  }
0x56: {  	s0 =	rddreg [dreg:$0x0];
	s2 =	stileid.u32  }
0x57: {  	s1 =	rddreg [dreg:$0x1];
	p0 =	sne.s32 s2, $0x0  }
0x58: {  	s3 =	rddreg [dreg:$0x2];
	[bflag:$0x3] =	sbarrier.arrive $0xFFFF;
	s2 =	simm.s32 @!p0 $0x1C01  }
0x59: {  	[timem:s3], [sflag:s2] =	dma.local @!p0 [hbm:s0], s1  }
0x5a: {  	s0 =	simm.s32 @!p0 $0x1  }
0x5b: {  	_ =	swait.ge @!p0 [sflag:s0], s1  }
0x5c: {  	s1 =	ssub.s32 @!p0 $0x0, s1;
	[sflag:s0] =	ssyncset.done @!p0 $0x0  }
0x5d: {  	[sflag:s0] =	ssyncadd.s32 @!p0 s1  }
0x5e: {  	[bflag:$0x3] =	sbarrier.arrive $0xFFFF  }
0x5f: {  	_ =	shalt  }

// kernel: kernel.6.cloned.1.call-start
scs
__scs_entry_jumppad:
0x0: {  	(pc) =	sbr.rel $0x88, $3  }
0x1: {  	(tag) =	ssettag $0x0;
	lr =	simm.s32 $0x1  }
0x2: {  	[smem:$0x3F9A] =	sst lr;
	_ =	strace $0xD0000000  }
0x3: {  	_ = 	snop  }
0x4: {  	_ = 	snop  }
0x5: {  	_ = 	snop  }
0x6: {  	_ = 	snop  }
0x7: {  	_ = 	snop  }
__scs_overlays_trampoline_lowered:
0x8: {  	[smem:$0x3FA9] =	sst s0  }
0x9: {  	[smem:$0x3FAA] =	sst s1  }
0xa: {  	[smem:$0x3FAB] =	sst s2  }
0xb: {  	[smem:$0x3FAC] =	sst s3  }
0xc: {  	[smem:$0x3FAD] =	sst s4  }
0xd: {  	[smem:$0x3FAE] =	sst s5  }
0xe: {  	[smem:$0x3FAF] =	sst s6  }
0xf: {  	[smem:$0x3FB0] =	sst s7  }
0x10: {  	[smem:$0x3FB1] =	sst s8  }
0x11: {  	[smem:$0x3FB2] =	sst s9;
	s0 =	simm.s32 @!p0 $0x0  }
0x12: {  	s1 =	sld [smem:$0x3F98];
	s0 =	simm.s32 @p0 $0x1  }
0x13: {  	[smem:$0x3FB3] =	sst s0;
	s0 =	simm.s32 @!p1 $0x0  }
0x14: {  	s2 =	sld [smem:$0x3F97];
	s0 =	simm.s32 @p1 $0x1  }
0x15: {  	[smem:$0x3FB4] =	sst s0;
	s0 =	simm.s32 @!p2 $0x0  }
0x16: {  	s3 =	sld [smem:$0x3FDB];
	s0 =	simm.s32 @p2 $0x1  }
0x17: {  	s4 =	simm.s32 $0x1BF5;
	[smem:$0x3FB6] =	sst s0  }
0x18: {  	s0 =	sld [smem:$0x3F99];
	_ =	swait.ge [sflag:s4], $0x0  }
0x19: {  	s7 =	sld [smem:$0x3F9A]  }
0x1a: {  	s8 =	sadd.s32 $0xFFFFE003, lr  }
0x1b: {  	s9 =	sadd.s32 $0xFFFFFEF7, lr;
	s5 =	simm.s32 $0xFFFFFFFF;
	p2 =	slt.u32 s8, $0xFFFFF086  }
0x1c: {  	p1 =	slt.u32 s9, $0xF7A;
	s5 =	simm.s32 @!p2 $0x0  }
0x1d: {  	s5 =	simm.s32 @p1 $0x1;
	p0 =	seq.s32 s7, s2  }
0x1e: {  	s7 =	smul.u32 @!p0 $0xF7A, s2;
	p2 =	seq.s32 @!p0 s5, $0x0  }
0x1f: {  	s9 =	smul.u32 $0xF7A, s1;
	s8 =	simm.s32 @!p0 $0x1BF5;
	p2 =	por !p2, p0  }
0x20: {  	[sflag:s8] =	ssyncset.s32 @!p0 $0xFFFFF086;
	s6 =	sadd.s32 @!p0 s3, s7;
	s7 =	simm.s32 @!p0 $0x108  }
0x21: {  	s3 =	sadd.s32 s3, s9;
	s6 =	sadd.s32 @!p0 $0x88, s6;
	s7 =	simm.s32 @p2 $0x1082  }
0x22: {  	[simem:s7], [sflag:s8] =	dma.local @!p0 [hbm:s6], $0xF7A  }
0x23: {  	s9 =	sor.u32 $0xD0000000, s2;
	s6 =	simm.s32 $0x108;
	_ =	swait.ge @!p0 [sflag:s8], $0x0  }
0x24: {  	s3 =	sadd.s32 $0x88, s3;
	s6 =	simm.s32 @!p1 $0x1082;
	[sflag:s4] =	ssyncset.s32 $0xFFFFF086  }
0x25: {  	[simem:s6], [sflag:s4] =	dma.local [hbm:s3], $0xF7A  }
0x26: {  	[smem:$0x3F9A] =	sst s1;
	(tag) =	ssettag s2;
	_ =	strace s9  }
0x27: {  	s1 =	sld [smem:$0x3FAA]  }
0x28: {  	s2 =	sld [smem:$0x3FAB]  }
0x29: {  	s4 =	sld [smem:$0x3FAD]  }
0x2a: {  	p0 =	seq.s32 s5, $0x0;
	s5 =	sld [smem:$0x3FAE]  }
0x2b: {  	s6 =	sld [smem:$0x3FAF]  }
0x2c: {  	s7 =	sld [smem:$0x3FB0]  }
0x2d: {  	s3 =	simm.s32 $0x108;
	s8 =	sld [smem:$0x3FB1]  }
0x2e: {  	s3 =	simm.s32 @!p0 $0x1082;
	s9 =	sld [smem:$0x3FB2]  }
0x2f: {  	lr =	sadd.s32 s0, s3;
	s0 =	sld [smem:$0x3FA9]  }
0x30: {  	s3 =	sld [smem:$0x3FAC]  }
0x31: {  	[smem:$0x3FB5] =	sst s10  }
0x32: {  	s10 =	sld [smem:$0x3FB3];
	_ =	sdelay $0x3  }
0x33: {  	p0 =	seq.s32 s10, $0x1;
	s10 =	sld [smem:$0x3FB5];
	_ =	sdelay $0x3  }
0x34: {  	[smem:$0x3FB5] =	sst s10  }
0x35: {  	s10 =	sld [smem:$0x3FB4];
	_ =	sdelay $0x3  }
0x36: {  	p1 =	seq.s32 s10, $0x1;
	s10 =	sld [smem:$0x3FB5];
	_ =	sdelay $0x3  }
0x37: {  	[smem:$0x3FB5] =	sst s10  }
0x38: {  	s10 =	sld [smem:$0x3FB6]  }
0x39: {  	_ = 	snop;
	(pc) =	sbr.ind lr, $3  }
0x3a: {  	_ = 	snop  }
0x3b: {  	_ = 	snop  }
0x3c: {  	p2 =	seq.s32 s10, $0x1;
	s10 =	sld [smem:$0x3FB5]  }
0x3d: {  	_ =	shalt  }
0x3e: {  	_ =	shalt  }
0x3f: {  	_ =	shalt  }
0x40: {  	_ =	shalt  }
0x41: {  	_ =	shalt  }
0x42: {  	_ =	shalt  }
0x43: {  	_ =	shalt  }
0x44: {  	_ =	shalt  }
0x45: {  	_ =	shalt  }
0x46: {  	_ =	shalt  }
0x47: {  	_ =	shalt  }
0x48: {  	_ =	shalt  }
0x49: {  	_ =	shalt  }
0x4a: {  	_ =	shalt  }
0x4b: {  	_ =	shalt  }
0x4c: {  	_ =	shalt  }
0x4d: {  	_ =	shalt  }
0x4e: {  	_ =	shalt  }
0x4f: {  	_ =	shalt  }
0x50: {  	_ =	shalt  }
0x51: {  	_ =	shalt  }
0x52: {  	_ =	shalt  }
0x53: {  	_ =	shalt  }
0x54: {  	_ =	shalt  }
0x55: {  	_ =	shalt  }
0x56: {  	_ =	shalt  }
0x57: {  	_ =	shalt  }
0x58: {  	_ =	shalt  }
0x59: {  	_ =	shalt  }
0x5a: {  	_ =	shalt  }
0x5b: {  	_ =	shalt  }
0x5c: {  	_ =	shalt  }
0x5d: {  	_ =	shalt  }
0x5e: {  	_ =	shalt  }
0x5f: {  	_ =	shalt  }
0x60: {  	_ =	shalt  }
0x61: {  	_ =	shalt  }
0x62: {  	_ =	shalt  }
0x63: {  	_ =	shalt  }
0x64: {  	_ =	shalt  }
0x65: {  	_ =	shalt  }
0x66: {  	_ =	shalt  }
0x67: {  	_ =	shalt  }
0x68: {  	_ =	shalt  }
0x69: {  	_ =	shalt  }
0x6a: {  	_ =	shalt  }
0x6b: {  	_ =	shalt  }
0x6c: {  	_ =	shalt  }
0x6d: {  	_ =	shalt  }
0x6e: {  	_ =	shalt  }
0x6f: {  	_ =	shalt  }
0x70: {  	_ =	shalt  }
0x71: {  	_ =	shalt  }
0x72: {  	_ =	shalt  }
0x73: {  	_ =	shalt  }
0x74: {  	_ =	shalt  }
0x75: {  	_ =	shalt  }
0x76: {  	_ =	shalt  }
0x77: {  	_ =	shalt  }
0x78: {  	_ =	shalt  }
0x79: {  	_ =	shalt  }
0x7a: {  	_ =	shalt  }
0x7b: {  	_ =	shalt  }
0x7c: {  	_ =	shalt  }
0x7d: {  	_ =	shalt  }
0x7e: {  	_ =	shalt  }
0x7f: {  	_ =	shalt  }
0x80: {  	_ =	shalt  }
0x81: {  	_ =	shalt  }
0x82: {  	_ =	shalt  }
0x83: {  	_ =	shalt  }
0x84: {  	_ =	shalt  }
0x85: {  	_ =	shalt  }
0x86: {  	_ =	shalt  }
0x87: {  	_ =	shalt  }
.Lfunc_end0:
.L_simem_size_0:
called_computation.1_lowered:
.L_overlay_start_0:
0x88: {  	s2 =	sld [smem:$0x3FD9]  }
0x89: {  	s3 =	sld [smem:$0x3FFE];
	_ =	sdelay $0x1  }
0x8a: {  	s1 =	srdreg.scid  }
0x8b: {  	s0 =	sand.u32 $0x1, s1  }
0x8c: {  	s14 =	sshll.u32 s0, $0xA;
	s2 =	sadd.s32 s3, s2  }
0x8d: {  	s2 =	sadd.s32 s2, s14  }
0x8e: {  	[smem:$0x3FC1] =	sst s2  }
0x8f: {  	_ = 	snop  }
0x90: {  	s2 =	sld [smem:$0x3FD0];
	_ =	sdelay $0x2  }
0x91: {  	s15 =	simm.s32 $0xA;
	s4 =	simm.s32 $0x10  }
0x92: {  	[smem:s4], [sflag:s15] =	dma.local [hbm:s2], $0x1  }
0x93: {  	_ =	swait.eq [sflag:s15], $0x1  }
0x94: {  	[sflag:s15] =	ssyncset.done $0x0  }
0x95: {  	[sflag:s15] =	ssyncadd.s32 $0xFFFFFFFF  }
0x96: {  	s16 =	sld [smem:$0x11];
	(tm) =	ssettm $0x1  }
0x97: {  	s17 =	sld [smem:$0x3FFB];
	_ =	sdelay $0x3  }
0x98: {  	_ =	strace s17  }
0x99: {  	s3 =	sld [smem:$0x3FFC];
	_ =	sdelay $0x3  }
0x9a: {  	_ =	strace s3  }
0x9b: {  	s3 =	sld [smem:$0x3FFD];
	_ =	sdelay $0x3  }
0x9c: {  	_ =	strace s3  }
0x9d: {  	_ =	strace $0x8FFFFFFF  }
0x9e: {  	s18 =	sld [smem:$0x3FDB];
	_ =	sdelay $0x1  }
0x9f: {  	s19 =	simm.s32 $_scs_section_size  }
0xa0: {  	s5 =	simm.s32 $_size__tile_overlayer_lowered;
	s6 =	simm.s32 $_tile_overlayer_lowered  }
0xa1: {  	s22 =	simm.s32 $0x1BFF;
	s21 =	sshll.u32 s6, $0x1;
	s3 =	sadd.s32 s19, s18  }
0xa2: {  	s7 =	simm.s32 $0x0;
	s20 =	sshll.u32 s5, $0x1;
	s5 =	sadd.s32 s21, s3  }
0xa3: {  	[timem:s7], [sflag:s22] =	dma.local [hbm:s5], s20  }
0xa4: {  	_ =	swait.ge [sflag:s22], s20  }
0xa5: {  	s4 =	ssub.s32 $0x0, s20;
	[sflag:s22] =	ssyncset.done $0x0  }
0xa6: {  	[sflag:s22] =	ssyncadd.s32 s4;
	_ =	sdelay $0x1  }
0xa7: {  	s23 =	simm.s32 $0x1B8B  }
0xa8: {  	_ =	swait.ge [sflag:s23], $0x1  }
0xa9: {  	[sflag:s23] =	ssyncset.done $0x0  }
0xaa: {  	s25 =	simm.s32 $0x1B8E;
	s24 =	sld [smem:$0x3FFE];
	[sflag:s23] =	ssyncadd.s32 $0xFFFFFFFF  }
0xab: {  	s26 =	simm.s32 $execute0_lowered;
	[smem:$0x3FD2] =	sst s25  }
0xac: {  	s5 =	sshll.u32 s26, $0x1;
	_ =	strace $0x80000049;
	[dreg:$0x1] =	wrdreg $0xFFFFFFFF  }
0xad: {  	s28 =	simm.s32 $_size_execute0_lowered;
	s3 =	sadd.s32 s3, s5;
	[dreg:$0x0] =	wrdreg $0x0  }
0xae: {  	s5 =	sshll.u32 s28, $0x1;
	[dreg:$0x2] =	wrdreg s3  }
0xaf: {  	[dreg:$0x3] =	wrdreg s5  }
0xb0: {  	[dreg:$0x4] =	wrdreg $0xC0  }
0xb1: {  	_ =	task [dreg:s7], $0x5FFFF  }
0xb2: {  	[dreg:$0x1] =	wrdreg $0xFFFFFFFF  }
0xb3: {  	[dreg:$0x0] =	wrdreg $0x60  }
0xb4: {  	[dreg:$0x2] =	wrdreg s24  }
0xb5: {  	[dreg:$0x3] =	wrdreg s16  }
0xb6: {  	[dreg:$0x4] =	wrdreg $0x9  }
0xb7: {  	_ =	task.clear_ibuf [dreg:s7], $0x5FFFF;
	_ =	strace $0x90000049  }
0xb8: {  	s29 =	simm.s32 $0x9;
	_ =	strace $0x8000004B  }
0xb9: {  	_ =	swait.ge [sflag:s29], $0x1  }
0xba: {  	[sflag:s29] =	ssyncadd.s32 $0xFFFFFFFF  }
0xbb: {  	_ =	strace $0x9000004B  }
0xbc: {  	_ =	sfence  }
0xbd: {  	s30 =	sld [smem:$0x0];
	_ =	sdelay $0x2  }
0xbe: {  	s31 =	sshll.u32 s1, $0xD;
	s1 =	sshrl.u32 s1, $0x2  }
0xbf: {  	s3 =	sand.u32 $0x4000, s31;
	s1 =	sadd.s32 s1, s30  }
0xc0: {  	s0 =	sor.u32 s3, s0;
	s1 =	sshll.u32 s1, $0x11  }
0xc1: {  	s0 =	sor.u32 s1, s0  }
0xc2: {  	s0 =	sadd.s32 $0x8F2B, s0  }
0xc3: {  	[sflag:s0] =	ssyncadd.remote.s32 $0x1  }
0xc4: {  	_ =	sfence.sel $0xFFFF  }
0xc5: {  	[dreg:$0x0] =	wrdreg $0xFFFFFFFF;
	(pc) =	sbr.abs _section_cstart, $3  }
0xc6: {  	[dreg:$0x1] =	wrdreg $0xFFFFFFFF  }
0xc7: {  	_ =	task.clear_ibuf [dreg:s7], $0x2FFFF;
	_ =	strace $0x9FFFFFFF  }
0xc8: {  	(tm) =	ssettm $0x7FFFFFFF  }
0xc9: {  	_ =	shalt  }
tec
execute0_lowered:
.L_overlay_start_1:
0x0: {  	(tag) =	ssettag $0x1  }
0x1: {  	s0 =	rddreg [dreg:$0x0];
	s3 =	simm.s32 $0x0  }
0x2: {  	s1 =	srdreg.scid;
	s2 =	stileid.u32;
	s10 =	simm.s32 $0xC000  }
0x3: {  	s11 =	simm.s32 $0xC800;
	s12 =	simm.s32 $0xD000;
	s13 =	simm.s32 $0xD800  }
0x4: {  	s14 =	simm.s32 $0xE000;
	s15 =	simm.s32 $0xE800;
	s16 =	simm.s32 $0xF000  }
0x5: {  	s17 =	simm.s32 $0xF800;
	s18 =	simm.s32 $0x10000;
	s19 =	simm.s32 $0x10800  }
0x6: {  	s20 =	simm.s32 $0x1;
	s21 =	simm.s32 $0x2;
	[smem:$0x7FF] =	sst s3  }
0x7: {  	s1 =	sand.u32 $0x1, s1;
	s2 =	sshll.u32 s2, $0x1;
	s4 =	sadd.s32 $0x247600, s0  }
0x8: {  	s6 =	sadd.s32 $0x57600, s0;
	s9 =	sadd.s32 $0x247700, s0;
	s2 =	sor.u32 s1, s2  }
.Ltmp0:
0x9: {  	s1 =	ssub.s32 $0x2, s1;
	s5 =	sshll.u32 s2, $0x9;
	(pc) =	sbr.rel .LBB2_1-.Ltmp0, $4  }
0xa: {  	_ =	strace $0x8000004A;
	s7 =	sshrl.u32 s1, $0x1;
	s8 =	sadd.s32 s5, s0  }
0xb: {  	v2 =	vlaneseq.u32;
	s5 =	sadd.s32 $0x17600, s0;
	s1 =	ssub.s32 s1, s7;
	s30 =	sadd.s32 $0x13600, s8  }
0xc: {  	vm0 =	vmmov $0xffff;
	v1 =	vshrl.u32 v2, $0x3;
	s7 =	sshll.u32 s2, $0xD;
	s31 =	smax.u32 s1, $0x1;
	[dreg:$0x3] =	wrdreg s30  }
0xd: {  	v0 =	vand.u32 $0x7, v2;
	v2 =	vor.u32 $0x8, v2;
	v1 =	vmul.u32 $0x8, v1;
	s8 =	simm.s32 $0xB800;
	s1 =	simm.s32 $0x0;
	[dreg:$0x4] =	wrdreg s31  }
.LBB2_10:
0xe: {  	s1 =	rddreg [dreg:$0x5]  }
0xf: {  	s0 =	rddreg [dreg:$0x4];
	s1 =	sadd.s32 $0x1, s1  }
0x10: {  	p0 =	sne.s32 s1, s0  }
.Ltmp1:
0x11: {  	_ = 	snop;
	(pc) =	sbr.rel @!p0 .LBB2_11-.Ltmp1, $1  }
0x12: {  	_ =	sdelay $0x3  }
.LBB2_1:
0x13: {  	[dreg:$0x5] =	wrdreg s1  }
0x14: {  	s0 =	rddreg [dreg:$0x3];
	s1 =	simm.s32 $0x3  }
0x15: {  	[tilespmem:s3], [sflag:$0x3] =	stream.linear.gather [hbm4b:s0+s3], $0x1000, $0x38;
	[tilespmem:$0x17000] =	vst v63  }
0x16: {  	_ =	swait.ge [sflag:s1], $0x1000  }
0x17: {  	[sflag:s1] =	ssyncset.done $0x0  }
0x18: {  	[sflag:s1] =	ssyncadd.s32 $0xFFFFF000  }
0x19: {  	v3 =	vld [tilespmem:$0x0];
	_ =	sdelay $0x4  }
0x1a: {  	v4 =	vshll.u32 v3, $0x2  }
0x1b: {  	v3 =	vand.u32 $0x7, v3;
	v4 =	vand.u32 $0xFFFFFFE0, v4  }
0x1c: {  	v3 =	vor.u32 v3, v4  }
0x1d: {  	v4 =	vperm.xlane v3, v0;
	_ =	sdelay $0x1  }
0x1e: {  	v4 =	vadd.s32 v1, v4;
	_ =	sdelay $0x1  }
0x1f: {  	v3 =	vperm.xlane v3, v2;
	_ =	sdelay $0x1  }
0x20: {  	s2 =	simm.s32 $0x1000;
	v3 =	vadd.s32 v1, v3  }
0x21: {  	[tilespmem:s2], [sflag:$0x1] =	stream.indirect_vreg.gather [hbm4b:s4+s3], $0x80, v4, vm0, $0xb8;
	[tilespmem:$0x17000] =	vst v63  }
0x22: {  	s22 =	simm.s32 $0x1800  }
0x23: {  	[tilespmem:s22], [sflag:$0x1] =	stream.indirect_vreg.gather [hbm4b:s9+s3], $0x80, v4, vm0, $0xb8;
	[tilespmem:$0x17000] =	vst v63  }
0x24: {  	s23 =	simm.s32 $0x2000  }
0x25: {  	[tilespmem:s23], [sflag:$0x1] =	stream.indirect_vreg.gather [hbm4b:s4+s3], $0x80, v3, vm0, $0xb8;
	[tilespmem:$0x17000] =	vst v63  }
0x26: {  	s24 =	simm.s32 $0x2800  }
0x27: {  	[tilespmem:s24], [sflag:$0x1] =	stream.indirect_vreg.gather [hbm4b:s9+s3], $0x80, v3, vm0, $0xb8;
	[tilespmem:$0x17000] =	vst v63  }
0x28: {  	v3 =	vld [tilespmem:$0x10];
	_ =	sdelay $0x4  }
0x29: {  	v57 =	vshll.u32 v3, $0x2  }
0x2a: {  	v3 =	vand.u32 $0x7, v3;
	v4 =	vand.u32 $0xFFFFFFE0, v57  }
0x2b: {  	v3 =	vor.u32 v3, v4  }
0x2c: {  	v4 =	vperm.xlane v3, v0;
	_ =	sdelay $0x1  }
0x2d: {  	v4 =	vadd.s32 v1, v4;
	_ =	sdelay $0x1  }
0x2e: {  	v3 =	vperm.xlane v3, v2;
	_ =	sdelay $0x1  }
0x2f: {  	s25 =	simm.s32 $0x3000;
	v3 =	vadd.s32 v1, v3  }
0x30: {  	[tilespmem:s25], [sflag:$0x1] =	stream.indirect_vreg.gather [hbm4b:s4+s3], $0x80, v4, vm0, $0xb8;
	[tilespmem:$0x17000] =	vst v63  }
0x31: {  	s26 =	simm.s32 $0x3800  }
0x32: {  	[tilespmem:s26], [sflag:$0x1] =	stream.indirect_vreg.gather [hbm4b:s9+s3], $0x80, v4, vm0, $0xb8;
	[tilespmem:$0x17000] =	vst v63  }
0x33: {  	s28 =	simm.s32 $0x4000  }
0x34: {  	[tilespmem:s28], [sflag:$0x1] =	stream.indirect_vreg.gather [hbm4b:s4+s3], $0x80, v3, vm0, $0xb8;
	[tilespmem:$0x17000] =	vst v63  }
0x35: {  	s29 =	simm.s32 $0x4800  }
0x36: {  	[tilespmem:s29], [sflag:$0x1] =	stream.indirect_vreg.gather [hbm4b:s9+s3], $0x80, v3, vm0, $0xb8;
	[tilespmem:$0x17000] =	vst v63  }
0x37: {  	v3 =	vld [tilespmem:$0x20];
	_ =	sdelay $0x4  }
0x38: {  	v58 =	vshll.u32 v3, $0x2  }
0x39: {  	v3 =	vand.u32 $0x7, v3;
	v4 =	vand.u32 $0xFFFFFFE0, v58  }
0x3a: {  	v3 =	vor.u32 v3, v4  }
0x3b: {  	v4 =	vperm.xlane v3, v0;
	_ =	sdelay $0x1  }
0x3c: {  	v4 =	vadd.s32 v1, v4;
	_ =	sdelay $0x1  }
0x3d: {  	v3 =	vperm.xlane v3, v2;
	_ =	sdelay $0x1  }
0x3e: {  	s30 =	simm.s32 $0x5000;
	v3 =	vadd.s32 v1, v3  }
0x3f: {  	[tilespmem:s30], [sflag:$0x1] =	stream.indirect_vreg.gather [hbm4b:s4+s3], $0x80, v4, vm0, $0xb8;
	[tilespmem:$0x17000] =	vst v63  }
0x40: {  	s31 =	simm.s32 $0x5800  }
0x41: {  	[tilespmem:s31], [sflag:$0x1] =	stream.indirect_vreg.gather [hbm4b:s9+s3], $0x80, v4, vm0, $0xb8;
	[tilespmem:$0x17000] =	vst v63  }
0x42: {  	s1 =	simm.s32 $0x6000  }
0x43: {  	[tilespmem:s1], [sflag:$0x1] =	stream.indirect_vreg.gather [hbm4b:s4+s3], $0x80, v3, vm0, $0xb8;
	[tilespmem:$0x17000] =	vst v63  }
0x44: {  	s2 =	simm.s32 $0x6800  }
0x45: {  	[tilespmem:s2], [sflag:$0x1] =	stream.indirect_vreg.gather [hbm4b:s9+s3], $0x80, v3, vm0, $0xb8;
	[tilespmem:$0x17000] =	vst v63  }
0x46: {  	v3 =	vld [tilespmem:$0x30];
	_ =	sdelay $0x4  }
0x47: {  	v59 =	vshll.u32 v3, $0x2  }
0x48: {  	v3 =	vand.u32 $0x7, v3;
	v4 =	vand.u32 $0xFFFFFFE0, v59  }
0x49: {  	v3 =	vor.u32 v3, v4  }
0x4a: {  	v4 =	vperm.xlane v3, v0;
	_ =	sdelay $0x1  }
0x4b: {  	v4 =	vadd.s32 v1, v4;
	_ =	sdelay $0x1  }
0x4c: {  	v3 =	vperm.xlane v3, v2;
	_ =	sdelay $0x1  }
0x4d: {  	s22 =	simm.s32 $0x7000;
	v3 =	vadd.s32 v1, v3  }
0x4e: {  	[tilespmem:s22], [sflag:$0x1] =	stream.indirect_vreg.gather [hbm4b:s4+s3], $0x80, v4, vm0, $0xb8;
	[tilespmem:$0x17000] =	vst v63  }
0x4f: {  	s23 =	simm.s32 $0x7800  }
0x50: {  	[tilespmem:s23], [sflag:$0x1] =	stream.indirect_vreg.gather [hbm4b:s9+s3], $0x80, v4, vm0, $0xb8;
	[tilespmem:$0x17000] =	vst v63  }
0x51: {  	s24 =	simm.s32 $0x8000  }
0x52: {  	[tilespmem:s24], [sflag:$0x1] =	stream.indirect_vreg.gather [hbm4b:s4+s3], $0x80, v3, vm0, $0xb8;
	[tilespmem:$0x17000] =	vst v63  }
0x53: {  	s25 =	simm.s32 $0x8800  }
0x54: {  	[tilespmem:s25], [sflag:$0x1] =	stream.indirect_vreg.gather [hbm4b:s9+s3], $0x80, v3, vm0, $0xb8;
	[tilespmem:$0x17000] =	vst v63  }
0x55: {  	v3 =	vld [tilespmem:$0x80];
	_ =	sdelay $0x4  }
0x56: {  	v60 =	vshll.u32 v3, $0x2  }
0x57: {  	v3 =	vand.u32 $0x7, v3;
	v4 =	vand.u32 $0xFFFFFFE0, v60  }
0x58: {  	v3 =	vor.u32 v3, v4  }
0x59: {  	v4 =	vperm.xlane v3, v0;
	_ =	sdelay $0x1  }
0x5a: {  	v4 =	vadd.s32 v1, v4;
	_ =	sdelay $0x1  }
0x5b: {  	v3 =	vperm.xlane v3, v2;
	_ =	sdelay $0x1  }
0x5c: {  	s26 =	simm.s32 $0x9000;
	v3 =	vadd.s32 v1, v3  }
0x5d: {  	[tilespmem:s26], [sflag:$0x2] =	stream.indirect_vreg.gather [hbm4b:s4+s3], $0x80, v4, vm0, $0xb8;
	[tilespmem:$0x17000] =	vst v63  }
0x5e: {  	s28 =	simm.s32 $0x9800  }
0x5f: {  	[tilespmem:s28], [sflag:$0x2] =	stream.indirect_vreg.gather [hbm4b:s9+s3], $0x80, v4, vm0, $0xb8;
	[tilespmem:$0x17000] =	vst v63  }
0x60: {  	s29 =	simm.s32 $0xA000  }
0x61: {  	[tilespmem:s29], [sflag:$0x2] =	stream.indirect_vreg.gather [hbm4b:s4+s3], $0x80, v3, vm0, $0xb8;
	[tilespmem:$0x17000] =	vst v63  }
0x62: {  	s30 =	simm.s32 $0xA800  }
0x63: {  	[tilespmem:s30], [sflag:$0x2] =	stream.indirect_vreg.gather [hbm4b:s9+s3], $0x80, v3, vm0, $0xb8;
	[tilespmem:$0x17000] =	vst v63  }
0x64: {  	v3 =	vld [tilespmem:$0x90];
	_ =	sdelay $0x4  }
0x65: {  	v61 =	vshll.u32 v3, $0x2  }
0x66: {  	v3 =	vand.u32 $0x7, v3;
	v4 =	vand.u32 $0xFFFFFFE0, v61  }
0x67: {  	v3 =	vor.u32 v3, v4  }
0x68: {  	v4 =	vperm.xlane v3, v0;
	_ =	sdelay $0x1  }
0x69: {  	v4 =	vadd.s32 v1, v4;
	_ =	sdelay $0x1  }
0x6a: {  	v3 =	vperm.xlane v3, v2;
	_ =	sdelay $0x1  }
0x6b: {  	s31 =	simm.s32 $0xB000;
	v3 =	vadd.s32 v1, v3  }
0x6c: {  	[tilespmem:s31], [sflag:$0x2] =	stream.indirect_vreg.gather [hbm4b:s4+s3], $0x80, v4, vm0, $0xb8;
	[tilespmem:$0x17000] =	vst v63  }
0x6d: {  	_ = 	snop  }
0x6e: {  	[tilespmem:s8], [sflag:$0x2] =	stream.indirect_vreg.gather [hbm4b:s9+s3], $0x80, v4, vm0, $0xb8;
	[tilespmem:$0x17000] =	vst v63  }
0x6f: {  	_ = 	snop  }
0x70: {  	[tilespmem:s10], [sflag:$0x2] =	stream.indirect_vreg.gather [hbm4b:s4+s3], $0x80, v3, vm0, $0xb8;
	[tilespmem:$0x17000] =	vst v63  }
0x71: {  	_ = 	snop  }
0x72: {  	[tilespmem:s11], [sflag:$0x2] =	stream.indirect_vreg.gather [hbm4b:s9+s3], $0x80, v3, vm0, $0xb8;
	[tilespmem:$0x17000] =	vst v63  }
0x73: {  	v3 =	vld [tilespmem:$0xA0];
	_ =	sdelay $0x4  }
0x74: {  	v62 =	vshll.u32 v3, $0x2  }
0x75: {  	v3 =	vand.u32 $0x7, v3;
	v4 =	vand.u32 $0xFFFFFFE0, v62  }
0x76: {  	v3 =	vor.u32 v3, v4  }
0x77: {  	v4 =	vperm.xlane v3, v0;
	_ =	sdelay $0x1  }
0x78: {  	v4 =	vadd.s32 v1, v4;
	_ =	sdelay $0x1  }
0x79: {  	v3 =	vperm.xlane v3, v2;
	_ =	sdelay $0x1  }
0x7a: {  	v3 =	vadd.s32 v1, v3  }
0x7b: {  	[tilespmem:s12], [sflag:$0x2] =	stream.indirect_vreg.gather [hbm4b:s4+s3], $0x80, v4, vm0, $0xb8;
	[tilespmem:$0x17000] =	vst v63  }
0x7c: {  	_ = 	snop  }
0x7d: {  	[tilespmem:s13], [sflag:$0x2] =	stream.indirect_vreg.gather [hbm4b:s9+s3], $0x80, v4, vm0, $0xb8;
	[tilespmem:$0x17000] =	vst v63  }
0x7e: {  	_ = 	snop  }
0x7f: {  	[tilespmem:s14], [sflag:$0x2] =	stream.indirect_vreg.gather [hbm4b:s4+s3], $0x80, v3, vm0, $0xb8;
	[tilespmem:$0x17000] =	vst v63  }
0x80: {  	_ = 	snop  }
0x81: {  	[tilespmem:s15], [sflag:$0x2] =	stream.indirect_vreg.gather [hbm4b:s9+s3], $0x80, v3, vm0, $0xb8;
	[tilespmem:$0x17000] =	vst v63  }
0x82: {  	v3 =	vld [tilespmem:$0xB0];
	_ =	sdelay $0x4  }
0x83: {  	v63 =	vshll.u32 v3, $0x2  }
0x84: {  	v3 =	vand.u32 $0x7, v3;
	v4 =	vand.u32 $0xFFFFFFE0, v63  }
0x85: {  	v3 =	vor.u32 v3, v4  }
0x86: {  	v4 =	vperm.xlane v3, v0;
	_ =	sdelay $0x1  }
0x87: {  	v4 =	vadd.s32 v1, v4;
	_ =	sdelay $0x1  }
0x88: {  	v3 =	vperm.xlane v3, v2;
	_ =	sdelay $0x1  }
0x89: {  	v3 =	vadd.s32 v1, v3  }
0x8a: {  	[tilespmem:s16], [sflag:$0x2] =	stream.indirect_vreg.gather [hbm4b:s4+s3], $0x80, v4, vm0, $0xb8;
	[tilespmem:$0x17000] =	vst v63  }
0x8b: {  	_ = 	snop  }
0x8c: {  	[tilespmem:s17], [sflag:$0x2] =	stream.indirect_vreg.gather [hbm4b:s9+s3], $0x80, v4, vm0, $0xb8;
	[tilespmem:$0x17000] =	vst v63  }
0x8d: {  	_ = 	snop  }
0x8e: {  	[tilespmem:s18], [sflag:$0x2] =	stream.indirect_vreg.gather [hbm4b:s4+s3], $0x80, v3, vm0, $0xb8;
	[tilespmem:$0x17000] =	vst v63  }
0x8f: {  	s22 =	simm.s32 $0x0  }
0x90: {  	[tilespmem:s19], [sflag:$0x2] =	stream.indirect_vreg.gather [hbm4b:s9+s3], $0x80, v3, vm0, $0xb8;
	[tilespmem:$0x17000] =	vst v63  }
.LBB2_2:
0x91: {  	_ =	swait.ge [sflag:s20], $0x8000;
	s25 =	simm.s32 $0x0  }
0x92: {  	[sflag:s20] =	ssyncset.done $0x0;
	s28 =	sand.u32 $0x70, s25;
	s26 =	sand.u32 $0xC00, s25  }
0x93: {  	[sflag:s20] =	ssyncadd.s32 $0xFFFF8000;
	s2 =	sor.u32 s28, s26  }
0x94: {  	v3 =	vld [tilespmem:s2+$0x1080]  }
0x95: {  	v4 =	vld [tilespmem:s2+$0x1000];
	_ =	sdelay $0x1  }
0x96: {  	v5 =	vld [tilespmem:s2+$0x1100];
	_ =	sdelay $0x1  }
0x97: {  	v6 =	vld [tilespmem:s2+$0x1180]  }
0x98: {  	v7 =	vmul.f32 v4, v4;
	v8 =	vadd.f32 v3, v4;
	v9 =	vmul.f32 v3, v3  }
0x99: {  	v10 =	vld [tilespmem:s2+$0x1200]  }
0x9a: {  	v11 =	vmul.f32 v5, v5;
	v7 =	vadd.f32 v9, v7;
	v8 =	vadd.f32 v5, v8  }
0x9b: {  	v3 =	vmax.f32 v4, v3;
	v9 =	vld [tilespmem:s2+$0x1280]  }
0x9c: {  	v4 =	vadd.f32 v11, v7;
	v7 =	vadd.f32 v6, v8;
	v8 =	vmul.f32 v6, v6  }
0x9d: {  	s23 =	sor.u32 s25, s25;
	v3 =	vmax.f32 v3, v5;
	v11 =	vld [tilespmem:s2+$0x1300]  }
0x9e: {  	s23 =	sor.u32 $0x380, s23;
	v4 =	vadd.f32 v8, v4;
	v5 =	vadd.f32 v10, v7;
	v7 =	vmul.f32 v10, v10  }
0x9f: {  	v3 =	vmax.f32 v3, v6;
	v6 =	vld [tilespmem:s23+$0x1000]  }
0xa0: {  	v8 =	vmul.f32 v9, v9;
	v4 =	vadd.f32 v7, v4  }
0xa1: {  	v5 =	vadd.f32 v9, v5;
	v7 =	vld [tilespmem:s2+$0x2000]  }
0xa2: {  	v4 =	vadd.f32 v8, v4;
	v8 =	vmul.f32 v11, v11  }
0xa3: {  	v3 =	vmax.f32 v3, v10;
	v10 =	vld [tilespmem:s2+$0x2080];
	v5 =	vadd.f32 v11, v5  }
0xa4: {  	v4 =	vadd.f32 v8, v4;
	v8 =	vmul.f32 v6, v6  }
0xa5: {  	v3 =	vmax.f32 v3, v9;
	v9 =	vld [tilespmem:s2+$0x2100];
	v5 =	vadd.f32 v6, v5  }
0xa6: {  	v3 =	vmax.f32 v3, v11;
	v4 =	vadd.f32 v8, v4;
	v8 =	vmul.f32 v7, v7  }
0xa7: {  	v3 =	vmax.f32 v3, v6;
	v6 =	vld [tilespmem:s2+$0x2180];
	v5 =	vadd.f32 v7, v5  }
0xa8: {  	v4 =	vadd.f32 v8, v4;
	v8 =	vmul.f32 v10, v10  }
0xa9: {  	v3 =	vmax.f32 v3, v7;
	v7 =	vld [tilespmem:s2+$0x2200];
	v5 =	vadd.f32 v10, v5  }
0xaa: {  	v11 =	vmul.f32 v9, v9;
	v4 =	vadd.f32 v8, v4  }
0xab: {  	v5 =	vadd.f32 v9, v5;
	v8 =	vld [tilespmem:s2+$0x2280]  }
0xac: {  	v3 =	vmax.f32 v3, v10;
	v10 =	vmul.f32 v6, v6;
	v4 =	vadd.f32 v11, v4  }
0xad: {  	v3 =	vmax.f32 v3, v9;
	v9 =	vld [tilespmem:s2+$0x2300];
	v5 =	vadd.f32 v6, v5  }
0xae: {  	v4 =	vadd.f32 v10, v4;
	v10 =	vmul.f32 v7, v7  }
0xaf: {  	v11 =	vld [tilespmem:s2+$0x2380];
	v5 =	vadd.f32 v7, v5  }
0xb0: {  	v3 =	vmax.f32 v3, v6;
	v6 =	vmul.f32 v8, v8;
	v4 =	vadd.f32 v10, v4  }
0xb1: {  	s29 =	sshll.u32 s22, $0x1;
	v5 =	vadd.f32 v8, v5  }
0xb2: {  	s23 =	sand.u32 $0x2, s29;
	v3 =	vmax.f32 v3, v7;
	v4 =	vadd.f32 v6, v4;
	v6 =	vmul.f32 v9, v9  }
0xb3: {  	s24 =	sshll.u32 s23, $0xB;
	v3 =	vmax.f32 v3, v8;
	v5 =	vadd.f32 v9, v5  }
0xb4: {  	s26 =	sor.u32 s24, s26;
	v3 =	vmax.f32 v3, v9;
	v4 =	vadd.f32 v6, v4;
	v6 =	vmul.f32 v11, v11  }
0xb5: {  	s28 =	sor.u32 s28, s26;
	v3 =	vmax.f32 v3, v11;
	v5 =	vadd.f32 v11, v5  }
0xb6: {  	[tilespmem:s28+$0x11000] =	vst v3;
	v4 =	vadd.f32 v6, v4  }
0xb7: {  	[tilespmem:s28+$0x13000] =	vst v5  }
0xb8: {  	[tilespmem:s28+$0x15000] =	vst v4  }
0xb9: {  	v3 =	vld [tilespmem:s2+$0x3000]  }
0xba: {  	v4 =	vld [tilespmem:s2+$0x3080];
	_ =	sdelay $0x1  }
0xbb: {  	v5 =	vld [tilespmem:s2+$0x3100];
	_ =	sdelay $0x1  }
0xbc: {  	v6 =	vld [tilespmem:s2+$0x3180]  }
0xbd: {  	v7 =	vmul.f32 v3, v3;
	v8 =	vmul.f32 v4, v4  }
0xbe: {  	v10 =	vld [tilespmem:s2+$0x3200];
	v9 =	vadd.f32 v4, v3  }
0xbf: {  	v7 =	vadd.f32 v8, v7;
	v8 =	vmul.f32 v5, v5  }
0xc0: {  	v11 =	vld [tilespmem:s2+$0x3280];
	v9 =	vadd.f32 v5, v9  }
0xc1: {  	v7 =	vadd.f32 v8, v7;
	v8 =	vmul.f32 v6, v6  }
0xc2: {  	v12 =	vld [tilespmem:s2+$0x3300];
	v9 =	vadd.f32 v6, v9  }
0xc3: {  	v7 =	vadd.f32 v8, v7;
	v8 =	vmul.f32 v10, v10  }
0xc4: {  	v13 =	vld [tilespmem:s2+$0x3380];
	v9 =	vadd.f32 v10, v9  }
0xc5: {  	v7 =	vadd.f32 v8, v7;
	v8 =	vmul.f32 v11, v11  }
0xc6: {  	v14 =	vld [tilespmem:s2+$0x4000];
	v9 =	vadd.f32 v11, v9  }
0xc7: {  	v7 =	vadd.f32 v8, v7;
	v8 =	vmul.f32 v12, v12  }
0xc8: {  	v15 =	vld [tilespmem:s2+$0x4080];
	v9 =	vadd.f32 v12, v9  }
0xc9: {  	v7 =	vadd.f32 v8, v7;
	v8 =	vmul.f32 v13, v13  }
0xca: {  	v16 =	vld [tilespmem:s2+$0x4100];
	v9 =	vadd.f32 v13, v9  }
0xcb: {  	v7 =	vadd.f32 v8, v7;
	v8 =	vmul.f32 v14, v14  }
0xcc: {  	v3 =	vmax.f32 v3, v4;
	v4 =	vld [tilespmem:s2+$0x4180];
	v9 =	vadd.f32 v14, v9  }
0xcd: {  	v3 =	vmax.f32 v3, v5;
	v5 =	vadd.f32 v8, v7;
	v7 =	vmul.f32 v15, v15  }
0xce: {  	v3 =	vmax.f32 v3, v6;
	v6 =	vld [tilespmem:s2+$0x4200];
	v8 =	vadd.f32 v15, v9  }
0xcf: {  	v3 =	vmax.f32 v3, v10;
	v5 =	vadd.f32 v7, v5;
	v7 =	vmul.f32 v16, v16  }
0xd0: {  	v3 =	vmax.f32 v3, v11;
	v9 =	vld [tilespmem:s2+$0x4280];
	v8 =	vadd.f32 v16, v8  }
0xd1: {  	v3 =	vmax.f32 v3, v12;
	v5 =	vadd.f32 v7, v5;
	v7 =	vmul.f32 v4, v4  }
0xd2: {  	v3 =	vmax.f32 v3, v13;
	v10 =	vld [tilespmem:s2+$0x4300];
	v8 =	vadd.f32 v4, v8  }
0xd3: {  	v3 =	vmax.f32 v3, v14;
	v5 =	vadd.f32 v7, v5;
	v7 =	vmul.f32 v6, v6  }
0xd4: {  	v3 =	vmax.f32 v3, v15;
	v11 =	vld [tilespmem:s2+$0x4380];
	v8 =	vadd.f32 v6, v8  }
0xd5: {  	v3 =	vmax.f32 v3, v16;
	v5 =	vadd.f32 v7, v5;
	v7 =	vmul.f32 v9, v9  }
0xd6: {  	v3 =	vmax.f32 v3, v4;
	v4 =	vadd.f32 v9, v8  }
0xd7: {  	v3 =	vmax.f32 v3, v6;
	v6 =	vmul.f32 v10, v10;
	v5 =	vadd.f32 v7, v5  }
0xd8: {  	v3 =	vmax.f32 v3, v9;
	v4 =	vadd.f32 v10, v4  }
0xd9: {  	v3 =	vmax.f32 v3, v10;
	v5 =	vadd.f32 v6, v5;
	v6 =	vmul.f32 v11, v11  }
0xda: {  	v3 =	vmax.f32 v3, v11;
	v4 =	vadd.f32 v11, v4  }
0xdb: {  	[tilespmem:s28+$0x11080] =	vst v3;
	v3 =	vadd.f32 v6, v5  }
0xdc: {  	[tilespmem:s28+$0x13080] =	vst v4  }
0xdd: {  	[tilespmem:s28+$0x15080] =	vst v3  }
0xde: {  	v3 =	vld [tilespmem:s2+$0x5000]  }
0xdf: {  	v4 =	vld [tilespmem:s2+$0x5080];
	_ =	sdelay $0x1  }
0xe0: {  	v5 =	vld [tilespmem:s2+$0x5100];
	_ =	sdelay $0x1  }
0xe1: {  	v6 =	vld [tilespmem:s2+$0x5180]  }
0xe2: {  	v7 =	vmul.f32 v3, v3;
	v8 =	vmul.f32 v4, v4  }
0xe3: {  	v9 =	vld [tilespmem:s2+$0x5200];
	v10 =	vadd.f32 v4, v3  }
0xe4: {  	v7 =	vadd.f32 v8, v7;
	v8 =	vmul.f32 v5, v5  }
0xe5: {  	v11 =	vld [tilespmem:s2+$0x5280];
	v10 =	vadd.f32 v5, v10  }
0xe6: {  	v7 =	vadd.f32 v8, v7;
	v8 =	vmul.f32 v6, v6  }
0xe7: {  	v53 =	vld [tilespmem:s2+$0x5300];
	v10 =	vadd.f32 v6, v10  }
0xe8: {  	v7 =	vadd.f32 v8, v7;
	v8 =	vmul.f32 v9, v9  }
0xe9: {  	v54 =	vld [tilespmem:s2+$0x5380];
	v10 =	vadd.f32 v9, v10  }
0xea: {  	v7 =	vadd.f32 v8, v7;
	v8 =	vmul.f32 v11, v11  }
0xeb: {  	v55 =	vld [tilespmem:s2+$0x6000];
	v10 =	vadd.f32 v11, v10  }
0xec: {  	v7 =	vadd.f32 v8, v7;
	v8 =	vmul.f32 v53, v53  }
0xed: {  	v56 =	vld [tilespmem:s2+$0x6080];
	v10 =	vadd.f32 v53, v10  }
0xee: {  	v7 =	vadd.f32 v8, v7;
	v8 =	vmul.f32 v54, v54  }
0xef: {  	v57 =	vld [tilespmem:s2+$0x6100];
	v10 =	vadd.f32 v54, v10  }
0xf0: {  	v7 =	vadd.f32 v8, v7;
	v8 =	vmul.f32 v55, v55  }
0xf1: {  	v3 =	vmax.f32 v3, v4;
	v4 =	vld [tilespmem:s2+$0x6180];
	v10 =	vadd.f32 v55, v10  }
0xf2: {  	v3 =	vmax.f32 v3, v5;
	v5 =	vadd.f32 v8, v7;
	v7 =	vmul.f32 v56, v56  }
0xf3: {  	v3 =	vmax.f32 v3, v6;
	v6 =	vld [tilespmem:s2+$0x6200];
	v8 =	vadd.f32 v56, v10  }
0xf4: {  	v3 =	vmax.f32 v3, v9;
	v9 =	vmul.f32 v57, v57;
	v5 =	vadd.f32 v7, v5  }
0xf5: {  	v3 =	vmax.f32 v3, v11;
	v7 =	vld [tilespmem:s2+$0x6280];
	v8 =	vadd.f32 v57, v8  }
0xf6: {  	v3 =	vmax.f32 v3, v53;
	v10 =	vmul.f32 v4, v4;
	v5 =	vadd.f32 v9, v5  }
0xf7: {  	v3 =	vmax.f32 v3, v54;
	v9 =	vld [tilespmem:s2+$0x6300];
	v8 =	vadd.f32 v4, v8  }
0xf8: {  	v3 =	vmax.f32 v3, v55;
	v11 =	vmul.f32 v6, v6;
	v5 =	vadd.f32 v10, v5  }
0xf9: {  	v3 =	vmax.f32 v3, v56;
	v10 =	vld [tilespmem:s2+$0x6380];
	v8 =	vadd.f32 v6, v8  }
0xfa: {  	v3 =	vmax.f32 v3, v57;
	v5 =	vadd.f32 v11, v5;
	v11 =	vmul.f32 v7, v7  }
0xfb: {  	v3 =	vmax.f32 v3, v4;
	v4 =	vadd.f32 v7, v8  }
0xfc: {  	v3 =	vmax.f32 v3, v6;
	v6 =	vmul.f32 v9, v9;
	v5 =	vadd.f32 v11, v5  }
0xfd: {  	v3 =	vmax.f32 v3, v7;
	v4 =	vadd.f32 v9, v4  }
0xfe: {  	v3 =	vmax.f32 v3, v9;
	v5 =	vadd.f32 v6, v5;
	v6 =	vmul.f32 v10, v10  }
0xff: {  	v3 =	vmax.f32 v3, v10;
	v4 =	vadd.f32 v10, v4  }
0x100: {  	[tilespmem:s28+$0x11100] =	vst v3;
	v3 =	vadd.f32 v6, v5  }
0x101: {  	[tilespmem:s28+$0x13100] =	vst v4  }
0x102: {  	[tilespmem:s28+$0x15100] =	vst v3  }
0x103: {  	v3 =	vld [tilespmem:s2+$0x7000]  }
0x104: {  	v4 =	vld [tilespmem:s2+$0x7080];
	_ =	sdelay $0x1  }
0x105: {  	v5 =	vld [tilespmem:s2+$0x7100];
	_ =	sdelay $0x1  }
0x106: {  	v6 =	vld [tilespmem:s2+$0x7180]  }
0x107: {  	v7 =	vmul.f32 v3, v3;
	v8 =	vmul.f32 v4, v4  }
0x108: {  	v9 =	vld [tilespmem:s2+$0x7200];
	v10 =	vadd.f32 v4, v3  }
0x109: {  	v7 =	vadd.f32 v8, v7;
	v8 =	vmul.f32 v5, v5  }
0x10a: {  	v11 =	vld [tilespmem:s2+$0x7280];
	v10 =	vadd.f32 v5, v10  }
0x10b: {  	v7 =	vadd.f32 v8, v7;
	v8 =	vmul.f32 v6, v6  }
0x10c: {  	v58 =	vld [tilespmem:s2+$0x7300];
	v10 =	vadd.f32 v6, v10  }
0x10d: {  	v7 =	vadd.f32 v8, v7;
	v8 =	vmul.f32 v9, v9  }
0x10e: {  	v59 =	vld [tilespmem:s2+$0x7380];
	v10 =	vadd.f32 v9, v10  }
0x10f: {  	v3 =	vmax.f32 v3, v4;
	v4 =	vadd.f32 v8, v7;
	v7 =	vmul.f32 v11, v11  }
0x110: {  	v3 =	vmax.f32 v3, v5;
	v8 =	vld [tilespmem:s2+$0x8000];
	v5 =	vadd.f32 v11, v10  }
0x111: {  	v3 =	vmax.f32 v3, v6;
	v6 =	vmul.f32 v58, v58;
	v4 =	vadd.f32 v7, v4  }
0x112: {  	v3 =	vmax.f32 v3, v9;
	v7 =	vld [tilespmem:s2+$0x8080];
	v5 =	vadd.f32 v58, v5  }
0x113: {  	v3 =	vmax.f32 v3, v11;
	v9 =	vld [tilespmem:s2+$0x8100];
	v4 =	vadd.f32 v6, v4;
	v6 =	vmul.f32 v59, v59  }
0x114: {  	v3 =	vmax.f32 v3, v58;
	v10 =	vld [tilespmem:s2+$0x8180];
	v11 =	vadd.f32 v59, v5  }
0x115: {  	v60 =	vld [tilespmem:s2+$0x8200];
	v3 =	vmax.f32 v3, v59;
	v61 =	vmul.f32 v8, v8;
	v6 =	vadd.f32 v6, v4  }
0x116: {  	v5 =	vld [tilespmem:s2+$0x8280];
	v3 =	vmax.f32 v3, v8;
	v8 =	vadd.f32 v8, v11  }
0x117: {  	v4 =	vld [tilespmem:s2+$0x8300];
	v11 =	vmax.f32 v3, v7;
	v6 =	vadd.f32 v61, v6  }
0x118: {  	v3 =	vld [tilespmem:s2+$0x8380];
	v8 =	vadd.f32 v7, v8;
	v7 =	vmul.f32 v7, v7;
	v11 =	vmax.f32 v11, v9  }
0x119: {  	v62 =	vmul.f32 v9, v9;
	v11 =	vmax.f32 v11, v10  }
0x11a: {  	v6 =	vadd.f32 v7, v6;
	v7 =	vadd.f32 v9, v8;
	v8 =	vmax.f32 v11, v60  }
0x11b: {  	v9 =	vmul.f32 v10, v10;
	v8 =	vmax.f32 v8, v5  }
0x11c: {  	s30 =	sor.u32 s26, s25;
	v11 =	vadd.f32 v62, v6;
	v10 =	vadd.f32 v10, v7;
	v7 =	vmax.f32 v8, v4  }
0x11d: {  	s31 =	sor.u32 $0x180, s30;
	v6 =	vmul.f32 v5, v5;
	v63 =	vmax.f32 v7, v3  }
0x11e: {  	s2 =	simm.s32 $0x10;
	v7 =	vmul.f32 v60, v60;
	v8 =	vadd.f32 v9, v11;
	v9 =	vadd.f32 v60, v10;
	[tilespmem:s31+$0x11000] =	vst v63  }
.LBB2_3:
0x11f: {  	p0 =	sne.s32 s2, $0x1F0  }
0x120: {  	v7 =	vadd.f32 v7, v8;
	v5 =	vadd.f32 v5, v9;
	s25 =	sadd.s32 $0x80, s25;
	s0 =	smov.u32 s2;
	s2 =	sadd.s32 $0x10, s2  }
0x121: {  	_ = 	snop  }
0x122: {  	v6 =	vadd.f32 v6, v7;
	v5 =	vadd.f32 v4, v5;
	v4 =	vmul.f32 v4, v4;
	_ =	sdelay $0x1  }
0x123: {  	s29 =	sand.u32 $0x70, s0;
	s26 =	sand.u32 $0xC00, s25;
	v4 =	vadd.f32 v4, v6;
	v5 =	vadd.f32 v3, v5;
	v3 =	vmul.f32 v3, v3  }
0x124: {  	s28 =	sor.u32 s29, s26;
	s30 =	sor.u32 s24, s26  }
0x125: {  	s26 =	sor.u32 s30, s0;
	v3 =	vadd.f32 v3, v4;
	[tilespmem:s31+$0x13000] =	vst v5;
	_ =	sdelay $0x1  }
0x126: {  	[tilespmem:s31+$0x15000] =	vst v3  }
0x127: {  	v3 =	vld [tilespmem:s28+$0x1080]  }
0x128: {  	v4 =	vld [tilespmem:s28+$0x1000]  }
0x129: {  	v5 =	vld [tilespmem:s28+$0x1100]  }
0x12a: {  	v6 =	vld [tilespmem:s28+$0x1200]  }
0x12b: {  	v7 =	vld [tilespmem:s28+$0x1180]  }
0x12c: {  	v8 =	vld [tilespmem:s28+$0x1280]  }
0x12d: {  	v11 =	vmul.f32 v3, v3;
	v9 =	vmul.f32 v4, v4;
	v10 =	vadd.f32 v3, v4  }
0x12e: {  	s0 =	sor.u32 s25, s0;
	v3 =	vmax.f32 v4, v3;
	v4 =	vmul.f32 v5, v5;
	v12 =	vld [tilespmem:s28+$0x1300]  }
0x12f: {  	s0 =	sor.u32 $0x380, s0;
	v3 =	vmax.f32 v3, v5;
	v9 =	vadd.f32 v11, v9;
	v5 =	vadd.f32 v5, v10  }
0x130: {  	v3 =	vmax.f32 v3, v7;
	v10 =	vld [tilespmem:s0+$0x1000]  }
0x131: {  	v4 =	vadd.f32 v4, v9;
	v5 =	vadd.f32 v7, v5;
	v7 =	vmul.f32 v7, v7;
	v9 =	vld [tilespmem:s28+$0x2000]  }
0x132: {  	v3 =	vmax.f32 v3, v6;
	v11 =	vld [tilespmem:s28+$0x2080]  }
0x133: {  	v4 =	vadd.f32 v7, v4;
	v5 =	vadd.f32 v6, v5;
	v6 =	vmul.f32 v6, v6  }
0x134: {  	v3 =	vmax.f32 v3, v8;
	v7 =	vmul.f32 v8, v8  }
0x135: {  	v3 =	vmax.f32 v3, v12;
	v4 =	vadd.f32 v6, v4;
	v5 =	vadd.f32 v8, v5  }
0x136: {  	v3 =	vmax.f32 v3, v10  }
0x137: {  	v6 =	vmul.f32 v12, v12;
	v4 =	vadd.f32 v7, v4;
	v5 =	vadd.f32 v12, v5;
	v7 =	vld [tilespmem:s28+$0x2100]  }
0x138: {  	v3 =	vmax.f32 v3, v9  }
0x139: {  	v4 =	vadd.f32 v6, v4;
	v5 =	vadd.f32 v10, v5;
	v6 =	vmul.f32 v10, v10;
	v8 =	vld [tilespmem:s28+$0x2180]  }
0x13a: {  	v3 =	vmax.f32 v3, v11;
	v10 =	vld [tilespmem:s28+$0x2200]  }
0x13b: {  	v4 =	vadd.f32 v6, v4;
	v5 =	vadd.f32 v9, v5;
	v6 =	vmul.f32 v9, v9;
	v9 =	vld [tilespmem:s28+$0x2280]  }
0x13c: {  	v3 =	vmax.f32 v3, v7;
	v12 =	vld [tilespmem:s28+$0x2300]  }
0x13d: {  	v4 =	vadd.f32 v6, v4;
	v5 =	vadd.f32 v11, v5;
	v6 =	vmul.f32 v11, v11;
	v11 =	vld [tilespmem:s28+$0x2380]  }
0x13e: {  	v13 =	vmul.f32 v7, v7;
	v3 =	vmax.f32 v3, v8  }
0x13f: {  	v4 =	vadd.f32 v6, v4;
	v5 =	vadd.f32 v7, v5;
	v3 =	vmax.f32 v3, v10  }
0x140: {  	v6 =	vmul.f32 v8, v8;
	v3 =	vmax.f32 v3, v9  }
0x141: {  	v4 =	vadd.f32 v13, v4;
	v5 =	vadd.f32 v8, v5;
	v3 =	vmax.f32 v3, v12  }
0x142: {  	v3 =	vmax.f32 v3, v11  }
0x143: {  	v4 =	vadd.f32 v6, v4;
	v5 =	vadd.f32 v10, v5;
	v6 =	vmul.f32 v10, v10;
	_ =	sdelay $0x1  }
0x144: {  	v4 =	vadd.f32 v6, v4;
	v5 =	vadd.f32 v9, v5;
	v6 =	vmul.f32 v9, v9;
	_ =	sdelay $0x1  }
0x145: {  	v4 =	vadd.f32 v6, v4;
	v5 =	vadd.f32 v12, v5;
	v6 =	vmul.f32 v12, v12;
	_ =	sdelay $0x1  }
0x146: {  	v4 =	vadd.f32 v6, v4;
	v5 =	vadd.f32 v11, v5;
	v6 =	vmul.f32 v11, v11  }
0x147: {  	s29 =	sor.u32 s29, s30  }
0x148: {  	v4 =	vadd.f32 v6, v4;
	[tilespmem:s29+$0x13000] =	vst v5  }
0x149: {  	[tilespmem:s29+$0x11000] =	vst v3  }
0x14a: {  	[tilespmem:s29+$0x15000] =	vst v4  }
0x14b: {  	v3 =	vld [tilespmem:s28+$0x3000]  }
0x14c: {  	v4 =	vld [tilespmem:s28+$0x3080];
	_ =	sdelay $0x1  }
0x14d: {  	v5 =	vld [tilespmem:s28+$0x3100];
	_ =	sdelay $0x1  }
0x14e: {  	v6 =	vmul.f32 v3, v3;
	v7 =	vld [tilespmem:s28+$0x3180]  }
0x14f: {  	v8 =	vmax.f32 v3, v4;
	v3 =	vadd.f32 v4, v3;
	v4 =	vmul.f32 v4, v4  }
0x150: {  	v9 =	vld [tilespmem:s28+$0x3200]  }
0x151: {  	v4 =	vadd.f32 v4, v6;
	v3 =	vadd.f32 v5, v3;
	v6 =	vmul.f32 v5, v5  }
0x152: {  	v5 =	vmax.f32 v8, v5;
	v8 =	vld [tilespmem:s28+$0x3280]  }
0x153: {  	v4 =	vadd.f32 v6, v4;
	v3 =	vadd.f32 v7, v3;
	v6 =	vmul.f32 v7, v7  }
0x154: {  	v5 =	vmax.f32 v5, v7;
	v7 =	vld [tilespmem:s28+$0x3300]  }
0x155: {  	v4 =	vadd.f32 v6, v4;
	v3 =	vadd.f32 v9, v3;
	v6 =	vmul.f32 v9, v9;
	v10 =	vld [tilespmem:s28+$0x3380]  }
0x156: {  	v5 =	vmax.f32 v5, v9;
	v9 =	vld [tilespmem:s28+$0x4000]  }
0x157: {  	v4 =	vadd.f32 v6, v4;
	v3 =	vadd.f32 v8, v3;
	v6 =	vmul.f32 v8, v8  }
0x158: {  	v5 =	vmax.f32 v5, v8  }
0x159: {  	v4 =	vadd.f32 v6, v4;
	v3 =	vadd.f32 v7, v3;
	v6 =	vmul.f32 v7, v7  }
0x15a: {  	v5 =	vmax.f32 v5, v7;
	v7 =	vld [tilespmem:s28+$0x4080]  }
0x15b: {  	v4 =	vadd.f32 v6, v4;
	v3 =	vadd.f32 v10, v3;
	v6 =	vmul.f32 v10, v10;
	v8 =	vld [tilespmem:s28+$0x4100]  }
0x15c: {  	v5 =	vmax.f32 v5, v10;
	v10 =	vld [tilespmem:s28+$0x4180]  }
0x15d: {  	v4 =	vadd.f32 v6, v4;
	v3 =	vadd.f32 v9, v3;
	v6 =	vmul.f32 v9, v9;
	v11 =	vld [tilespmem:s28+$0x4200]  }
0x15e: {  	v5 =	vmax.f32 v5, v9;
	v9 =	vld [tilespmem:s28+$0x4280]  }
0x15f: {  	v4 =	vadd.f32 v6, v4;
	v5 =	vmax.f32 v5, v7;
	v3 =	vadd.f32 v7, v3;
	v6 =	vld [tilespmem:s28+$0x4300]  }
0x160: {  	v7 =	vmul.f32 v7, v7;
	v5 =	vmax.f32 v5, v8;
	v12 =	vld [tilespmem:s28+$0x4380]  }
0x161: {  	v3 =	vadd.f32 v8, v3;
	v5 =	vmax.f32 v5, v10  }
0x162: {  	v4 =	vadd.f32 v7, v4;
	v7 =	vmul.f32 v8, v8;
	v5 =	vmax.f32 v5, v11  }
0x163: {  	v3 =	vadd.f32 v10, v3;
	v5 =	vmax.f32 v5, v9  }
0x164: {  	v4 =	vadd.f32 v7, v4;
	v7 =	vmul.f32 v10, v10;
	v5 =	vmax.f32 v5, v6  }
0x165: {  	v3 =	vadd.f32 v11, v3;
	v5 =	vmax.f32 v5, v12  }
0x166: {  	v4 =	vadd.f32 v7, v4;
	v7 =	vmul.f32 v11, v11;
	[tilespmem:s29+$0x11080] =	vst v5  }
0x167: {  	v3 =	vadd.f32 v9, v3  }
0x168: {  	v5 =	vmul.f32 v9, v9;
	v4 =	vadd.f32 v7, v4  }
0x169: {  	v3 =	vadd.f32 v6, v3  }
0x16a: {  	v4 =	vadd.f32 v5, v4;
	v5 =	vmul.f32 v6, v6  }
0x16b: {  	v3 =	vadd.f32 v12, v3  }
0x16c: {  	v4 =	vadd.f32 v5, v4;
	v5 =	vmul.f32 v12, v12  }
0x16d: {  	[tilespmem:s29+$0x13080] =	vst v3  }
0x16e: {  	v3 =	vadd.f32 v5, v4;
	_ =	sdelay $0x1  }
0x16f: {  	[tilespmem:s29+$0x15080] =	vst v3  }
0x170: {  	v3 =	vld [tilespmem:s28+$0x5000]  }
0x171: {  	v4 =	vld [tilespmem:s28+$0x5080]  }
0x172: {  	v5 =	vld [tilespmem:s28+$0x5100]  }
0x173: {  	v6 =	vld [tilespmem:s28+$0x5180]  }
0x174: {  	v7 =	vld [tilespmem:s28+$0x5200]  }
0x175: {  	v8 =	vmul.f32 v3, v3;
	v9 =	vld [tilespmem:s28+$0x5280]  }
0x176: {  	v10 =	vmax.f32 v3, v4;
	v3 =	vadd.f32 v4, v3;
	v4 =	vmul.f32 v4, v4;
	v11 =	vld [tilespmem:s28+$0x5300]  }
0x177: {  	v10 =	vmax.f32 v10, v5;
	v12 =	vld [tilespmem:s28+$0x5380]  }
0x178: {  	v4 =	vadd.f32 v4, v8;
	v3 =	vadd.f32 v5, v3;
	v5 =	vmul.f32 v5, v5;
	v8 =	vld [tilespmem:s28+$0x6000]  }
0x179: {  	v10 =	vmax.f32 v10, v6;
	v13 =	vld [tilespmem:s28+$0x6080]  }
0x17a: {  	v4 =	vadd.f32 v5, v4;
	v3 =	vadd.f32 v6, v3;
	v5 =	vmul.f32 v6, v6  }
0x17b: {  	v6 =	vmax.f32 v10, v7  }
0x17c: {  	v4 =	vadd.f32 v5, v4;
	v3 =	vadd.f32 v7, v3;
	v5 =	vmul.f32 v7, v7  }
0x17d: {  	v6 =	vmax.f32 v6, v9  }
0x17e: {  	v4 =	vadd.f32 v5, v4;
	v3 =	vadd.f32 v9, v3;
	v5 =	vmul.f32 v9, v9  }
0x17f: {  	v6 =	vmax.f32 v6, v11  }
0x180: {  	v4 =	vadd.f32 v5, v4;
	v3 =	vadd.f32 v11, v3;
	v5 =	vmul.f32 v11, v11  }
0x181: {  	v6 =	vmax.f32 v6, v12  }
0x182: {  	v4 =	vadd.f32 v5, v4;
	v3 =	vadd.f32 v12, v3;
	v5 =	vmul.f32 v12, v12;
	v7 =	vld [tilespmem:s28+$0x6100]  }
0x183: {  	v6 =	vmax.f32 v6, v8;
	v9 =	vld [tilespmem:s28+$0x6180]  }
0x184: {  	v4 =	vadd.f32 v5, v4;
	v3 =	vadd.f32 v8, v3;
	v5 =	vmul.f32 v8, v8;
	v8 =	vld [tilespmem:s28+$0x6200]  }
0x185: {  	v6 =	vmax.f32 v6, v13;
	v10 =	vld [tilespmem:s28+$0x6280]  }
0x186: {  	v4 =	vadd.f32 v5, v4;
	v3 =	vadd.f32 v13, v3;
	v5 =	vmul.f32 v13, v13;
	v11 =	vld [tilespmem:s28+$0x6300]  }
0x187: {  	v6 =	vmax.f32 v6, v7;
	v12 =	vmul.f32 v7, v7;
	v13 =	vld [tilespmem:s28+$0x6380]  }
0x188: {  	v4 =	vadd.f32 v5, v4;
	v3 =	vadd.f32 v7, v3;
	v5 =	vmax.f32 v6, v9  }
0x189: {  	v6 =	vmul.f32 v9, v9;
	v5 =	vmax.f32 v5, v8  }
0x18a: {  	v4 =	vadd.f32 v12, v4;
	v3 =	vadd.f32 v9, v3;
	v5 =	vmax.f32 v5, v10  }
0x18b: {  	v7 =	vmul.f32 v8, v8;
	v5 =	vmax.f32 v5, v11  }
0x18c: {  	v4 =	vadd.f32 v6, v4;
	v3 =	vadd.f32 v8, v3;
	v5 =	vmax.f32 v5, v13  }
0x18d: {  	[tilespmem:s29+$0x11100] =	vst v5  }
0x18e: {  	v5 =	vmul.f32 v10, v10;
	v4 =	vadd.f32 v7, v4;
	v3 =	vadd.f32 v10, v3;
	_ =	sdelay $0x1  }
0x18f: {  	v4 =	vadd.f32 v5, v4;
	v3 =	vadd.f32 v11, v3;
	v5 =	vmul.f32 v11, v11;
	_ =	sdelay $0x1  }
0x190: {  	v4 =	vadd.f32 v5, v4;
	v3 =	vadd.f32 v13, v3;
	v5 =	vmul.f32 v13, v13;
	_ =	sdelay $0x1  }
0x191: {  	v4 =	vadd.f32 v5, v4;
	[tilespmem:s29+$0x13100] =	vst v3;
	_ =	sdelay $0x1  }
0x192: {  	[tilespmem:s29+$0x15100] =	vst v4  }
0x193: {  	v3 =	vld [tilespmem:s28+$0x7000]  }
0x194: {  	v4 =	vld [tilespmem:s28+$0x7080]  }
0x195: {  	v5 =	vld [tilespmem:s28+$0x7100]  }
0x196: {  	v6 =	vld [tilespmem:s28+$0x7180]  }
0x197: {  	v7 =	vld [tilespmem:s28+$0x7200]  }
0x198: {  	v8 =	vmul.f32 v3, v3;
	v9 =	vld [tilespmem:s28+$0x7280]  }
0x199: {  	v10 =	vmax.f32 v3, v4;
	v3 =	vadd.f32 v4, v3;
	v4 =	vmul.f32 v4, v4;
	v11 =	vld [tilespmem:s28+$0x7300]  }
0x19a: {  	v10 =	vmax.f32 v10, v5;
	v12 =	vld [tilespmem:s28+$0x7380]  }
0x19b: {  	v4 =	vadd.f32 v4, v8;
	v3 =	vadd.f32 v5, v3;
	v5 =	vmul.f32 v5, v5;
	v8 =	vld [tilespmem:s28+$0x8000]  }
0x19c: {  	v10 =	vmax.f32 v10, v6;
	v13 =	vld [tilespmem:s28+$0x8080]  }
0x19d: {  	v4 =	vadd.f32 v5, v4;
	v3 =	vadd.f32 v6, v3;
	v5 =	vmul.f32 v6, v6;
	v14 =	vld [tilespmem:s28+$0x8100]  }
0x19e: {  	v6 =	vmax.f32 v10, v7;
	v10 =	vld [tilespmem:s28+$0x8180]  }
0x19f: {  	v4 =	vadd.f32 v5, v4;
	v3 =	vadd.f32 v7, v3;
	v7 =	vmul.f32 v7, v7;
	v15 =	vld [tilespmem:s28+$0x8200]  }
0x1a0: {  	v6 =	vmax.f32 v6, v9;
	v5 =	vld [tilespmem:s28+$0x8280]  }
0x1a1: {  	v7 =	vadd.f32 v7, v4;
	v16 =	vadd.f32 v9, v3;
	v9 =	vmul.f32 v9, v9;
	v4 =	vld [tilespmem:s28+$0x8300]  }
0x1a2: {  	v6 =	vmax.f32 v6, v11;
	v3 =	vld [tilespmem:s28+$0x8380]  }
0x1a3: {  	v7 =	vadd.f32 v9, v7;
	v9 =	vadd.f32 v11, v16;
	v11 =	vmul.f32 v11, v11  }
0x1a4: {  	v6 =	vmax.f32 v6, v12  }
0x1a5: {  	v7 =	vadd.f32 v11, v7;
	v9 =	vadd.f32 v12, v9;
	v11 =	vmul.f32 v12, v12  }
0x1a6: {  	v12 =	vmax.f32 v6, v8;
	v6 =	vmul.f32 v5, v5  }
0x1a7: {  	v7 =	vadd.f32 v11, v7;
	v9 =	vadd.f32 v8, v9;
	v8 =	vmul.f32 v8, v8  }
0x1a8: {  	v11 =	vmax.f32 v12, v13  }
0x1a9: {  	v7 =	vadd.f32 v8, v7;
	v8 =	vadd.f32 v13, v9;
	v9 =	vmul.f32 v13, v13  }
0x1aa: {  	v12 =	vmul.f32 v14, v14;
	v11 =	vmax.f32 v11, v14  }
0x1ab: {  	v7 =	vadd.f32 v9, v7;
	v8 =	vadd.f32 v14, v8;
	v9 =	vmax.f32 v11, v10  }
.Ltmp2:
0x1ac: {  	v11 =	vmul.f32 v10, v10;
	v9 =	vmax.f32 v9, v15;
	(pc) =	sbr.rel @p0 .LBB2_3-.Ltmp2, $4  }
0x1ad: {  	v12 =	vadd.f32 v12, v7;
	v10 =	vadd.f32 v10, v8;
	v8 =	vmax.f32 v9, v5  }
0x1ae: {  	v7 =	vmul.f32 v15, v15;
	v13 =	vmax.f32 v8, v4  }
0x1af: {  	s31 =	sor.u32 $0x180, s26;
	v8 =	vadd.f32 v11, v12;
	v9 =	vadd.f32 v15, v10;
	v10 =	vmax.f32 v13, v3  }
0x1b0: {  	[tilespmem:s31+$0x11000] =	vst v10  }
0x1b1: {  	v7 =	vadd.f32 v7, v8  }
0x1b2: {  	v5 =	vadd.f32 v5, v9  }
0x1b3: {  	v59 =	vmul.f32 v4, v4;
	v6 =	vadd.f32 v6, v7  }
0x1b4: {  	p0 =	seq.s32 s22, $0xF;
	v60 =	vadd.f32 v4, v5  }
.Ltmp3:
0x1b5: {  	v62 =	vmul.f32 v3, v3;
	v61 =	vadd.f32 v59, v6;
	(pc) =	sbr.rel @p0 .LBB2_6-.Ltmp3, $4  }
0x1b6: {  	v3 =	vadd.f32 v3, v60  }
0x1b7: {  	v63 =	vadd.f32 v62, v61  }
0x1b8: {  	[tilespmem:s31+$0x13000] =	vst v3  }
0x1b9: {  	[tilespmem:s31+$0x15000] =	vst v63  }
0x1ba: {  	s0 =	sshll.u32 s22, $0x8  }
0x1bb: {  	s0 =	sand.u32 $0x3FFFFF00, s0  }
0x1bc: {  	v3 =	vld [tilespmem:s0+$0x100];
	_ =	sdelay $0x4  }
0x1bd: {  	v4 =	vshll.u32 v3, $0x2  }
0x1be: {  	v3 =	vand.u32 $0x7, v3;
	v4 =	vand.u32 $0xFFFFFFE0, v4  }
0x1bf: {  	v3 =	vor.u32 v3, v4  }
0x1c0: {  	v4 =	vperm.xlane v3, v0;
	_ =	sdelay $0x1  }
0x1c1: {  	v4 =	vadd.s32 v1, v4;
	_ =	sdelay $0x1  }
0x1c2: {  	v3 =	vperm.xlane v3, v2;
	_ =	sdelay $0x1  }
0x1c3: {  	s1 =	simm.s32 $0x1000;
	v3 =	vadd.s32 v1, v3  }
0x1c4: {  	[tilespmem:s1], [sflag:$0x1] =	stream.indirect_vreg.gather [hbm4b:s4+s3], $0x80, v4, vm0, $0xb8;
	[tilespmem:$0x17000] =	vst v63  }
0x1c5: {  	s31 =	simm.s32 $0x1800  }
0x1c6: {  	[tilespmem:s31], [sflag:$0x1] =	stream.indirect_vreg.gather [hbm4b:s9+s3], $0x80, v4, vm0, $0xb8;
	[tilespmem:$0x17000] =	vst v63  }
0x1c7: {  	s2 =	simm.s32 $0x2000  }
0x1c8: {  	[tilespmem:s2], [sflag:$0x1] =	stream.indirect_vreg.gather [hbm4b:s4+s3], $0x80, v3, vm0, $0xb8;
	[tilespmem:$0x17000] =	vst v63  }
0x1c9: {  	s25 =	simm.s32 $0x2800  }
0x1ca: {  	[tilespmem:s25], [sflag:$0x1] =	stream.indirect_vreg.gather [hbm4b:s9+s3], $0x80, v3, vm0, $0xb8;
	[tilespmem:$0x17000] =	vst v63  }
0x1cb: {  	v3 =	vld [tilespmem:s0+$0x110];
	_ =	sdelay $0x4  }
0x1cc: {  	v61 =	vshll.u32 v3, $0x2  }
0x1cd: {  	v3 =	vand.u32 $0x7, v3;
	v4 =	vand.u32 $0xFFFFFFE0, v61  }
0x1ce: {  	v3 =	vor.u32 v3, v4  }
0x1cf: {  	v4 =	vperm.xlane v3, v0;
	_ =	sdelay $0x1  }
0x1d0: {  	v4 =	vadd.s32 v1, v4;
	_ =	sdelay $0x1  }
0x1d1: {  	v3 =	vperm.xlane v3, v2;
	_ =	sdelay $0x1  }
0x1d2: {  	s26 =	simm.s32 $0x3000;
	v3 =	vadd.s32 v1, v3  }
0x1d3: {  	[tilespmem:s26], [sflag:$0x1] =	stream.indirect_vreg.gather [hbm4b:s4+s3], $0x80, v4, vm0, $0xb8;
	[tilespmem:$0x17000] =	vst v63  }
0x1d4: {  	s28 =	simm.s32 $0x3800  }
0x1d5: {  	[tilespmem:s28], [sflag:$0x1] =	stream.indirect_vreg.gather [hbm4b:s9+s3], $0x80, v4, vm0, $0xb8;
	[tilespmem:$0x17000] =	vst v63  }
0x1d6: {  	s29 =	simm.s32 $0x4000  }
0x1d7: {  	[tilespmem:s29], [sflag:$0x1] =	stream.indirect_vreg.gather [hbm4b:s4+s3], $0x80, v3, vm0, $0xb8;
	[tilespmem:$0x17000] =	vst v63  }
0x1d8: {  	s30 =	simm.s32 $0x4800  }
0x1d9: {  	[tilespmem:s30], [sflag:$0x1] =	stream.indirect_vreg.gather [hbm4b:s9+s3], $0x80, v3, vm0, $0xb8;
	[tilespmem:$0x17000] =	vst v63  }
0x1da: {  	v3 =	vld [tilespmem:s0+$0x120];
	_ =	sdelay $0x4  }
0x1db: {  	v62 =	vshll.u32 v3, $0x2  }
0x1dc: {  	v3 =	vand.u32 $0x7, v3;
	v4 =	vand.u32 $0xFFFFFFE0, v62  }
0x1dd: {  	v3 =	vor.u32 v3, v4  }
0x1de: {  	v4 =	vperm.xlane v3, v0;
	_ =	sdelay $0x1  }
0x1df: {  	v4 =	vadd.s32 v1, v4;
	_ =	sdelay $0x1  }
0x1e0: {  	v3 =	vperm.xlane v3, v2;
	_ =	sdelay $0x1  }
0x1e1: {  	s31 =	simm.s32 $0x5000;
	v3 =	vadd.s32 v1, v3  }
0x1e2: {  	[tilespmem:s31], [sflag:$0x1] =	stream.indirect_vreg.gather [hbm4b:s4+s3], $0x80, v4, vm0, $0xb8;
	[tilespmem:$0x17000] =	vst v63  }
0x1e3: {  	s2 =	simm.s32 $0x5800  }
0x1e4: {  	[tilespmem:s2], [sflag:$0x1] =	stream.indirect_vreg.gather [hbm4b:s9+s3], $0x80, v4, vm0, $0xb8;
	[tilespmem:$0x17000] =	vst v63  }
0x1e5: {  	s25 =	simm.s32 $0x6000  }
0x1e6: {  	[tilespmem:s25], [sflag:$0x1] =	stream.indirect_vreg.gather [hbm4b:s4+s3], $0x80, v3, vm0, $0xb8;
	[tilespmem:$0x17000] =	vst v63  }
0x1e7: {  	s26 =	simm.s32 $0x6800  }
0x1e8: {  	[tilespmem:s26], [sflag:$0x1] =	stream.indirect_vreg.gather [hbm4b:s9+s3], $0x80, v3, vm0, $0xb8;
	[tilespmem:$0x17000] =	vst v63  }
0x1e9: {  	v3 =	vld [tilespmem:s0+$0x130];
	_ =	sdelay $0x4  }
0x1ea: {  	v63 =	vshll.u32 v3, $0x2  }
0x1eb: {  	v3 =	vand.u32 $0x7, v3;
	v4 =	vand.u32 $0xFFFFFFE0, v63  }
0x1ec: {  	v3 =	vor.u32 v3, v4  }
0x1ed: {  	v4 =	vperm.xlane v3, v0;
	_ =	sdelay $0x1  }
0x1ee: {  	v4 =	vadd.s32 v1, v4;
	_ =	sdelay $0x1  }
0x1ef: {  	v3 =	vperm.xlane v3, v2;
	_ =	sdelay $0x1  }
0x1f0: {  	s28 =	simm.s32 $0x7000;
	v3 =	vadd.s32 v1, v3  }
0x1f1: {  	[tilespmem:s28], [sflag:$0x1] =	stream.indirect_vreg.gather [hbm4b:s4+s3], $0x80, v4, vm0, $0xb8;
	[tilespmem:$0x17000] =	vst v63  }
0x1f2: {  	s29 =	simm.s32 $0x7800  }
0x1f3: {  	[tilespmem:s29], [sflag:$0x1] =	stream.indirect_vreg.gather [hbm4b:s9+s3], $0x80, v4, vm0, $0xb8;
	[tilespmem:$0x17000] =	vst v63  }
0x1f4: {  	s30 =	simm.s32 $0x8000  }
0x1f5: {  	[tilespmem:s30], [sflag:$0x1] =	stream.indirect_vreg.gather [hbm4b:s4+s3], $0x80, v3, vm0, $0xb8;
	[tilespmem:$0x17000] =	vst v63  }
0x1f6: {  	s31 =	simm.s32 $0x8800  }
0x1f7: {  	[tilespmem:s31], [sflag:$0x1] =	stream.indirect_vreg.gather [hbm4b:s9+s3], $0x80, v3, vm0, $0xb8;
	[tilespmem:$0x17000] =	vst v63  }
.LBB2_6:
0x1f8: {  	_ =	swait.ge [sflag:s21], $0x8000;
	s25 =	simm.s32 $0x0  }
0x1f9: {  	[sflag:s21] =	ssyncset.done $0x0;
	s0 =	sand.u32 $0x70, s25;
	s2 =	sand.u32 $0xC00, s25  }
0x1fa: {  	[sflag:s21] =	ssyncadd.s32 $0xFFFF8000;
	s28 =	sor.u32 s0, s2  }
0x1fb: {  	v3 =	vld [tilespmem:s28+$0x9080]  }
0x1fc: {  	v4 =	vld [tilespmem:s28+$0x9000];
	_ =	sdelay $0x1  }
0x1fd: {  	v5 =	vld [tilespmem:s28+$0x9100];
	_ =	sdelay $0x1  }
0x1fe: {  	v6 =	vld [tilespmem:s28+$0x9180]  }
0x1ff: {  	v7 =	vmul.f32 v4, v4;
	v8 =	vadd.f32 v3, v4;
	v9 =	vmul.f32 v3, v3  }
0x200: {  	v10 =	vld [tilespmem:s28+$0x9200]  }
0x201: {  	v7 =	vadd.f32 v9, v7;
	v8 =	vadd.f32 v5, v8;
	v9 =	vmul.f32 v5, v5  }
0x202: {  	v3 =	vmax.f32 v4, v3;
	v4 =	vld [tilespmem:s28+$0x9280]  }
0x203: {  	v7 =	vadd.f32 v9, v7;
	v8 =	vadd.f32 v6, v8;
	v9 =	vmul.f32 v6, v6  }
0x204: {  	s31 =	sor.u32 s25, s25;
	v11 =	vld [tilespmem:s28+$0x9300];
	v3 =	vmax.f32 v3, v5  }
0x205: {  	s0 =	sor.u32 $0x380, s31;
	v5 =	vadd.f32 v9, v7;
	v7 =	vadd.f32 v10, v8;
	v8 =	vmul.f32 v10, v10  }
0x206: {  	v3 =	vmax.f32 v3, v6;
	v9 =	vld [tilespmem:s0+$0x9000]  }
0x207: {  	v5 =	vadd.f32 v8, v5;
	v6 =	vadd.f32 v4, v7;
	v7 =	vmul.f32 v4, v4  }
0x208: {  	v8 =	vld [tilespmem:s28+$0xA000]  }
0x209: {  	v3 =	vmax.f32 v3, v10;
	v10 =	vmul.f32 v11, v11;
	v5 =	vadd.f32 v7, v5  }
0x20a: {  	v6 =	vadd.f32 v11, v6;
	v7 =	vld [tilespmem:s28+$0xA080]  }
0x20b: {  	v3 =	vmax.f32 v3, v4;
	v4 =	vmul.f32 v9, v9;
	v5 =	vadd.f32 v10, v5  }
0x20c: {  	v6 =	vadd.f32 v9, v6;
	v10 =	vld [tilespmem:s28+$0xA100]  }
0x20d: {  	v3 =	vmax.f32 v3, v11;
	v11 =	vmul.f32 v8, v8;
	v4 =	vadd.f32 v4, v5  }
0x20e: {  	v5 =	vadd.f32 v8, v6;
	v6 =	vld [tilespmem:s28+$0xA180]  }
0x20f: {  	v3 =	vmax.f32 v3, v9;
	v9 =	vmul.f32 v7, v7;
	v4 =	vadd.f32 v11, v4  }
0x210: {  	v3 =	vmax.f32 v3, v8;
	v8 =	vld [tilespmem:s28+$0xA200];
	v5 =	vadd.f32 v7, v5  }
0x211: {  	v11 =	vmul.f32 v10, v10;
	v4 =	vadd.f32 v9, v4  }
0x212: {  	v3 =	vmax.f32 v3, v7;
	v7 =	vld [tilespmem:s28+$0xA280];
	v5 =	vadd.f32 v10, v5  }
0x213: {  	v9 =	vmul.f32 v6, v6;
	v4 =	vadd.f32 v11, v4  }
0x214: {  	v3 =	vmax.f32 v3, v10;
	v10 =	vld [tilespmem:s28+$0xA300];
	v5 =	vadd.f32 v6, v5  }
0x215: {  	v4 =	vadd.f32 v9, v4;
	v9 =	vmul.f32 v8, v8  }
0x216: {  	v3 =	vmax.f32 v3, v6;
	v6 =	vld [tilespmem:s28+$0xA380];
	v5 =	vadd.f32 v8, v5  }
0x217: {  	v4 =	vadd.f32 v9, v4;
	v9 =	vmul.f32 v7, v7  }
0x218: {  	v5 =	vadd.f32 v7, v5  }
0x219: {  	v3 =	vmax.f32 v3, v8;
	v8 =	vmul.f32 v10, v10;
	v4 =	vadd.f32 v9, v4  }
0x21a: {  	v3 =	vmax.f32 v3, v7;
	v5 =	vadd.f32 v10, v5  }
0x21b: {  	v3 =	vmax.f32 v3, v10;
	v7 =	vmul.f32 v6, v6;
	v4 =	vadd.f32 v8, v4  }
0x21c: {  	s2 =	sor.u32 s24, s28;
	v3 =	vmax.f32 v3, v6;
	v5 =	vadd.f32 v6, v5  }
0x21d: {  	[tilespmem:s2+$0x11200] =	vst v3;
	v4 =	vadd.f32 v7, v4  }
0x21e: {  	[tilespmem:s2+$0x13200] =	vst v5  }
0x21f: {  	[tilespmem:s2+$0x15200] =	vst v4  }
0x220: {  	v3 =	vld [tilespmem:s28+$0xB000]  }
0x221: {  	v4 =	vld [tilespmem:s28+$0xB080];
	_ =	sdelay $0x1  }
0x222: {  	v5 =	vld [tilespmem:s28+$0xB100];
	_ =	sdelay $0x1  }
0x223: {  	v6 =	vld [tilespmem:s28+$0xB180]  }
0x224: {  	v7 =	vmul.f32 v3, v3;
	v8 =	vmul.f32 v4, v4  }
0x225: {  	v10 =	vld [tilespmem:s28+$0xB200];
	v9 =	vadd.f32 v4, v3  }
0x226: {  	v7 =	vadd.f32 v8, v7;
	v8 =	vmul.f32 v5, v5  }
0x227: {  	v11 =	vld [tilespmem:s28+$0xB280];
	v9 =	vadd.f32 v5, v9  }
0x228: {  	v7 =	vadd.f32 v8, v7;
	v8 =	vmul.f32 v6, v6  }
0x229: {  	v12 =	vld [tilespmem:s28+$0xB300];
	v9 =	vadd.f32 v6, v9  }
0x22a: {  	v7 =	vadd.f32 v8, v7;
	v8 =	vmul.f32 v10, v10  }
0x22b: {  	v13 =	vld [tilespmem:s28+$0xB380];
	v9 =	vadd.f32 v10, v9  }
0x22c: {  	v7 =	vadd.f32 v8, v7;
	v8 =	vmul.f32 v11, v11  }
0x22d: {  	v14 =	vld [tilespmem:s28+$0xC000];
	v9 =	vadd.f32 v11, v9  }
0x22e: {  	v7 =	vadd.f32 v8, v7;
	v8 =	vmul.f32 v12, v12  }
0x22f: {  	v15 =	vld [tilespmem:s28+$0xC080];
	v9 =	vadd.f32 v12, v9  }
0x230: {  	v16 =	vmul.f32 v13, v13;
	v7 =	vadd.f32 v8, v7  }
0x231: {  	v8 =	vld [tilespmem:s28+$0xC100];
	v9 =	vadd.f32 v13, v9  }
0x232: {  	v53 =	vmul.f32 v14, v14;
	v7 =	vadd.f32 v16, v7  }
0x233: {  	v3 =	vmax.f32 v3, v4;
	v4 =	vld [tilespmem:s28+$0xC180];
	v9 =	vadd.f32 v14, v9  }
0x234: {  	v3 =	vmax.f32 v3, v5;
	v5 =	vmul.f32 v15, v15;
	v7 =	vadd.f32 v53, v7  }
0x235: {  	v3 =	vmax.f32 v3, v6;
	v6 =	vld [tilespmem:s28+$0xC200];
	v9 =	vadd.f32 v15, v9  }
0x236: {  	v3 =	vmax.f32 v3, v10;
	v10 =	vmul.f32 v8, v8;
	v5 =	vadd.f32 v5, v7  }
0x237: {  	v3 =	vmax.f32 v3, v11;
	v7 =	vld [tilespmem:s28+$0xC280];
	v9 =	vadd.f32 v8, v9  }
0x238: {  	v3 =	vmax.f32 v3, v12;
	v11 =	vmul.f32 v4, v4;
	v5 =	vadd.f32 v10, v5  }
0x239: {  	v3 =	vmax.f32 v3, v13;
	v10 =	vld [tilespmem:s28+$0xC300];
	v9 =	vadd.f32 v4, v9  }
0x23a: {  	v3 =	vmax.f32 v3, v14;
	v5 =	vadd.f32 v11, v5;
	v11 =	vmul.f32 v6, v6  }
0x23b: {  	v54 =	vld [tilespmem:s28+$0xC380];
	v3 =	vmax.f32 v3, v15;
	v9 =	vadd.f32 v6, v9  }
0x23c: {  	v3 =	vmax.f32 v3, v8;
	v8 =	vmul.f32 v7, v7;
	v5 =	vadd.f32 v11, v5  }
0x23d: {  	v3 =	vmax.f32 v3, v4;
	v4 =	vadd.f32 v7, v9  }
0x23e: {  	v3 =	vmax.f32 v3, v6;
	v6 =	vmul.f32 v10, v10;
	v5 =	vadd.f32 v8, v5  }
0x23f: {  	v3 =	vmax.f32 v3, v7;
	v4 =	vadd.f32 v10, v4  }
0x240: {  	v3 =	vmax.f32 v3, v10;
	v5 =	vadd.f32 v6, v5;
	v6 =	vmul.f32 v54, v54  }
0x241: {  	v3 =	vmax.f32 v3, v54;
	v4 =	vadd.f32 v54, v4  }
0x242: {  	[tilespmem:s2+$0x11280] =	vst v3;
	v3 =	vadd.f32 v6, v5  }
0x243: {  	[tilespmem:s2+$0x13280] =	vst v4  }
0x244: {  	[tilespmem:s2+$0x15280] =	vst v3  }
0x245: {  	v3 =	vld [tilespmem:s28+$0xD000]  }
0x246: {  	v4 =	vld [tilespmem:s28+$0xD080];
	_ =	sdelay $0x1  }
0x247: {  	v5 =	vld [tilespmem:s28+$0xD100];
	_ =	sdelay $0x1  }
0x248: {  	v6 =	vld [tilespmem:s28+$0xD180]  }
0x249: {  	v7 =	vmul.f32 v3, v3;
	v8 =	vmul.f32 v4, v4  }
0x24a: {  	v10 =	vld [tilespmem:s28+$0xD200];
	v9 =	vadd.f32 v4, v3  }
0x24b: {  	v7 =	vadd.f32 v8, v7;
	v8 =	vmul.f32 v5, v5  }
0x24c: {  	v11 =	vld [tilespmem:s28+$0xD280];
	v9 =	vadd.f32 v5, v9  }
0x24d: {  	v7 =	vadd.f32 v8, v7;
	v8 =	vmul.f32 v6, v6  }
0x24e: {  	v55 =	vld [tilespmem:s28+$0xD300];
	v9 =	vadd.f32 v6, v9  }
0x24f: {  	v7 =	vadd.f32 v8, v7;
	v8 =	vmul.f32 v10, v10  }
0x250: {  	v56 =	vld [tilespmem:s28+$0xD380];
	v9 =	vadd.f32 v10, v9  }
0x251: {  	v7 =	vadd.f32 v8, v7;
	v8 =	vmul.f32 v11, v11  }
0x252: {  	v57 =	vld [tilespmem:s28+$0xE000];
	v9 =	vadd.f32 v11, v9  }
0x253: {  	v7 =	vadd.f32 v8, v7;
	v8 =	vmul.f32 v55, v55  }
0x254: {  	v58 =	vld [tilespmem:s28+$0xE080];
	v9 =	vadd.f32 v55, v9  }
0x255: {  	v7 =	vadd.f32 v8, v7;
	v8 =	vmul.f32 v56, v56  }
0x256: {  	v59 =	vld [tilespmem:s28+$0xE100];
	v9 =	vadd.f32 v56, v9  }
0x257: {  	v7 =	vadd.f32 v8, v7;
	v8 =	vmul.f32 v57, v57  }
0x258: {  	v3 =	vmax.f32 v3, v4;
	v4 =	vld [tilespmem:s28+$0xE180];
	v9 =	vadd.f32 v57, v9  }
0x259: {  	v3 =	vmax.f32 v3, v5;
	v5 =	vadd.f32 v8, v7;
	v7 =	vmul.f32 v58, v58  }
0x25a: {  	v3 =	vmax.f32 v3, v6;
	v6 =	vld [tilespmem:s28+$0xE200];
	v8 =	vadd.f32 v58, v9  }
0x25b: {  	v3 =	vmax.f32 v3, v10;
	v9 =	vmul.f32 v59, v59;
	v5 =	vadd.f32 v7, v5  }
0x25c: {  	v3 =	vmax.f32 v3, v11;
	v7 =	vld [tilespmem:s28+$0xE280];
	v8 =	vadd.f32 v59, v8  }
0x25d: {  	v3 =	vmax.f32 v3, v55;
	v10 =	vmul.f32 v4, v4;
	v5 =	vadd.f32 v9, v5  }
0x25e: {  	v3 =	vmax.f32 v3, v56;
	v9 =	vld [tilespmem:s28+$0xE300];
	v8 =	vadd.f32 v4, v8  }
0x25f: {  	v3 =	vmax.f32 v3, v57;
	v11 =	vmul.f32 v6, v6;
	v5 =	vadd.f32 v10, v5  }
0x260: {  	v3 =	vmax.f32 v3, v58;
	v10 =	vld [tilespmem:s28+$0xE380];
	v8 =	vadd.f32 v6, v8  }
0x261: {  	v3 =	vmax.f32 v3, v59;
	v5 =	vadd.f32 v11, v5;
	v11 =	vmul.f32 v7, v7  }
0x262: {  	v3 =	vmax.f32 v3, v4;
	v4 =	vadd.f32 v7, v8  }
0x263: {  	v3 =	vmax.f32 v3, v6;
	v6 =	vmul.f32 v9, v9;
	v5 =	vadd.f32 v11, v5  }
0x264: {  	v3 =	vmax.f32 v3, v7;
	v4 =	vadd.f32 v9, v4  }
0x265: {  	v3 =	vmax.f32 v3, v9;
	v5 =	vadd.f32 v6, v5;
	v6 =	vmul.f32 v10, v10  }
0x266: {  	v3 =	vmax.f32 v3, v10;
	v4 =	vadd.f32 v10, v4  }
0x267: {  	[tilespmem:s2+$0x11300] =	vst v3;
	v3 =	vadd.f32 v6, v5  }
0x268: {  	[tilespmem:s2+$0x13300] =	vst v4  }
0x269: {  	[tilespmem:s2+$0x15300] =	vst v3  }
0x26a: {  	v3 =	vld [tilespmem:s28+$0xF000]  }
0x26b: {  	v4 =	vld [tilespmem:s28+$0xF080]  }
0x26c: {  	v5 =	vld [tilespmem:s28+$0xF100];
	_ =	sdelay $0x1  }
0x26d: {  	v6 =	vld [tilespmem:s28+$0xF180]  }
0x26e: {  	v7 =	vmul.f32 v3, v3  }
0x26f: {  	v8 =	vld [tilespmem:s28+$0xF200];
	v9 =	vmax.f32 v3, v4;
	v3 =	vadd.f32 v4, v3;
	v4 =	vmul.f32 v4, v4  }
0x270: {  	v9 =	vmax.f32 v9, v5  }
0x271: {  	v10 =	vld [tilespmem:s28+$0xF280];
	v4 =	vadd.f32 v4, v7;
	v3 =	vadd.f32 v5, v3;
	v5 =	vmul.f32 v5, v5  }
0x272: {  	v7 =	vmax.f32 v9, v6  }
0x273: {  	v9 =	vld [tilespmem:s28+$0xF300];
	v4 =	vadd.f32 v5, v4;
	v3 =	vadd.f32 v6, v3;
	v5 =	vmul.f32 v6, v6  }
0x274: {  	v6 =	vmax.f32 v7, v8  }
0x275: {  	v7 =	vld [tilespmem:s28+$0xF380];
	v4 =	vadd.f32 v5, v4;
	v3 =	vadd.f32 v8, v3;
	v5 =	vmul.f32 v8, v8  }
0x276: {  	v6 =	vmax.f32 v6, v10  }
0x277: {  	v8 =	vld [tilespmem:s28+$0x10000];
	v4 =	vadd.f32 v5, v4;
	v3 =	vadd.f32 v10, v3;
	v5 =	vmul.f32 v10, v10  }
0x278: {  	v6 =	vmax.f32 v6, v9  }
0x279: {  	v10 =	vld [tilespmem:s28+$0x10080];
	v4 =	vadd.f32 v5, v4;
	v3 =	vadd.f32 v9, v3;
	v5 =	vmul.f32 v9, v9  }
0x27a: {  	v6 =	vmax.f32 v6, v7;
	v9 =	vld [tilespmem:s28+$0x10100]  }
0x27b: {  	v11 =	vld [tilespmem:s28+$0x10180];
	v60 =	vadd.f32 v5, v4;
	v3 =	vadd.f32 v7, v3;
	v7 =	vmul.f32 v7, v7  }
0x27c: {  	v6 =	vmax.f32 v6, v8;
	v5 =	vld [tilespmem:s28+$0x10200]  }
0x27d: {  	v4 =	vld [tilespmem:s28+$0x10280];
	v7 =	vadd.f32 v7, v60;
	v61 =	vadd.f32 v8, v3;
	v8 =	vmul.f32 v8, v8  }
0x27e: {  	v6 =	vmax.f32 v6, v10;
	v62 =	vmul.f32 v10, v10;
	v3 =	vld [tilespmem:s28+$0x10300]  }
0x27f: {  	v6 =	vmax.f32 v6, v9;
	v7 =	vadd.f32 v8, v7;
	v8 =	vadd.f32 v10, v61  }
0x280: {  	v10 =	vmul.f32 v9, v9;
	v6 =	vmax.f32 v6, v11  }
0x281: {  	v6 =	vmax.f32 v6, v5;
	v7 =	vadd.f32 v62, v7;
	v9 =	vadd.f32 v9, v8  }
0x282: {  	s2 =	sor.u32 $0x380, s24;
	v8 =	vmul.f32 v11, v11;
	v63 =	vmax.f32 v6, v4  }
0x283: {  	s29 =	simm.s32 $0x10;
	s26 =	sor.u32 s2, s25;
	v6 =	vld [tilespmem:s28+$0x10380];
	s28 =	simm.s32 $0x0;
	v10 =	vadd.f32 v10, v7;
	v9 =	vadd.f32 v11, v9;
	v7 =	vmax.f32 v63, v3  }
.LBB2_7:
0x284: {  	p1 =	sne.s32 s29, $0x1F0  }
0x285: {  	s25 =	sadd.s32 $0x80, s25;
	s0 =	smov.u32 s29;
	s29 =	sadd.s32 $0x10, s29  }
0x286: {  	s31 =	sor.u32 s2, s25;
	v8 =	vadd.f32 v8, v10;
	v9 =	vadd.f32 v5, v9;
	v5 =	vmul.f32 v5, v5;
	_ =	sdelay $0x1  }
0x287: {  	v5 =	vadd.f32 v5, v8;
	v8 =	vadd.f32 v4, v9;
	v4 =	vmul.f32 v4, v4  }
0x288: {  	s30 =	sand.u32 $0x70, s0;
	s1 =	sand.u32 $0xC00, s25  }
0x289: {  	s30 =	sor.u32 s30, s1;
	v4 =	vadd.f32 v4, v5;
	v5 =	vadd.f32 v3, v8;
	v3 =	vmul.f32 v3, v3;
	_ =	sdelay $0x1  }
0x28a: {  	v3 =	vadd.f32 v3, v4;
	v4 =	vadd.f32 v6, v5;
	v5 =	vmul.f32 v6, v6  }
0x28b: {  	s1 =	sor.u32 s28, s26;
	s28 =	smov.u32 s0;
	s26 =	smov.u32 s31;
	v6 =	vmax.f32 v7, v6  }
0x28c: {  	v3 =	vadd.f32 v5, v3;
	[tilespmem:s1+$0x11000] =	vst v6  }
0x28d: {  	[tilespmem:s1+$0x13000] =	vst v4  }
0x28e: {  	[tilespmem:s1+$0x15000] =	vst v3  }
0x28f: {  	v3 =	vld [tilespmem:s30+$0x9180]  }
0x290: {  	v4 =	vld [tilespmem:s30+$0x9080]  }
0x291: {  	v5 =	vld [tilespmem:s30+$0x9000]  }
0x292: {  	v6 =	vld [tilespmem:s30+$0x9100]  }
0x293: {  	s0 =	sor.u32 s25, s28;
	v7 =	vld [tilespmem:s30+$0x9300]  }
0x294: {  	s0 =	sor.u32 $0x380, s0;
	v8 =	vld [tilespmem:s30+$0x9200]  }
0x295: {  	v9 =	vld [tilespmem:s0+$0x9000]  }
0x296: {  	v12 =	vmul.f32 v4, v4;
	v10 =	vmul.f32 v5, v5;
	v11 =	vadd.f32 v4, v5;
	v13 =	vld [tilespmem:s30+$0xA000]  }
0x297: {  	v4 =	vmax.f32 v5, v4;
	v5 =	vld [tilespmem:s30+$0xA080]  }
0x298: {  	v10 =	vadd.f32 v12, v10;
	v11 =	vadd.f32 v6, v11;
	v12 =	vmul.f32 v6, v6  }
0x299: {  	v4 =	vmax.f32 v4, v6;
	v6 =	vld [tilespmem:s30+$0x9280]  }
0x29a: {  	v10 =	vadd.f32 v12, v10;
	v11 =	vadd.f32 v3, v11;
	v12 =	vmul.f32 v3, v3  }
0x29b: {  	v3 =	vmax.f32 v4, v3  }
0x29c: {  	v4 =	vadd.f32 v12, v10;
	v10 =	vadd.f32 v8, v11;
	v11 =	vmul.f32 v8, v8  }
0x29d: {  	v3 =	vmax.f32 v3, v8  }
0x29e: {  	v4 =	vadd.f32 v11, v4;
	v8 =	vadd.f32 v6, v10;
	v10 =	vmul.f32 v6, v6  }
0x29f: {  	v3 =	vmax.f32 v3, v6;
	v6 =	vmul.f32 v7, v7;
	v11 =	vld [tilespmem:s30+$0xA100]  }
0x2a0: {  	v3 =	vmax.f32 v3, v7;
	v4 =	vadd.f32 v10, v4;
	v7 =	vadd.f32 v7, v8;
	v8 =	vld [tilespmem:s30+$0xA180]  }
0x2a1: {  	v3 =	vmax.f32 v3, v9;
	v10 =	vmul.f32 v9, v9  }
0x2a2: {  	v3 =	vmax.f32 v3, v13;
	v4 =	vadd.f32 v6, v4;
	v6 =	vadd.f32 v9, v7;
	v7 =	vld [tilespmem:s30+$0xA200]  }
0x2a3: {  	v9 =	vmul.f32 v13, v13;
	v3 =	vmax.f32 v3, v5;
	v12 =	vld [tilespmem:s30+$0xA280]  }
0x2a4: {  	v4 =	vadd.f32 v10, v4;
	v6 =	vadd.f32 v13, v6;
	v3 =	vmax.f32 v3, v11;
	v10 =	vld [tilespmem:s30+$0xA300]  }
0x2a5: {  	v3 =	vmax.f32 v3, v8;
	v13 =	vld [tilespmem:s30+$0xA380]  }
0x2a6: {  	v4 =	vadd.f32 v9, v4;
	v6 =	vadd.f32 v5, v6;
	v5 =	vmul.f32 v5, v5  }
0x2a7: {  	v9 =	vmul.f32 v11, v11;
	v3 =	vmax.f32 v3, v7  }
0x2a8: {  	v4 =	vadd.f32 v5, v4;
	v5 =	vadd.f32 v11, v6;
	v3 =	vmax.f32 v3, v12  }
0x2a9: {  	v6 =	vmul.f32 v8, v8;
	v3 =	vmax.f32 v3, v10  }
0x2aa: {  	v4 =	vadd.f32 v9, v4;
	v5 =	vadd.f32 v8, v5;
	v3 =	vmax.f32 v3, v13;
	_ =	sdelay $0x1  }
0x2ab: {  	v4 =	vadd.f32 v6, v4;
	v5 =	vadd.f32 v7, v5;
	v6 =	vmul.f32 v7, v7;
	_ =	sdelay $0x1  }
0x2ac: {  	v4 =	vadd.f32 v6, v4;
	v5 =	vadd.f32 v12, v5;
	v6 =	vmul.f32 v12, v12;
	_ =	sdelay $0x1  }
0x2ad: {  	v4 =	vadd.f32 v6, v4;
	v5 =	vadd.f32 v10, v5;
	v6 =	vmul.f32 v10, v10;
	_ =	sdelay $0x1  }
0x2ae: {  	v4 =	vadd.f32 v6, v4;
	v5 =	vadd.f32 v13, v5;
	v6 =	vmul.f32 v13, v13  }
0x2af: {  	s31 =	sor.u32 s24, s30  }
0x2b0: {  	v4 =	vadd.f32 v6, v4;
	[tilespmem:s31+$0x13200] =	vst v5  }
0x2b1: {  	[tilespmem:s31+$0x11200] =	vst v3  }
0x2b2: {  	[tilespmem:s31+$0x15200] =	vst v4  }
0x2b3: {  	v3 =	vld [tilespmem:s30+$0xB000]  }
0x2b4: {  	v4 =	vld [tilespmem:s30+$0xB080];
	_ =	sdelay $0x1  }
0x2b5: {  	v5 =	vld [tilespmem:s30+$0xB100];
	_ =	sdelay $0x1  }
0x2b6: {  	v6 =	vmul.f32 v3, v3;
	v7 =	vld [tilespmem:s30+$0xB180]  }
0x2b7: {  	v8 =	vmax.f32 v3, v4;
	v3 =	vadd.f32 v4, v3;
	v4 =	vmul.f32 v4, v4  }
0x2b8: {  	v9 =	vld [tilespmem:s30+$0xB200]  }
0x2b9: {  	v4 =	vadd.f32 v4, v6;
	v3 =	vadd.f32 v5, v3;
	v6 =	vmul.f32 v5, v5  }
0x2ba: {  	v5 =	vmax.f32 v8, v5;
	v8 =	vld [tilespmem:s30+$0xB280]  }
0x2bb: {  	v4 =	vadd.f32 v6, v4;
	v3 =	vadd.f32 v7, v3;
	v6 =	vmul.f32 v7, v7  }
0x2bc: {  	v5 =	vmax.f32 v5, v7;
	v7 =	vld [tilespmem:s30+$0xB300]  }
0x2bd: {  	v4 =	vadd.f32 v6, v4;
	v3 =	vadd.f32 v9, v3;
	v6 =	vmul.f32 v9, v9;
	v10 =	vld [tilespmem:s30+$0xB380]  }
0x2be: {  	v5 =	vmax.f32 v5, v9  }
0x2bf: {  	v4 =	vadd.f32 v6, v4;
	v3 =	vadd.f32 v8, v3;
	v6 =	vmul.f32 v8, v8;
	v9 =	vld [tilespmem:s30+$0xC000]  }
0x2c0: {  	v5 =	vmax.f32 v5, v8;
	v8 =	vld [tilespmem:s30+$0xC080]  }
0x2c1: {  	v4 =	vadd.f32 v6, v4;
	v3 =	vadd.f32 v7, v3;
	v6 =	vmul.f32 v7, v7;
	v11 =	vld [tilespmem:s30+$0xC100]  }
0x2c2: {  	v5 =	vmax.f32 v5, v7;
	v7 =	vmul.f32 v10, v10;
	v12 =	vld [tilespmem:s30+$0xC180]  }
0x2c3: {  	v5 =	vmax.f32 v5, v10;
	v4 =	vadd.f32 v6, v4;
	v3 =	vadd.f32 v10, v3;
	v6 =	vld [tilespmem:s30+$0xC200]  }
0x2c4: {  	v5 =	vmax.f32 v5, v9;
	v10 =	vmul.f32 v9, v9;
	v13 =	vld [tilespmem:s30+$0xC280]  }
0x2c5: {  	v4 =	vadd.f32 v7, v4;
	v3 =	vadd.f32 v9, v3;
	v5 =	vmax.f32 v5, v8;
	v7 =	vld [tilespmem:s30+$0xC300]  }
0x2c6: {  	v9 =	vmul.f32 v8, v8;
	v5 =	vmax.f32 v5, v11;
	v14 =	vld [tilespmem:s30+$0xC380]  }
0x2c7: {  	v4 =	vadd.f32 v10, v4;
	v3 =	vadd.f32 v8, v3;
	v5 =	vmax.f32 v5, v12  }
0x2c8: {  	v8 =	vmul.f32 v11, v11;
	v5 =	vmax.f32 v5, v6  }
0x2c9: {  	v4 =	vadd.f32 v9, v4;
	v3 =	vadd.f32 v11, v3;
	v5 =	vmax.f32 v5, v13  }
0x2ca: {  	v9 =	vmul.f32 v12, v12;
	v5 =	vmax.f32 v5, v7  }
0x2cb: {  	v4 =	vadd.f32 v8, v4;
	v3 =	vadd.f32 v12, v3;
	v5 =	vmax.f32 v5, v14  }
0x2cc: {  	[tilespmem:s31+$0x11280] =	vst v5  }
0x2cd: {  	v5 =	vmul.f32 v6, v6;
	v4 =	vadd.f32 v9, v4;
	v3 =	vadd.f32 v6, v3;
	_ =	sdelay $0x1  }
0x2ce: {  	v4 =	vadd.f32 v5, v4;
	v3 =	vadd.f32 v13, v3;
	v5 =	vmul.f32 v13, v13;
	_ =	sdelay $0x1  }
0x2cf: {  	v4 =	vadd.f32 v5, v4;
	v3 =	vadd.f32 v7, v3;
	v5 =	vmul.f32 v7, v7;
	_ =	sdelay $0x1  }
0x2d0: {  	v4 =	vadd.f32 v5, v4;
	v3 =	vadd.f32 v14, v3;
	v5 =	vmul.f32 v14, v14;
	_ =	sdelay $0x1  }
0x2d1: {  	v4 =	vadd.f32 v5, v4;
	[tilespmem:s31+$0x13280] =	vst v3;
	_ =	sdelay $0x1  }
0x2d2: {  	[tilespmem:s31+$0x15280] =	vst v4  }
0x2d3: {  	v3 =	vld [tilespmem:s30+$0xD000]  }
0x2d4: {  	v4 =	vld [tilespmem:s30+$0xD080]  }
0x2d5: {  	v5 =	vld [tilespmem:s30+$0xD100]  }
0x2d6: {  	v6 =	vld [tilespmem:s30+$0xD300]  }
0x2d7: {  	v7 =	vld [tilespmem:s30+$0xD380]  }
0x2d8: {  	v8 =	vld [tilespmem:s30+$0xD180]  }
0x2d9: {  	v9 =	vmul.f32 v3, v3;
	v10 =	vadd.f32 v4, v3;
	v11 =	vmul.f32 v4, v4;
	v12 =	vld [tilespmem:s30+$0xE000]  }
0x2da: {  	v3 =	vmax.f32 v3, v4;
	v4 =	vld [tilespmem:s30+$0xD200]  }
0x2db: {  	v9 =	vadd.f32 v11, v9;
	v10 =	vadd.f32 v5, v10;
	v11 =	vmul.f32 v5, v5;
	v13 =	vld [tilespmem:s30+$0xE080]  }
0x2dc: {  	v3 =	vmax.f32 v3, v5;
	v5 =	vld [tilespmem:s30+$0xD280]  }
0x2dd: {  	v9 =	vadd.f32 v11, v9;
	v10 =	vadd.f32 v8, v10;
	v11 =	vmul.f32 v8, v8  }
0x2de: {  	v3 =	vmax.f32 v3, v8  }
0x2df: {  	v8 =	vadd.f32 v11, v9;
	v9 =	vadd.f32 v4, v10;
	v10 =	vmul.f32 v4, v4  }
0x2e0: {  	v3 =	vmax.f32 v3, v4  }
0x2e1: {  	v4 =	vadd.f32 v10, v8;
	v8 =	vadd.f32 v5, v9;
	v9 =	vmul.f32 v5, v5  }
0x2e2: {  	v3 =	vmax.f32 v3, v5  }
0x2e3: {  	v4 =	vadd.f32 v9, v4;
	v5 =	vadd.f32 v6, v8;
	v8 =	vmul.f32 v6, v6  }
0x2e4: {  	v3 =	vmax.f32 v3, v6  }
0x2e5: {  	v6 =	vmul.f32 v7, v7;
	v4 =	vadd.f32 v8, v4;
	v5 =	vadd.f32 v7, v5;
	v8 =	vld [tilespmem:s30+$0xE100]  }
0x2e6: {  	v3 =	vmax.f32 v3, v7;
	v7 =	vmul.f32 v12, v12;
	v9 =	vld [tilespmem:s30+$0xE180]  }
0x2e7: {  	v3 =	vmax.f32 v3, v12;
	v4 =	vadd.f32 v6, v4;
	v5 =	vadd.f32 v12, v5;
	v6 =	vld [tilespmem:s30+$0xE200]  }
0x2e8: {  	v3 =	vmax.f32 v3, v13;
	v10 =	vld [tilespmem:s30+$0xE280]  }
0x2e9: {  	v4 =	vadd.f32 v7, v4;
	v5 =	vadd.f32 v13, v5;
	v7 =	vmul.f32 v13, v13;
	v11 =	vld [tilespmem:s30+$0xE300]  }
0x2ea: {  	v3 =	vmax.f32 v3, v8;
	v12 =	vmul.f32 v8, v8;
	v13 =	vld [tilespmem:s30+$0xE380]  }
0x2eb: {  	v4 =	vadd.f32 v7, v4;
	v5 =	vadd.f32 v8, v5;
	v3 =	vmax.f32 v3, v9  }
0x2ec: {  	v7 =	vmul.f32 v9, v9;
	v3 =	vmax.f32 v3, v6  }
0x2ed: {  	v4 =	vadd.f32 v12, v4;
	v5 =	vadd.f32 v9, v5;
	v3 =	vmax.f32 v3, v10  }
0x2ee: {  	v8 =	vmul.f32 v6, v6;
	v3 =	vmax.f32 v3, v11  }
0x2ef: {  	v4 =	vadd.f32 v7, v4;
	v5 =	vadd.f32 v6, v5;
	v3 =	vmax.f32 v3, v13  }
0x2f0: {  	[tilespmem:s31+$0x11300] =	vst v3  }
0x2f1: {  	v3 =	vadd.f32 v8, v4;
	v4 =	vadd.f32 v10, v5;
	v5 =	vmul.f32 v10, v10;
	_ =	sdelay $0x1  }
0x2f2: {  	v3 =	vadd.f32 v5, v3;
	v4 =	vadd.f32 v11, v4;
	v5 =	vmul.f32 v11, v11;
	_ =	sdelay $0x1  }
0x2f3: {  	v3 =	vadd.f32 v5, v3;
	v4 =	vadd.f32 v13, v4;
	v5 =	vmul.f32 v13, v13;
	_ =	sdelay $0x1  }
0x2f4: {  	v3 =	vadd.f32 v5, v3;
	[tilespmem:s31+$0x13300] =	vst v4;
	_ =	sdelay $0x1  }
0x2f5: {  	[tilespmem:s31+$0x15300] =	vst v3  }
0x2f6: {  	v3 =	vld [tilespmem:s30+$0xF000]  }
0x2f7: {  	v4 =	vld [tilespmem:s30+$0xF080]  }
0x2f8: {  	v5 =	vld [tilespmem:s30+$0xF100]  }
0x2f9: {  	v6 =	vld [tilespmem:s30+$0xF180]  }
0x2fa: {  	v7 =	vld [tilespmem:s30+$0xF200]  }
0x2fb: {  	v8 =	vmul.f32 v3, v3;
	v9 =	vld [tilespmem:s30+$0xF280]  }
0x2fc: {  	v10 =	vmax.f32 v3, v4;
	v3 =	vadd.f32 v4, v3;
	v4 =	vmul.f32 v4, v4;
	v11 =	vld [tilespmem:s30+$0xF300]  }
0x2fd: {  	v10 =	vmax.f32 v10, v5;
	v12 =	vld [tilespmem:s30+$0xF380]  }
0x2fe: {  	v4 =	vadd.f32 v4, v8;
	v3 =	vadd.f32 v5, v3;
	v5 =	vmul.f32 v5, v5;
	v8 =	vld [tilespmem:s30+$0x10000]  }
0x2ff: {  	v10 =	vmax.f32 v10, v6;
	v13 =	vld [tilespmem:s30+$0x10080]  }
0x300: {  	v4 =	vadd.f32 v5, v4;
	v3 =	vadd.f32 v6, v3;
	v5 =	vmul.f32 v6, v6;
	v14 =	vld [tilespmem:s30+$0x10100]  }
0x301: {  	v6 =	vmax.f32 v10, v7;
	v15 =	vld [tilespmem:s30+$0x10180]  }
0x302: {  	v10 =	vadd.f32 v5, v4;
	v3 =	vadd.f32 v7, v3;
	v7 =	vmul.f32 v7, v7;
	v5 =	vld [tilespmem:s30+$0x10200]  }
0x303: {  	v6 =	vmax.f32 v6, v9;
	v4 =	vld [tilespmem:s30+$0x10280]  }
0x304: {  	v7 =	vadd.f32 v7, v10;
	v10 =	vadd.f32 v9, v3;
	v9 =	vmul.f32 v9, v9;
	v3 =	vld [tilespmem:s30+$0x10300]  }
0x305: {  	v16 =	vmax.f32 v6, v11;
	v6 =	vld [tilespmem:s30+$0x10380]  }
0x306: {  	v7 =	vadd.f32 v9, v7;
	v9 =	vadd.f32 v11, v10;
	v10 =	vmul.f32 v11, v11  }
0x307: {  	v11 =	vmax.f32 v16, v12  }
0x308: {  	v7 =	vadd.f32 v10, v7;
	v9 =	vadd.f32 v12, v9;
	v10 =	vmul.f32 v12, v12  }
0x309: {  	v11 =	vmax.f32 v11, v8  }
0x30a: {  	v7 =	vadd.f32 v10, v7;
	v9 =	vadd.f32 v8, v9;
	v8 =	vmul.f32 v8, v8  }
0x30b: {  	v10 =	vmax.f32 v11, v13;
	v11 =	vmul.f32 v13, v13  }
.Ltmp4:
0x30c: {  	v7 =	vadd.f32 v8, v7;
	v8 =	vadd.f32 v13, v9;
	v9 =	vmax.f32 v10, v14;
	(pc) =	sbr.rel @p1 .LBB2_7-.Ltmp4, $4  }
0x30d: {  	v10 =	vmul.f32 v14, v14;
	v9 =	vmax.f32 v9, v15  }
0x30e: {  	v7 =	vadd.f32 v11, v7;
	v11 =	vadd.f32 v14, v8;
	v9 =	vmax.f32 v9, v5  }
0x30f: {  	v8 =	vmul.f32 v15, v15;
	v12 =	vmax.f32 v9, v4  }
0x310: {  	v10 =	vadd.f32 v10, v7;
	v9 =	vadd.f32 v15, v11;
	v7 =	vmax.f32 v12, v3  }
0x311: {  	_ = 	snop  }
0x312: {  	v55 =	vmul.f32 v5, v5;
	v8 =	vadd.f32 v8, v10  }
0x313: {  	v56 =	vadd.f32 v5, v9  }
0x314: {  	v57 =	vmul.f32 v4, v4;
	v8 =	vadd.f32 v55, v8  }
0x315: {  	v58 =	vadd.f32 v4, v56  }
0x316: {  	v60 =	vmul.f32 v3, v3;
	v59 =	vadd.f32 v57, v8  }
0x317: {  	v3 =	vadd.f32 v3, v58  }
0x318: {  	v62 =	vmul.f32 v6, v6;
	v61 =	vadd.f32 v60, v59  }
0x319: {  	p1 =	seq.s32 s23, $0x0;
	v63 =	vmax.f32 v7, v6;
	s0 =	sor.u32 s28, s26;
	v3 =	vadd.f32 v6, v3  }
0x31a: {  	s1 =	sshll.u32 @!p1 s22, $0x9;
	[tilespmem:s0+$0x11000] =	vst v63;
	v4 =	vadd.f32 v62, v61  }
0x31b: {  	s1 =	sand.u32 @!p1 $0x1C00, s1;
	[tilespmem:s0+$0x13000] =	vst v3  }
0x31c: {  	s1 =	sor.u32 @!p1 s7, s1;
	[tilespmem:s0+$0x15000] =	vst v4;
	s0 =	rddreg [dreg:$0x1]  }
0x31d: {  	s2 =	simm.s32 @!p1 $0x0;
	s23 =	simm.s32 @!p1 $0x11000;
	s0 =	sadd.s32 @!p1 s0, s1  }
0x31e: {  	[hbm4b:s0+s2] =	stream.linear.scatter @!p1 [tilespmem:s23], [sflag:$0x3], $0x2000, $0x38;
	[tilespmem:$0x17000] =	vst v63  }
0x31f: {  	s0 =	simm.s32 @!p1 $0x3  }
0x320: {  	_ =	swait.ge @!p1 [sflag:s0], $0x2000  }
0x321: {  	[sflag:s0] =	ssyncset.done @!p1 $0x0  }
0x322: {  	s24 =	simm.s32 @!p1 $0x13000;
	s23 =	sadd.s32 @!p1 s5, s1;
	[sflag:s0] =	ssyncadd.s32 @!p1 $0xFFFFE000  }
0x323: {  	[hbm4b:s23+s2] =	stream.linear.scatter @!p1 [tilespmem:s24], [sflag:$0x3], $0x2000, $0x38;
	[tilespmem:$0x17000] =	vst v63  }
0x324: {  	_ =	swait.ge @!p1 [sflag:s0], $0x2000  }
0x325: {  	s1 =	sadd.s32 @!p1 s6, s1;
	[sflag:s0] =	ssyncset.done @!p1 $0x0  }
.Ltmp5:
0x326: {  	s23 =	simm.s32 @!p1 $0x15000;
	[sflag:s0] =	ssyncadd.s32 @!p1 $0xFFFFE000;
	(pc) =	sbr.rel @p0 .LBB2_10-.Ltmp5, $4  }
0x327: {  	[hbm4b:s1+s2] =	stream.linear.scatter @!p1 [tilespmem:s23], [sflag:$0x3], $0x2000, $0x38;
	[tilespmem:$0x17000] =	vst v63  }
0x328: {  	_ =	swait.ge @!p1 [sflag:s0], $0x2000  }
0x329: {  	[sflag:s0] =	ssyncset.done @!p1 $0x0  }
0x32a: {  	[sflag:s0] =	ssyncadd.s32 @!p1 $0xFFFFE000  }
0x32b: {  	s0 =	sshll.u32 s22, $0x8  }
0x32c: {  	s0 =	sand.u32 $0x3FFFFF00, s0  }
0x32d: {  	v3 =	vld [tilespmem:s0+$0x180];
	_ =	sdelay $0x4  }
0x32e: {  	v4 =	vshll.u32 v3, $0x2  }
0x32f: {  	v3 =	vand.u32 $0x7, v3;
	v4 =	vand.u32 $0xFFFFFFE0, v4  }
0x330: {  	v3 =	vor.u32 v3, v4  }
0x331: {  	v4 =	vperm.xlane v3, v0;
	_ =	sdelay $0x1  }
0x332: {  	v4 =	vadd.s32 v1, v4;
	_ =	sdelay $0x1  }
0x333: {  	v3 =	vperm.xlane v3, v2;
	_ =	sdelay $0x1  }
0x334: {  	s1 =	simm.s32 $0x9000;
	v3 =	vadd.s32 v1, v3  }
0x335: {  	[tilespmem:s1], [sflag:$0x2] =	stream.indirect_vreg.gather [hbm4b:s4+s3], $0x80, v4, vm0, $0xb8;
	[tilespmem:$0x17000] =	vst v63  }
0x336: {  	s28 =	simm.s32 $0x9800  }
0x337: {  	[tilespmem:s28], [sflag:$0x2] =	stream.indirect_vreg.gather [hbm4b:s9+s3], $0x80, v4, vm0, $0xb8;
	[tilespmem:$0x17000] =	vst v63  }
0x338: {  	s29 =	simm.s32 $0xA000  }
0x339: {  	[tilespmem:s29], [sflag:$0x2] =	stream.indirect_vreg.gather [hbm4b:s4+s3], $0x80, v3, vm0, $0xb8;
	[tilespmem:$0x17000] =	vst v63  }
0x33a: {  	s30 =	simm.s32 $0xA800  }
0x33b: {  	[tilespmem:s30], [sflag:$0x2] =	stream.indirect_vreg.gather [hbm4b:s9+s3], $0x80, v3, vm0, $0xb8;
	[tilespmem:$0x17000] =	vst v63  }
0x33c: {  	v3 =	vld [tilespmem:s0+$0x190];
	_ =	sdelay $0x4  }
0x33d: {  	v61 =	vshll.u32 v3, $0x2  }
0x33e: {  	v3 =	vand.u32 $0x7, v3;
	v4 =	vand.u32 $0xFFFFFFE0, v61  }
0x33f: {  	v3 =	vor.u32 v3, v4  }
0x340: {  	v4 =	vperm.xlane v3, v0;
	_ =	sdelay $0x1  }
0x341: {  	v4 =	vadd.s32 v1, v4;
	_ =	sdelay $0x1  }
0x342: {  	v3 =	vperm.xlane v3, v2;
	_ =	sdelay $0x1  }
0x343: {  	s31 =	simm.s32 $0xB000;
	v3 =	vadd.s32 v1, v3  }
0x344: {  	[tilespmem:s31], [sflag:$0x2] =	stream.indirect_vreg.gather [hbm4b:s4+s3], $0x80, v4, vm0, $0xb8;
	[tilespmem:$0x17000] =	vst v63  }
0x345: {  	_ = 	snop  }
0x346: {  	[tilespmem:s8], [sflag:$0x2] =	stream.indirect_vreg.gather [hbm4b:s9+s3], $0x80, v4, vm0, $0xb8;
	[tilespmem:$0x17000] =	vst v63  }
0x347: {  	_ = 	snop  }
0x348: {  	[tilespmem:s10], [sflag:$0x2] =	stream.indirect_vreg.gather [hbm4b:s4+s3], $0x80, v3, vm0, $0xb8;
	[tilespmem:$0x17000] =	vst v63  }
0x349: {  	_ = 	snop  }
0x34a: {  	[tilespmem:s11], [sflag:$0x2] =	stream.indirect_vreg.gather [hbm4b:s9+s3], $0x80, v3, vm0, $0xb8;
	[tilespmem:$0x17000] =	vst v63  }
0x34b: {  	v3 =	vld [tilespmem:s0+$0x1A0];
	_ =	sdelay $0x4  }
0x34c: {  	v62 =	vshll.u32 v3, $0x2  }
0x34d: {  	v3 =	vand.u32 $0x7, v3;
	v4 =	vand.u32 $0xFFFFFFE0, v62  }
0x34e: {  	v3 =	vor.u32 v3, v4  }
0x34f: {  	v4 =	vperm.xlane v3, v0;
	_ =	sdelay $0x1  }
0x350: {  	v4 =	vadd.s32 v1, v4;
	_ =	sdelay $0x1  }
0x351: {  	v3 =	vperm.xlane v3, v2;
	_ =	sdelay $0x1  }
0x352: {  	v3 =	vadd.s32 v1, v3  }
0x353: {  	[tilespmem:s12], [sflag:$0x2] =	stream.indirect_vreg.gather [hbm4b:s4+s3], $0x80, v4, vm0, $0xb8;
	[tilespmem:$0x17000] =	vst v63  }
0x354: {  	_ = 	snop  }
0x355: {  	[tilespmem:s13], [sflag:$0x2] =	stream.indirect_vreg.gather [hbm4b:s9+s3], $0x80, v4, vm0, $0xb8;
	[tilespmem:$0x17000] =	vst v63  }
0x356: {  	_ = 	snop  }
0x357: {  	[tilespmem:s14], [sflag:$0x2] =	stream.indirect_vreg.gather [hbm4b:s4+s3], $0x80, v3, vm0, $0xb8;
	[tilespmem:$0x17000] =	vst v63  }
0x358: {  	_ = 	snop  }
0x359: {  	[tilespmem:s15], [sflag:$0x2] =	stream.indirect_vreg.gather [hbm4b:s9+s3], $0x80, v3, vm0, $0xb8;
	[tilespmem:$0x17000] =	vst v63  }
0x35a: {  	v3 =	vld [tilespmem:s0+$0x1B0];
	_ =	sdelay $0x4  }
0x35b: {  	v63 =	vshll.u32 v3, $0x2  }
0x35c: {  	v3 =	vand.u32 $0x7, v3;
	v4 =	vand.u32 $0xFFFFFFE0, v63  }
0x35d: {  	v3 =	vor.u32 v3, v4  }
0x35e: {  	v4 =	vperm.xlane v3, v0;
	_ =	sdelay $0x1  }
0x35f: {  	v4 =	vadd.s32 v1, v4;
	_ =	sdelay $0x2  }
0x360: {  	v3 =	vperm.xlane v3, v2;
	_ =	sdelay $0x1  }
0x361: {  	v3 =	vadd.s32 v1, v3;
	[tilespmem:s16], [sflag:$0x2] =	stream.indirect_vreg.gather [hbm4b:s4+s3], $0x80, v4, vm0, $0xb8;
	[tilespmem:$0x17000] =	vst v63  }
0x362: {  	_ = 	snop  }
0x363: {  	[tilespmem:s17], [sflag:$0x2] =	stream.indirect_vreg.gather [hbm4b:s9+s3], $0x80, v4, vm0, $0xb8;
	[tilespmem:$0x17000] =	vst v63  }
.Ltmp6:
0x364: {  	_ = 	snop;
	(pc) =	sbr.rel .LBB2_2-.Ltmp6, $4  }
0x365: {  	_ = 	snop  }
0x366: {  	[tilespmem:s18], [sflag:$0x2] =	stream.indirect_vreg.gather [hbm4b:s4+s3], $0x80, v3, vm0, $0xb8;
	[tilespmem:$0x17000] =	vst v63  }
0x367: {  	s22 =	sadd.s32 $0x1, s22  }
0x368: {  	[tilespmem:s19], [sflag:$0x2] =	stream.indirect_vreg.gather [hbm4b:s9+s3], $0x80, v3, vm0, $0xb8;
	[tilespmem:$0x17000] =	vst v63  }
.LBB2_11:
0x369: {  	_ =	sfence.sel $0x180000  }
0x36a: {  	[bflag:$0x0] =	sbarrier.arrive $0xFFFF  }
0x36b: {  	_ =	strace $0x9000004A  }
0x36c: {  	s0 =	stileid.u32;
	[bflag:$0x2] =	sbarrier.arrive $0xFFFF  }
0x36d: {  	p0 =	sne.s32 s0, $0x0;
	s0 =	rddreg [dreg:$0x2]  }
0x36e: {  	s0 =	sadd.s32 @!p0 $0x100000, s0  }
0x36f: {  	[sflag:s0] =	ssyncadd.tile.s32 @!p0 $0x1;
	_ =	shalt  }
.Lfunc_end2:
_tile_overlayer_lowered:
.L_overlay_start_2:
0x370: {  	(tag) =	ssettag $0x2  }
0x371: {  	s0 =	rddreg [dreg:$0x0];
	s2 =	stileid.u32  }
0x372: {  	s1 =	rddreg [dreg:$0x1];
	p0 =	sne.s32 s2, $0x0  }
0x373: {  	s3 =	rddreg [dreg:$0x2];
	[bflag:$0x3] =	sbarrier.arrive $0xFFFF;
	s2 =	simm.s32 @!p0 $0x1C03  }
0x374: {  	[timem:s3], [sflag:s2] =	dma.local @!p0 [hbm:s0], s1  }
0x375: {  	s0 =	simm.s32 @!p0 $0x3  }
0x376: {  	_ =	swait.ge @!p0 [sflag:s0], s1  }
0x377: {  	s1 =	ssub.s32 @!p0 $0x0, s1;
	[sflag:s0] =	ssyncset.done @!p0 $0x0  }
0x378: {  	[sflag:s0] =	ssyncadd.s32 @!p0 s1  }
0x379: {  	[bflag:$0x3] =	sbarrier.arrive $0xFFFF  }
0x37a: {  	_ =	shalt  }

</sc_bundles>
